<compile_context>
chip_gen: v7x
topology: tpu7x:2x2x1
jax: 0.10.2.dev20260603
libtpu: 0.0.44.dev20260713+nightly
codegen_flags: <defaults>
</compile_context>

<pallas_src>
import functools

import jax
import jax.numpy as jnp
from jax import lax
from jax.experimental import pallas as pl
from jax.experimental.pallas import tpu as pltpu
from jax.experimental.pallas import tpu_sc as plsc

B, C, H, W = 4, 64, 384, 384
L = 16
NC, NS = 2, 16
NW = NC * NS
ROWS = B * H
RPW = ROWS // NW
R = 4
CHUNKS = RPW // R
WPB = H // RPW

_mesh = plsc.VectorSubcoreMesh(core_axis_name="c", subcore_axis_name="s")


@functools.partial(
    pl.kernel,
    mesh=_mesh,
    out_type=jax.ShapeDtypeStruct((B * C * H * W,), jnp.float32),
    scratch_types=[
        pltpu.VMEM((R * W,), jnp.int32),
        pltpu.VMEM((C * R * W,), jnp.float32),
        pltpu.SemaphoreType.DMA,
    ],
    compiler_params=pltpu.CompilerParams(
        use_tc_tiling_on_sc=False, needs_layout_passes=False),
)
def _one_hot_sc(x_hbm, out_hbm, x_v, buf, sem):
    wid = lax.axis_index("s") * NC + lax.axis_index("c")
    b = wid // WPB
    i_base = (wid % WPB) * RPW

    zeros = jnp.zeros((L,), jnp.float32)
    ones = jnp.ones((L,), jnp.float32)

    def _zero(t, carry):
        buf[pl.ds(t * L, L)] = zeros
        return carry
    lax.fori_loop(0, C * R * W // L, _zero, 0)

    def _scatter(val):
        def _p(p, carry):
            xv = x_v[pl.ds(p * L, L)]
            flat = xv * (R * W) + p * L + lax.iota(jnp.int32, L)
            plsc.store_scatter(buf, [flat], val)
            return carry
        lax.fori_loop(0, R * W // L, _p, 0)

    def _chunk(k, carry):
        row0 = (wid * RPW + k * R) * W
        i0 = i_base + k * R
        pltpu.sync_copy(x_hbm.at[pl.ds(row0, R * W)], x_v)
        _scatter(ones)
        copies = []
        for c in range(C):
            dst = ((b * C + c) * H + i0) * W
            copies.append(pltpu.async_copy(
                buf.at[pl.ds(c * R * W, R * W)],
                out_hbm.at[pl.ds(dst, R * W)], sem))
        for cp in copies:
            cp.wait()
        _scatter(zeros)
        return carry
    lax.fori_loop(0, CHUNKS, _chunk, 0)


def kernel(x):
    return _one_hot_sc(x.reshape(B * H * W)).reshape(B, C, H, W)

# --- scband reference (transcript-rebuilt; emitter-appended) ---
"""Pipeline reference for scband-one-hot-16518444221210 (READ-ONLY COPY).

The authoritative reference and input builder live on the scoring server;
editing this copy changes nothing except your own understanding.
"""

import jax, jax.numpy as jnp
import numpy as np

NUM_CLASSES = 64

def setup_inputs(seed: int = 0) -> dict:
    key = jax.random.key(seed)
    x = jax.random.randint(key, (4, 1, 384, 384), 0, NUM_CLASSES, dtype=jnp.int32)
    return {"x": x}

def reference(x):
    # x = x.to(torch.int64)
    x = x.astype(jnp.int32)
    # x = x.squeeze(-3)  (removes the channel dim of size 1)
    x = jnp.squeeze(x, axis=-3)
    # F.one_hot(x, num_classes).float()
    oh = jax.nn.one_hot(x, NUM_CLASSES, dtype=jnp.float32)
    if oh.ndim == 5:
        oh = jnp.transpose(oh, (0, 1, 4, 2, 3))
    elif oh.ndim == 4:
        oh = jnp.transpose(oh, (0, 3, 1, 2))
    return oh

if __name__ == "__main__":
    import jax
    _d = setup_inputs()
    print(jax.jit(kernel)(*tuple(_d.values())))

</pallas_src>

<mosaic_0001>
#map = affine_map<(d0, d1) -> (0)>
module attributes {stable_mosaic.version = 14 : i64} {
  func.func @_one_hot_sc(%arg0: i32, %arg1: i32, %arg2: memref<589824xi32, #tpu.memory_space<hbm>>, %arg3: memref<37748736xf32, #tpu.memory_space<hbm>>, %arg4: memref<1536xi32, #tpu.memory_space<vmem>>, %arg5: memref<98304xf32, #tpu.memory_space<vmem>>, %arg6: memref<!tpu.dma_semaphore, #tpu.memory_space<semaphore_mem>>) attributes {dimension_semantics = [#tpu.dimension_semantics<core_parallel>, #tpu.dimension_semantics<subcore_parallel>], iteration_bounds = array<i64: 2, 16>, scalar_prefetch = 0 : i64, scratch_operands = 3 : i64, tpu.core_type = #tpu.core_type<sc_vector_subcore>, window_params = [{transform_indices = #map}, {transform_indices = #map}]} {
    %mul3A = arith.constant 2 : i32
    %mul3A_0 = arith.muli %arg1, %mul3A : i32
    %add3A = arith.addi %mul3A_0, %arg0 : i32
    %jit3A = arith.constant 8 : i32
    %div3A = arith.divsi %add3A, %jit3A : i32
    %sign3A = arith.constant 0 : i32
    %sign3A_1 = arith.cmpi sgt, %add3A, %sign3A : i32
    %sign3A_2 = arith.extui %sign3A_1 : i1 to i32
    %sign3A_3 = arith.constant 0 : i32
    %sign3A_4 = arith.cmpi slt, %add3A, %sign3A_3 : i32
    %sign3A_5 = arith.extui %sign3A_4 : i1 to i32
    %sign3A_6 = arith.subi %sign3A_2, %sign3A_5 : i32
    %sign3A_7 = arith.constant 0 : i32
    %sign3A_8 = arith.cmpi sgt, %jit3A, %sign3A_7 : i32
    %sign3A_9 = arith.extui %sign3A_8 : i1 to i32
    %sign3A_10 = arith.constant 0 : i32
    %sign3A_11 = arith.cmpi slt, %jit3A, %sign3A_10 : i32
    %sign3A_12 = arith.extui %sign3A_11 : i1 to i32
    %sign3A_13 = arith.subi %sign3A_9, %sign3A_12 : i32
    %ne3A = arith.cmpi ne, %sign3A_6, %sign3A_13 : i32
    %rem3A = arith.remsi %add3A, %jit3A : i32
    %ne3A_14 = arith.constant 0 : i32
    %ne3A_15 = arith.cmpi ne, %rem3A, %ne3A_14 : i32
    %and3A = arith.andi %ne3A, %ne3A_15 : i1
    %sub3A = arith.constant 1 : i32
    %sub3A_16 = arith.subi %div3A, %sub3A : i32
    %select_n3A = arith.select %and3A, %sub3A_16, %div3A : i32
    %jit3A_17 = arith.constant 8 : i32
    %eq3A = arith.constant 0 : i32
    %eq3A_18 = arith.cmpi eq, %jit3A_17, %eq3A : i32
    %jit3A_19 = arith.constant 1 : i32
    %select_n3A_20 = arith.select %eq3A_18, %jit3A_19, %jit3A_17 : i32
    %rem3A_21 = arith.remsi %add3A, %select_n3A_20 : i32
    %ne3A_22 = arith.constant 0 : i32
    %ne3A_23 = arith.cmpi ne, %rem3A_21, %ne3A_22 : i32
    %lt3A = arith.constant 0 : i32
    %lt3A_24 = arith.cmpi slt, %rem3A_21, %lt3A : i32
    %lt3A_25 = arith.constant 0 : i32
    %lt3A_26 = arith.cmpi slt, %select_n3A_20, %lt3A_25 : i32
    %ne3A_27 = arith.xori %lt3A_24, %lt3A_26 : i1
    %and3A_28 = arith.andi %ne3A_27, %ne3A_23 : i1
    %add3A_29 = arith.addi %rem3A_21, %select_n3A_20 : i32
    %select_n3A_30 = arith.select %and3A_28, %add3A_29, %rem3A_21 : i32
    %mul3A_31 = arith.constant 48 : i32
    %mul3A_32 = arith.muli %select_n3A_30, %mul3A_31 : i32
    %broadcast_in_dim3A = arith.constant 0.000000e+00 : f32
    %broadcast_in_dim3A_33 = vector.broadcast %broadcast_in_dim3A : f32 to vector<16xf32>
    %broadcast_in_dim3A_34 = arith.constant 1.000000e+00 : f32
    %broadcast_in_dim3A_35 = vector.broadcast %broadcast_in_dim3A_34 : f32 to vector<16xf32>
    %scan3A = arith.constant 0 : i32
    %scan3A_36 = arith.constant 0 : i32
    %scan3A_37 = arith.constant 6144 : i32
    %scan3A_38 = arith.addi %scan3A_36, %scan3A_37 : i32
    %scan3A_39 = arith.constant 1 : i32
    scf.for %scan3A_47 = %scan3A_36 to %scan3A_38 step %scan3A_39  : i32 {
      %mul3A_48 = arith.constant 16 : i32
      %mul3A_49 = arith.muli %scan3A_47, %mul3A_48 : i32
      %swap3A = arith.index_cast %mul3A_49 : i32 to index
      %swap3A_50 = tpu.vector_load %arg5[%swap3A] {strides = array<i32>} : memref<98304xf32, #tpu.memory_space<vmem>>, vector<16xf32>,
      tpu.vector_store %arg5[%swap3A], %broadcast_in_dim3A_33 {strides = array<i32>} : memref<98304xf32, #tpu.memory_space<vmem>>, vector<16xf32>,
    }
    %scan3A_40 = arith.constant 6144 : i32
    %scan3A_41 = arith.constant 0 : i32
    %scan3A_42 = arith.constant 0 : i32
    %scan3A_43 = arith.constant 12 : i32
    %scan3A_44 = arith.addi %scan3A_42, %scan3A_43 : i32
    %scan3A_45 = arith.constant 1 : i32
    scf.for %scan3A_47 = %scan3A_42 to %scan3A_44 step %scan3A_45  : i32 {
      %mul3A_48 = arith.constant 48 : i32
      %mul3A_49 = arith.muli %add3A, %mul3A_48 : i32
      %mul3A_50 = arith.constant 4 : i32
      %mul3A_51 = arith.muli %scan3A_47, %mul3A_50 : i32
      %add3A_52 = arith.addi %mul3A_49, %mul3A_51 : i32
      %mul3A_53 = arith.constant 384 : i32
      %mul3A_54 = arith.muli %add3A_52, %mul3A_53 : i32
      %mul3A_55 = arith.constant 4 : i32
      %mul3A_56 = arith.muli %scan3A_47, %mul3A_55 : i32
      %add3A_57 = arith.addi %mul3A_32, %mul3A_56 : i32
      "tpu.region"() ({
        %run_scoped3A = tpu.sem_alloc : memref<!tpu.dma_semaphore, #tpu.memory_space<semaphore_mem>>
        %dma_start3A_1412 = tpu.memref_slice %arg2[%mul3A_54] : memref<589824xi32, #tpu.memory_space<hbm>> -> memref<1536xi32, #tpu.memory_space<hbm>>
        %dma_start3A_1413 = tpu.memref_slice %arg2[%mul3A_54] : memref<589824xi32, #tpu.memory_space<hbm>> -> memref<1536xi32, #tpu.memory_space<hbm>>
        tpu.enqueue_dma source(%dma_start3A_1413 : memref<1536xi32, #tpu.memory_space<hbm>>) target(%arg4 : memref<1536xi32, #tpu.memory_space<vmem>>) target_semaphore(%run_scoped3A : memref<!tpu.dma_semaphore, #tpu.memory_space<semaphore_mem>>)
        %dma_wait3A_1414 = tpu.memref_slice %arg2[%mul3A_54] : memref<589824xi32, #tpu.memory_space<hbm>> -> memref<1536xi32, #tpu.memory_space<hbm>>
        %dma_wait3A_1415 = tpu.memref_slice %arg2[%mul3A_54] : memref<589824xi32, #tpu.memory_space<hbm>> -> memref<1536xi32, #tpu.memory_space<hbm>>
        tpu.wait_dma2 semaphore(%run_scoped3A : memref<!tpu.dma_semaphore, #tpu.memory_space<semaphore_mem>>) src(%dma_wait3A_1415 : memref<1536xi32, #tpu.memory_space<hbm>>) dst(%arg4 : memref<1536xi32, #tpu.memory_space<vmem>>)
        tpu.yield
      }) : () -> ()
      %scan3A_58 = arith.constant 0 : i32
      %scan3A_59 = arith.constant 0 : i32
      %scan3A_60 = arith.constant 96 : i32
      %scan3A_61 = arith.addi %scan3A_59, %scan3A_60 : i32
      %scan3A_62 = arith.constant 1 : i32
      scf.for %scan3A_1412 = %scan3A_59 to %scan3A_61 step %scan3A_62  : i32 {
        %mul3A_1413 = arith.constant 16 : i32
        %mul3A_1414 = arith.muli %scan3A_1412, %mul3A_1413 : i32
        %get3A = arith.index_cast %mul3A_1414 : i32 to index
        %get3A_1415 = tpu.vector_load %arg4[%get3A] {strides = array<i32>} : memref<1536xi32, #tpu.memory_space<vmem>>, vector<16xi32>,
        %mul3A_1416 = arith.constant 1536 : i32
        %mul3A_1417 = vector.broadcast %mul3A_1416 : i32 to vector<16xi32>
        %mul3A_1418 = arith.muli %get3A_1415, %mul3A_1417 : vector<16xi32>
        %mul3A_1419 = arith.constant 16 : i32
        %mul3A_1420 = arith.muli %scan3A_1412, %mul3A_1419 : i32
        %add3A_1421 = vector.broadcast %mul3A_1420 : i32 to vector<16xi32>
        %add3A_1422 = arith.addi %mul3A_1418, %add3A_1421 : vector<16xi32>
        %iota3A = tpu.iota {dimensions = array<i32: 0>} : vector<16xi32>
        %add3A_1423 = arith.addi %add3A_1422, %iota3A : vector<16xi32>
        tpu.vector_store_idx %arg5[%add3A_1423], %broadcast_in_dim3A_35 : memref<98304xf32, #tpu.memory_space<vmem>>[vector<16xi32>], vector<16xf32>,
      }
      %scan3A_63 = arith.constant 96 : i32
      %mul3A_64 = arith.constant 64 : i32
      %mul3A_65 = arith.muli %select_n3A, %mul3A_64 : i32
      %add3A_66 = arith.constant 0 : i32
      %add3A_67 = arith.addi %mul3A_65, %add3A_66 : i32
      %mul3A_68 = arith.constant 384 : i32
      %mul3A_69 = arith.muli %add3A_67, %mul3A_68 : i32
      %add3A_70 = arith.addi %mul3A_69, %add3A_57 : i32
      %mul3A_71 = arith.constant 384 : i32
      %mul3A_72 = arith.muli %add3A_70, %mul3A_71 : i32
      %dma_start3A = arith.constant 0 : i32
      %dma_start3A_73 = tpu.memref_slice %arg5[%dma_start3A] : memref<98304xf32, #tpu.memory_space<vmem>> -> memref<1536xf32, #tpu.memory_space<vmem>>
      %dma_start3A_74 = tpu.memref_slice %arg3[%mul3A_72] : memref<37748736xf32, #tpu.memory_space<hbm>> -> memref<1536xf32, #tpu.memory_space<hbm>>
      %dma_start3A_75 = tpu.memref_slice %arg3[%mul3A_72] : memref<37748736xf32, #tpu.memory_space<hbm>> -> memref<1536xf32, #tpu.memory_space<hbm>>
      %dma_start3A_76 = arith.constant 0 : i32
      %dma_start3A_77 = tpu.memref_slice %arg5[%dma_start3A_76] : memref<98304xf32, #tpu.memory_space<vmem>> -> memref<1536xf32, #tpu.memory_space<vmem>>
      tpu.enqueue_dma source(%dma_start3A_77 : memref<1536xf32, #tpu.memory_space<vmem>>) target(%dma_start3A_75 : memref<1536xf32, #tpu.memory_space<hbm>>) target_semaphore(%arg6 : memref<!tpu.dma_semaphore, #tpu.memory_space<semaphore_mem>>)
      %mul3A_78 = arith.constant 64 : i32
      %mul3A_79 = arith.muli %select_n3A, %mul3A_78 : i32
      %add3A_80 = arith.constant 1 : i32
      %add3A_81 = arith.addi %mul3A_79, %add3A_80 : i32
      %mul3A_82 = arith.constant 384 : i32
      %mul3A_83 = arith.muli %add3A_81, %mul3A_82 : i32
      %add3A_84 = arith.addi %mul3A_83, %add3A_57 : i32
      %mul3A_85 = arith.constant 384 : i32
      %mul3A_86 = arith.muli %add3A_84, %mul3A_85 : i32
      %dma_start3A_87 = arith.constant 1536 : i32
      %dma_start3A_88 = tpu.memref_slice %arg5[%dma_start3A_87] : memref<98304xf32, #tpu.memory_space<vmem>> -> memref<1536xf32, #tpu.memory_space<vmem>>
      %dma_start3A_89 = tpu.memref_slice %arg3[%mul3A_86] : memref<37748736xf32, #tpu.memory_space<hbm>> -> memref<1536xf32, #tpu.memory_space<hbm>>
      %dma_start3A_90 = tpu.memref_slice %arg3[%mul3A_86] : memref<37748736xf32, #tpu.memory_space<hbm>> -> memref<1536xf32, #tpu.memory_space<hbm>>
      %dma_start3A_91 = arith.constant 1536 : i32
      %dma_start3A_92 = tpu.memref_slice %arg5[%dma_start3A_91] : memref<98304xf32, #tpu.memory_space<vmem>> -> memref<1536xf32, #tpu.memory_space<vmem>>
      tpu.enqueue_dma source(%dma_start3A_92 : memref<1536xf32, #tpu.memory_space<vmem>>) target(%dma_start3A_90 : memref<1536xf32, #tpu.memory_space<hbm>>) target_semaphore(%arg6 : memref<!tpu.dma_semaphore, #tpu.memory_space<semaphore_mem>>)
      %mul3A_93 = arith.constant 64 : i32
      %mul3A_94 = arith.muli %select_n3A, %mul3A_93 : i32
      %add3A_95 = arith.constant 2 : i32
      %add3A_96 = arith.addi %mul3A_94, %add3A_95 : i32
      %mul3A_97 = arith.constant 384 : i32
      %mul3A_98 = arith.muli %add3A_96, %mul3A_97 : i32
      %add3A_99 = arith.addi %mul3A_98, %add3A_57 : i32
      %mul3A_100 = arith.constant 384 : i32
      %mul3A_101 = arith.muli %add3A_99, %mul3A_100 : i32
      %dma_start3A_102 = arith.constant 3072 : i32
      %dma_start3A_103 = tpu.memref_slice %arg5[%dma_start3A_102] : memref<98304xf32, #tpu.memory_space<vmem>> -> memref<1536xf32, #tpu.memory_space<vmem>>
      %dma_start3A_104 = tpu.memref_slice %arg3[%mul3A_101] : memref<37748736xf32, #tpu.memory_space<hbm>> -> memref<1536xf32, #tpu.memory_space<hbm>>
      %dma_start3A_105 = tpu.memref_slice %arg3[%mul3A_101] : memref<37748736xf32, #tpu.memory_space<hbm>> -> memref<1536xf32, #tpu.memory_space<hbm>>
      %dma_start3A_106 = arith.constant 3072 : i32
      %dma_start3A_107 = tpu.memref_slice %arg5[%dma_start3A_106] : memref<98304xf32, #tpu.memory_space<vmem>> -> memref<1536xf32, #tpu.memory_space<vmem>>
      tpu.enqueue_dma source(%dma_start3A_107 : memref<1536xf32, #tpu.memory_space<vmem>>) target(%dma_start3A_105 : memref<1536xf32, #tpu.memory_space<hbm>>) target_semaphore(%arg6 : memref<!tpu.dma_semaphore, #tpu.memory_space<semaphore_mem>>)
      %mul3A_108 = arith.constant 64 : i32
      %mul3A_109 = arith.muli %select_n3A, %mul3A_108 : i32
      %add3A_110 = arith.constant 3 : i32
      %add3A_111 = arith.addi %mul3A_109, %add3A_110 : i32
      %mul3A_112 = arith.constant 384 : i32
      %mul3A_113 = arith.muli %add3A_111, %mul3A_112 : i32
      %add3A_114 = arith.addi %mul3A_113, %add3A_57 : i32
      %mul3A_115 = arith.constant 384 : i32
      %mul3A_116 = arith.muli %add3A_114, %mul3A_115 : i32
      %dma_start3A_117 = arith.constant 4608 : i32
      %dma_start3A_118 = tpu.memref_slice %arg5[%dma_start3A_117] : memref<98304xf32, #tpu.memory_space<vmem>> -> memref<1536xf32, #tpu.memory_space<vmem>>
      %dma_start3A_119 = tpu.memref_slice %arg3[%mul3A_116] : memref<37748736xf32, #tpu.memory_space<hbm>> -> memref<1536xf32, #tpu.memory_space<hbm>>
      %dma_start3A_120 = tpu.memref_slice %arg3[%mul3A_116] : memref<37748736xf32, #tpu.memory_space<hbm>> -> memref<1536xf32, #tpu.memory_space<hbm>>
      %dma_start3A_121 = arith.constant 4608 : i32
      %dma_start3A_122 = tpu.memref_slice %arg5[%dma_start3A_121] : memref<98304xf32, #tpu.memory_space<vmem>> -> memref<1536xf32, #tpu.memory_space<vmem>>
      tpu.enqueue_dma source(%dma_start3A_122 : memref<1536xf32, #tpu.memory_space<vmem>>) target(%dma_start3A_120 : memref<1536xf32, #tpu.memory_space<hbm>>) target_semaphore(%arg6 : memref<!tpu.dma_semaphore, #tpu.memory_space<semaphore_mem>>)
      %mul3A_123 = arith.constant 64 : i32
      %mul3A_124 = arith.muli %select_n3A, %mul3A_123 : i32
      %add3A_125 = arith.constant 4 : i32
      %add3A_126 = arith.addi %mul3A_124, %add3A_125 : i32
      %mul3A_127 = arith.constant 384 : i32
      %mul3A_128 = arith.muli %add3A_126, %mul3A_127 : i32
      %add3A_129 = arith.addi %mul3A_128, %add3A_57 : i32
      %mul3A_130 = arith.constant 384 : i32
      %mul3A_131 = arith.muli %add3A_129, %mul3A_130 : i32
      %dma_start3A_132 = arith.constant 6144 : i32
      %dma_start3A_133 = tpu.memref_slice %arg5[%dma_start3A_132] : memref<98304xf32, #tpu.memory_space<vmem>> -> memref<1536xf32, #tpu.memory_space<vmem>>
      %dma_start3A_134 = tpu.memref_slice %arg3[%mul3A_131] : memref<37748736xf32, #tpu.memory_space<hbm>> -> memref<1536xf32, #tpu.memory_space<hbm>>
      %dma_start3A_135 = tpu.memref_slice %arg3[%mul3A_131] : memref<37748736xf32, #tpu.memory_space<hbm>> -> memref<1536xf32, #tpu.memory_space<hbm>>
      %dma_start3A_136 = arith.constant 6144 : i32
      %dma_start3A_137 = tpu.memref_slice %arg5[%dma_start3A_136] : memref<98304xf32, #tpu.memory_space<vmem>> -> memref<1536xf32, #tpu.memory_space<vmem>>
      tpu.enqueue_dma source(%dma_start3A_137 : memref<1536xf32, #tpu.memory_space<vmem>>) target(%dma_start3A_135 : memref<1536xf32, #tpu.memory_space<hbm>>) target_semaphore(%arg6 : memref<!tpu.dma_semaphore, #tpu.memory_space<semaphore_mem>>)
      %mul3A_138 = arith.constant 64 : i32
      %mul3A_139 = arith.muli %select_n3A, %mul3A_138 : i32
      %add3A_140 = arith.constant 5 : i32
      %add3A_141 = arith.addi %mul3A_139, %add3A_140 : i32
      %mul3A_142 = arith.constant 384 : i32
      %mul3A_143 = arith.muli %add3A_141, %mul3A_142 : i32
      %add3A_144 = arith.addi %mul3A_143, %add3A_57 : i32
      %mul3A_145 = arith.constant 384 : i32
      %mul3A_146 = arith.muli %add3A_144, %mul3A_145 : i32
      %dma_start3A_147 = arith.constant 7680 : i32
      %dma_start3A_148 = tpu.memref_slice %arg5[%dma_start3A_147] : memref<98304xf32, #tpu.memory_space<vmem>> -> memref<1536xf32, #tpu.memory_space<vmem>>
      %dma_start3A_149 = tpu.memref_slice %arg3[%mul3A_146] : memref<37748736xf32, #tpu.memory_space<hbm>> -> memref<1536xf32, #tpu.memory_space<hbm>>
      %dma_start3A_150 = tpu.memref_slice %arg3[%mul3A_146] : memref<37748736xf32, #tpu.memory_space<hbm>> -> memref<1536xf32, #tpu.memory_space<hbm>>
      %dma_start3A_151 = arith.constant 7680 : i32
      %dma_start3A_152 = tpu.memref_slice %arg5[%dma_start3A_151] : memref<98304xf32, #tpu.memory_space<vmem>> -> memref<1536xf32, #tpu.memory_space<vmem>>
      tpu.enqueue_dma source(%dma_start3A_152 : memref<1536xf32, #tpu.memory_space<vmem>>) target(%dma_start3A_150 : memref<1536xf32, #tpu.memory_space<hbm>>) target_semaphore(%arg6 : memref<!tpu.dma_semaphore, #tpu.memory_space<semaphore_mem>>)
      %mul3A_153 = arith.constant 64 : i32
      %mul3A_154 = arith.muli %select_n3A, %mul3A_153 : i32
      %add3A_155 = arith.constant 6 : i32
      %add3A_156 = arith.addi %mul3A_154, %add3A_155 : i32
      %mul3A_157 = arith.constant 384 : i32
      %mul3A_158 = arith.muli %add3A_156, %mul3A_157 : i32
      %add3A_159 = arith.addi %mul3A_158, %add3A_57 : i32
      %mul3A_160 = arith.constant 384 : i32
      %mul3A_161 = arith.muli %add3A_159, %mul3A_160 : i32
      %dma_start3A_162 = arith.constant 9216 : i32
      %dma_start3A_163 = tpu.memref_slice %arg5[%dma_start3A_162] : memref<98304xf32, #tpu.memory_space<vmem>> -> memref<1536xf32, #tpu.memory_space<vmem>>
      %dma_start3A_164 = tpu.memref_slice %arg3[%mul3A_161] : memref<37748736xf32, #tpu.memory_space<hbm>> -> memref<1536xf32, #tpu.memory_space<hbm>>
      %dma_start3A_165 = tpu.memref_slice %arg3[%mul3A_161] : memref<37748736xf32, #tpu.memory_space<hbm>> -> memref<1536xf32, #tpu.memory_space<hbm>>
      %dma_start3A_166 = arith.constant 9216 : i32
      %dma_start3A_167 = tpu.memref_slice %arg5[%dma_start3A_166] : memref<98304xf32, #tpu.memory_space<vmem>> -> memref<1536xf32, #tpu.memory_space<vmem>>
      tpu.enqueue_dma source(%dma_start3A_167 : memref<1536xf32, #tpu.memory_space<vmem>>) target(%dma_start3A_165 : memref<1536xf32, #tpu.memory_space<hbm>>) target_semaphore(%arg6 : memref<!tpu.dma_semaphore, #tpu.memory_space<semaphore_mem>>)
      %mul3A_168 = arith.constant 64 : i32
      %mul3A_169 = arith.muli %select_n3A, %mul3A_168 : i32
      %add3A_170 = arith.constant 7 : i32
      %add3A_171 = arith.addi %mul3A_169, %add3A_170 : i32
      %mul3A_172 = arith.constant 384 : i32
      %mul3A_173 = arith.muli %add3A_171, %mul3A_172 : i32
      %add3A_174 = arith.addi %mul3A_173, %add3A_57 : i32
      %mul3A_175 = arith.constant 384 : i32
      %mul3A_176 = arith.muli %add3A_174, %mul3A_175 : i32
      %dma_start3A_177 = arith.constant 10752 : i32
      %dma_start3A_178 = tpu.memref_slice %arg5[%dma_start3A_177] : memref<98304xf32, #tpu.memory_space<vmem>> -> memref<1536xf32, #tpu.memory_space<vmem>>
      %dma_start3A_179 = tpu.memref_slice %arg3[%mul3A_176] : memref<37748736xf32, #tpu.memory_space<hbm>> -> memref<1536xf32, #tpu.memory_space<hbm>>
      %dma_start3A_180 = tpu.memref_slice %arg3[%mul3A_176] : memref<37748736xf32, #tpu.memory_space<hbm>> -> memref<1536xf32, #tpu.memory_space<hbm>>
      %dma_start3A_181 = arith.constant 10752 : i32
      %dma_start3A_182 = tpu.memref_slice %arg5[%dma_start3A_181] : memref<98304xf32, #tpu.memory_space<vmem>> -> memref<1536xf32, #tpu.memory_space<vmem>>
      tpu.enqueue_dma source(%dma_start3A_182 : memref<1536xf32, #tpu.memory_space<vmem>>) target(%dma_start3A_180 : memref<1536xf32, #tpu.memory_space<hbm>>) target_semaphore(%arg6 : memref<!tpu.dma_semaphore, #tpu.memory_space<semaphore_mem>>)
      %mul3A_183 = arith.constant 64 : i32
      %mul3A_184 = arith.muli %select_n3A, %mul3A_183 : i32
      %add3A_185 = arith.constant 8 : i32
      %add3A_186 = arith.addi %mul3A_184, %add3A_185 : i32
      %mul3A_187 = arith.constant 384 : i32
      %mul3A_188 = arith.muli %add3A_186, %mul3A_187 : i32
      %add3A_189 = arith.addi %mul3A_188, %add3A_57 : i32
      %mul3A_190 = arith.constant 384 : i32
      %mul3A_191 = arith.muli %add3A_189, %mul3A_190 : i32
      %dma_start3A_192 = arith.constant 12288 : i32
      %dma_start3A_193 = tpu.memref_slice %arg5[%dma_start3A_192] : memref<98304xf32, #tpu.memory_space<vmem>> -> memref<1536xf32, #tpu.memory_space<vmem>>
      %dma_start3A_194 = tpu.memref_slice %arg3[%mul3A_191] : memref<37748736xf32, #tpu.memory_space<hbm>> -> memref<1536xf32, #tpu.memory_space<hbm>>
      %dma_start3A_195 = tpu.memref_slice %arg3[%mul3A_191] : memref<37748736xf32, #tpu.memory_space<hbm>> -> memref<1536xf32, #tpu.memory_space<hbm>>
      %dma_start3A_196 = arith.constant 12288 : i32
      %dma_start3A_197 = tpu.memref_slice %arg5[%dma_start3A_196] : memref<98304xf32, #tpu.memory_space<vmem>> -> memref<1536xf32, #tpu.memory_space<vmem>>
      tpu.enqueue_dma source(%dma_start3A_197 : memref<1536xf32, #tpu.memory_space<vmem>>) target(%dma_start3A_195 : memref<1536xf32, #tpu.memory_space<hbm>>) target_semaphore(%arg6 : memref<!tpu.dma_semaphore, #tpu.memory_space<semaphore_mem>>)
      %mul3A_198 = arith.constant 64 : i32
      %mul3A_199 = arith.muli %select_n3A, %mul3A_198 : i32
      %add3A_200 = arith.constant 9 : i32
      %add3A_201 = arith.addi %mul3A_199, %add3A_200 : i32
      %mul3A_202 = arith.constant 384 : i32
      %mul3A_203 = arith.muli %add3A_201, %mul3A_202 : i32
      %add3A_204 = arith.addi %mul3A_203, %add3A_57 : i32
      %mul3A_205 = arith.constant 384 : i32
      %mul3A_206 = arith.muli %add3A_204, %mul3A_205 : i32
      %dma_start3A_207 = arith.constant 13824 : i32
      %dma_start3A_208 = tpu.memref_slice %arg5[%dma_start3A_207] : memref<98304xf32, #tpu.memory_space<vmem>> -> memref<1536xf32, #tpu.memory_space<vmem>>
      %dma_start3A_209 = tpu.memref_slice %arg3[%mul3A_206] : memref<37748736xf32, #tpu.memory_space<hbm>> -> memref<1536xf32, #tpu.memory_space<hbm>>
      %dma_start3A_210 = tpu.memref_slice %arg3[%mul3A_206] : memref<37748736xf32, #tpu.memory_space<hbm>> -> memref<1536xf32, #tpu.memory_space<hbm>>
      %dma_start3A_211 = arith.constant 13824 : i32
      %dma_start3A_212 = tpu.memref_slice %arg5[%dma_start3A_211] : memref<98304xf32, #tpu.memory_space<vmem>> -> memref<1536xf32, #tpu.memory_space<vmem>>
      tpu.enqueue_dma source(%dma_start3A_212 : memref<1536xf32, #tpu.memory_space<vmem>>) target(%dma_start3A_210 : memref<1536xf32, #tpu.memory_space<hbm>>) target_semaphore(%arg6 : memref<!tpu.dma_semaphore, #tpu.memory_space<semaphore_mem>>)
      %mul3A_213 = arith.constant 64 : i32
      %mul3A_214 = arith.muli %select_n3A, %mul3A_213 : i32
      %add3A_215 = arith.constant 10 : i32
      %add3A_216 = arith.addi %mul3A_214, %add3A_215 : i32
      %mul3A_217 = arith.constant 384 : i32
      %mul3A_218 = arith.muli %add3A_216, %mul3A_217 : i32
      %add3A_219 = arith.addi %mul3A_218, %add3A_57 : i32
      %mul3A_220 = arith.constant 384 : i32
      %mul3A_221 = arith.muli %add3A_219, %mul3A_220 : i32
      %dma_start3A_222 = arith.constant 15360 : i32
      %dma_start3A_223 = tpu.memref_slice %arg5[%dma_start3A_222] : memref<98304xf32, #tpu.memory_space<vmem>> -> memref<1536xf32, #tpu.memory_space<vmem>>
      %dma_start3A_224 = tpu.memref_slice %arg3[%mul3A_221] : memref<37748736xf32, #tpu.memory_space<hbm>> -> memref<1536xf32, #tpu.memory_space<hbm>>
      %dma_start3A_225 = tpu.memref_slice %arg3[%mul3A_221] : memref<37748736xf32, #tpu.memory_space<hbm>> -> memref<1536xf32, #tpu.memory_space<hbm>>
      %dma_start3A_226 = arith.constant 15360 : i32
      %dma_start3A_227 = tpu.memref_slice %arg5[%dma_start3A_226] : memref<98304xf32, #tpu.memory_space<vmem>> -> memref<1536xf32, #tpu.memory_space<vmem>>
      tpu.enqueue_dma source(%dma_start3A_227 : memref<1536xf32, #tpu.memory_space<vmem>>) target(%dma_start3A_225 : memref<1536xf32, #tpu.memory_space<hbm>>) target_semaphore(%arg6 : memref<!tpu.dma_semaphore, #tpu.memory_space<semaphore_mem>>)
      %mul3A_228 = arith.constant 64 : i32
      %mul3A_229 = arith.muli %select_n3A, %mul3A_228 : i32
      %add3A_230 = arith.constant 11 : i32
      %add3A_231 = arith.addi %mul3A_229, %add3A_230 : i32
      %mul3A_232 = arith.constant 384 : i32
      %mul3A_233 = arith.muli %add3A_231, %mul3A_232 : i32
      %add3A_234 = arith.addi %mul3A_233, %add3A_57 : i32
      %mul3A_235 = arith.constant 384 : i32
      %mul3A_236 = arith.muli %add3A_234, %mul3A_235 : i32
      %dma_start3A_237 = arith.constant 16896 : i32
      %dma_start3A_238 = tpu.memref_slice %arg5[%dma_start3A_237] : memref<98304xf32, #tpu.memory_space<vmem>> -> memref<1536xf32, #tpu.memory_space<vmem>>
      %dma_start3A_239 = tpu.memref_slice %arg3[%mul3A_236] : memref<37748736xf32, #tpu.memory_space<hbm>> -> memref<1536xf32, #tpu.memory_space<hbm>>
      %dma_start3A_240 = tpu.memref_slice %arg3[%mul3A_236] : memref<37748736xf32, #tpu.memory_space<hbm>> -> memref<1536xf32, #tpu.memory_space<hbm>>
      %dma_start3A_241 = arith.constant 16896 : i32
      %dma_start3A_242 = tpu.memref_slice %arg5[%dma_start3A_241] : memref<98304xf32, #tpu.memory_space<vmem>> -> memref<1536xf32, #tpu.memory_space<vmem>>
      tpu.enqueue_dma source(%dma_start3A_242 : memref<1536xf32, #tpu.memory_space<vmem>>) target(%dma_start3A_240 : memref<1536xf32, #tpu.memory_space<hbm>>) target_semaphore(%arg6 : memref<!tpu.dma_semaphore, #tpu.memory_space<semaphore_mem>>)
      %mul3A_243 = arith.constant 64 : i32
      %mul3A_244 = arith.muli %select_n3A, %mul3A_243 : i32
      %add3A_245 = arith.constant 12 : i32
      %add3A_246 = arith.addi %mul3A_244, %add3A_245 : i32
      %mul3A_247 = arith.constant 384 : i32
      %mul3A_248 = arith.muli %add3A_246, %mul3A_247 : i32
      %add3A_249 = arith.addi %mul3A_248, %add3A_57 : i32
      %mul3A_250 = arith.constant 384 : i32
      %mul3A_251 = arith.muli %add3A_249, %mul3A_250 : i32
      %dma_start3A_252 = arith.constant 18432 : i32
      %dma_start3A_253 = tpu.memref_slice %arg5[%dma_start3A_252] : memref<98304xf32, #tpu.memory_space<vmem>> -> memref<1536xf32, #tpu.memory_space<vmem>>
      %dma_start3A_254 = tpu.memref_slice %arg3[%mul3A_251] : memref<37748736xf32, #tpu.memory_space<hbm>> -> memref<1536xf32, #tpu.memory_space<hbm>>
      %dma_start3A_255 = tpu.memref_slice %arg3[%mul3A_251] : memref<37748736xf32, #tpu.memory_space<hbm>> -> memref<1536xf32, #tpu.memory_space<hbm>>
      %dma_start3A_256 = arith.constant 18432 : i32
      %dma_start3A_257 = tpu.memref_slice %arg5[%dma_start3A_256] : memref<98304xf32, #tpu.memory_space<vmem>> -> memref<1536xf32, #tpu.memory_space<vmem>>
      tpu.enqueue_dma source(%dma_start3A_257 : memref<1536xf32, #tpu.memory_space<vmem>>) target(%dma_start3A_255 : memref<1536xf32, #tpu.memory_space<hbm>>) target_semaphore(%arg6 : memref<!tpu.dma_semaphore, #tpu.memory_space<semaphore_mem>>)
      %mul3A_258 = arith.constant 64 : i32
      %mul3A_259 = arith.muli %select_n3A, %mul3A_258 : i32
      %add3A_260 = arith.constant 13 : i32
      %add3A_261 = arith.addi %mul3A_259, %add3A_260 : i32
      %mul3A_262 = arith.constant 384 : i32
      %mul3A_263 = arith.muli %add3A_261, %mul3A_262 : i32
      %add3A_264 = arith.addi %mul3A_263, %add3A_57 : i32
      %mul3A_265 = arith.constant 384 : i32
      %mul3A_266 = arith.muli %add3A_264, %mul3A_265 : i32
      %dma_start3A_267 = arith.constant 19968 : i32
      %dma_start3A_268 = tpu.memref_slice %arg5[%dma_start3A_267] : memref<98304xf32, #tpu.memory_space<vmem>> -> memref<1536xf32, #tpu.memory_space<vmem>>
      %dma_start3A_269 = tpu.memref_slice %arg3[%mul3A_266] : memref<37748736xf32, #tpu.memory_space<hbm>> -> memref<1536xf32, #tpu.memory_space<hbm>>
      %dma_start3A_270 = tpu.memref_slice %arg3[%mul3A_266] : memref<37748736xf32, #tpu.memory_space<hbm>> -> memref<1536xf32, #tpu.memory_space<hbm>>
      %dma_start3A_271 = arith.constant 19968 : i32
      %dma_start3A_272 = tpu.memref_slice %arg5[%dma_start3A_271] : memref<98304xf32, #tpu.memory_space<vmem>> -> memref<1536xf32, #tpu.memory_space<vmem>>
      tpu.enqueue_dma source(%dma_start3A_272 : memref<1536xf32, #tpu.memory_space<vmem>>) target(%dma_start3A_270 : memref<1536xf32, #tpu.memory_space<hbm>>) target_semaphore(%arg6 : memref<!tpu.dma_semaphore, #tpu.memory_space<semaphore_mem>>)
      %mul3A_273 = arith.constant 64 : i32
      %mul3A_274 = arith.muli %select_n3A, %mul3A_273 : i32
      %add3A_275 = arith.constant 14 : i32
      %add3A_276 = arith.addi %mul3A_274, %add3A_275 : i32
      %mul3A_277 = arith.constant 384 : i32
      %mul3A_278 = arith.muli %add3A_276, %mul3A_277 : i32
      %add3A_279 = arith.addi %mul3A_278, %add3A_57 : i32
      %mul3A_280 = arith.constant 384 : i32
      %mul3A_281 = arith.muli %add3A_279, %mul3A_280 : i32
      %dma_start3A_282 = arith.constant 21504 : i32
      %dma_start3A_283 = tpu.memref_slice %arg5[%dma_start3A_282] : memref<98304xf32, #tpu.memory_space<vmem>> -> memref<1536xf32, #tpu.memory_space<vmem>>
      %dma_start3A_284 = tpu.memref_slice %arg3[%mul3A_281] : memref<37748736xf32, #tpu.memory_space<hbm>> -> memref<1536xf32, #tpu.memory_space<hbm>>
      %dma_start3A_285 = tpu.memref_slice %arg3[%mul3A_281] : memref<37748736xf32, #tpu.memory_space<hbm>> -> memref<1536xf32, #tpu.memory_space<hbm>>
      %dma_start3A_286 = arith.constant 21504 : i32
      %dma_start3A_287 = tpu.memref_slice %arg5[%dma_start3A_286] : memref<98304xf32, #tpu.memory_space<vmem>> -> memref<1536xf32, #tpu.memory_space<vmem>>
      tpu.enqueue_dma source(%dma_start3A_287 : memref<1536xf32, #tpu.memory_space<vmem>>) target(%dma_start3A_285 : memref<1536xf32, #tpu.memory_space<hbm>>) target_semaphore(%arg6 : memref<!tpu.dma_semaphore, #tpu.memory_space<semaphore_mem>>)
      %mul3A_288 = arith.constant 64 : i32
      %mul3A_289 = arith.muli %select_n3A, %mul3A_288 : i32
      %add3A_290 = arith.constant 15 : i32
      %add3A_291 = arith.addi %mul3A_289, %add3A_290 : i32
      %mul3A_292 = arith.constant 384 : i32
      %mul3A_293 = arith.muli %add3A_291, %mul3A_292 : i32
      %add3A_294 = arith.addi %mul3A_293, %add3A_57 : i32
      %mul3A_295 = arith.constant 384 : i32
      %mul3A_296 = arith.muli %add3A_294, %mul3A_295 : i32
      %dma_start3A_297 = arith.constant 23040 : i32
      %dma_start3A_298 = tpu.memref_slice %arg5[%dma_start3A_297] : memref<98304xf32, #tpu.memory_space<vmem>> -> memref<1536xf32, #tpu.memory_space<vmem>>
      %dma_start3A_299 = tpu.memref_slice %arg3[%mul3A_296] : memref<37748736xf32, #tpu.memory_space<hbm>> -> memref<1536xf32, #tpu.memory_space<hbm>>
      %dma_start3A_300 = tpu.memref_slice %arg3[%mul3A_296] : memref<37748736xf32, #tpu.memory_space<hbm>> -> memref<1536xf32, #tpu.memory_space<hbm>>
      %dma_start3A_301 = arith.constant 23040 : i32
      %dma_start3A_302 = tpu.memref_slice %arg5[%dma_start3A_301] : memref<98304xf32, #tpu.memory_space<vmem>> -> memref<1536xf32, #tpu.memory_space<vmem>>
      tpu.enqueue_dma source(%dma_start3A_302 : memref<1536xf32, #tpu.memory_space<vmem>>) target(%dma_start3A_300 : memref<1536xf32, #tpu.memory_space<hbm>>) target_semaphore(%arg6 : memref<!tpu.dma_semaphore, #tpu.memory_space<semaphore_mem>>)
      %mul3A_303 = arith.constant 64 : i32
      %mul3A_304 = arith.muli %select_n3A, %mul3A_303 : i32
      %add3A_305 = arith.constant 16 : i32
      %add3A_306 = arith.addi %mul3A_304, %add3A_305 : i32
      %mul3A_307 = arith.constant 384 : i32
      %mul3A_308 = arith.muli %add3A_306, %mul3A_307 : i32
      %add3A_309 = arith.addi %mul3A_308, %add3A_57 : i32
      %mul3A_310 = arith.constant 384 : i32
      %mul3A_311 = arith.muli %add3A_309, %mul3A_310 : i32
      %dma_start3A_312 = arith.constant 24576 : i32
      %dma_start3A_313 = tpu.memref_slice %arg5[%dma_start3A_312] : memref<98304xf32, #tpu.memory_space<vmem>> -> memref<1536xf32, #tpu.memory_space<vmem>>
      %dma_start3A_314 = tpu.memref_slice %arg3[%mul3A_311] : memref<37748736xf32, #tpu.memory_space<hbm>> -> memref<1536xf32, #tpu.memory_space<hbm>>
      %dma_start3A_315 = tpu.memref_slice %arg3[%mul3A_311] : memref<37748736xf32, #tpu.memory_space<hbm>> -> memref<1536xf32, #tpu.memory_space<hbm>>
      %dma_start3A_316 = arith.constant 24576 : i32
      %dma_start3A_317 = tpu.memref_slice %arg5[%dma_start3A_316] : memref<98304xf32, #tpu.memory_space<vmem>> -> memref<1536xf32, #tpu.memory_space<vmem>>
      tpu.enqueue_dma source(%dma_start3A_317 : memref<1536xf32, #tpu.memory_space<vmem>>) target(%dma_start3A_315 : memref<1536xf32, #tpu.memory_space<hbm>>) target_semaphore(%arg6 : memref<!tpu.dma_semaphore, #tpu.memory_space<semaphore_mem>>)
      %mul3A_318 = arith.constant 64 : i32
      %mul3A_319 = arith.muli %select_n3A, %mul3A_318 : i32
      %add3A_320 = arith.constant 17 : i32
      %add3A_321 = arith.addi %mul3A_319, %add3A_320 : i32
      %mul3A_322 = arith.constant 384 : i32
      %mul3A_323 = arith.muli %add3A_321, %mul3A_322 : i32
      %add3A_324 = arith.addi %mul3A_323, %add3A_57 : i32
      %mul3A_325 = arith.constant 384 : i32
      %mul3A_326 = arith.muli %add3A_324, %mul3A_325 : i32
      %dma_start3A_327 = arith.constant 26112 : i32
      %dma_start3A_328 = tpu.memref_slice %arg5[%dma_start3A_327] : memref<98304xf32, #tpu.memory_space<vmem>> -> memref<1536xf32, #tpu.memory_space<vmem>>
      %dma_start3A_329 = tpu.memref_slice %arg3[%mul3A_326] : memref<37748736xf32, #tpu.memory_space<hbm>> -> memref<1536xf32, #tpu.memory_space<hbm>>
      %dma_start3A_330 = tpu.memref_slice %arg3[%mul3A_326] : memref<37748736xf32, #tpu.memory_space<hbm>> -> memref<1536xf32, #tpu.memory_space<hbm>>
      %dma_start3A_331 = arith.constant 26112 : i32
      %dma_start3A_332 = tpu.memref_slice %arg5[%dma_start3A_331] : memref<98304xf32, #tpu.memory_space<vmem>> -> memref<1536xf32, #tpu.memory_space<vmem>>
      tpu.enqueue_dma source(%dma_start3A_332 : memref<1536xf32, #tpu.memory_space<vmem>>) target(%dma_start3A_330 : memref<1536xf32, #tpu.memory_space<hbm>>) target_semaphore(%arg6 : memref<!tpu.dma_semaphore, #tpu.memory_space<semaphore_mem>>)
      %mul3A_333 = arith.constant 64 : i32
      %mul3A_334 = arith.muli %select_n3A, %mul3A_333 : i32
      %add3A_335 = arith.constant 18 : i32
      %add3A_336 = arith.addi %mul3A_334, %add3A_335 : i32
      %mul3A_337 = arith.constant 384 : i32
      %mul3A_338 = arith.muli %add3A_336, %mul3A_337 : i32
      %add3A_339 = arith.addi %mul3A_338, %add3A_57 : i32
      %mul3A_340 = arith.constant 384 : i32
      %mul3A_341 = arith.muli %add3A_339, %mul3A_340 : i32
      %dma_start3A_342 = arith.constant 27648 : i32
      %dma_start3A_343 = tpu.memref_slice %arg5[%dma_start3A_342] : memref<98304xf32, #tpu.memory_space<vmem>> -> memref<1536xf32, #tpu.memory_space<vmem>>
      %dma_start3A_344 = tpu.memref_slice %arg3[%mul3A_341] : memref<37748736xf32, #tpu.memory_space<hbm>> -> memref<1536xf32, #tpu.memory_space<hbm>>
      %dma_start3A_345 = tpu.memref_slice %arg3[%mul3A_341] : memref<37748736xf32, #tpu.memory_space<hbm>> -> memref<1536xf32, #tpu.memory_space<hbm>>
      %dma_start3A_346 = arith.constant 27648 : i32
      %dma_start3A_347 = tpu.memref_slice %arg5[%dma_start3A_346] : memref<98304xf32, #tpu.memory_space<vmem>> -> memref<1536xf32, #tpu.memory_space<vmem>>
      tpu.enqueue_dma source(%dma_start3A_347 : memref<1536xf32, #tpu.memory_space<vmem>>) target(%dma_start3A_345 : memref<1536xf32, #tpu.memory_space<hbm>>) target_semaphore(%arg6 : memref<!tpu.dma_semaphore, #tpu.memory_space<semaphore_mem>>)
      %mul3A_348 = arith.constant 64 : i32
      %mul3A_349 = arith.muli %select_n3A, %mul3A_348 : i32
      %add3A_350 = arith.constant 19 : i32
      %add3A_351 = arith.addi %mul3A_349, %add3A_350 : i32
      %mul3A_352 = arith.constant 384 : i32
      %mul3A_353 = arith.muli %add3A_351, %mul3A_352 : i32
      %add3A_354 = arith.addi %mul3A_353, %add3A_57 : i32
      %mul3A_355 = arith.constant 384 : i32
      %mul3A_356 = arith.muli %add3A_354, %mul3A_355 : i32
      %dma_start3A_357 = arith.constant 29184 : i32
      %dma_start3A_358 = tpu.memref_slice %arg5[%dma_start3A_357] : memref<98304xf32, #tpu.memory_space<vmem>> -> memref<1536xf32, #tpu.memory_space<vmem>>
      %dma_start3A_359 = tpu.memref_slice %arg3[%mul3A_356] : memref<37748736xf32, #tpu.memory_space<hbm>> -> memref<1536xf32, #tpu.memory_space<hbm>>
      %dma_start3A_360 = tpu.memref_slice %arg3[%mul3A_356] : memref<37748736xf32, #tpu.memory_space<hbm>> -> memref<1536xf32, #tpu.memory_space<hbm>>
      %dma_start3A_361 = arith.constant 29184 : i32
      %dma_start3A_362 = tpu.memref_slice %arg5[%dma_start3A_361] : memref<98304xf32, #tpu.memory_space<vmem>> -> memref<1536xf32, #tpu.memory_space<vmem>>
      tpu.enqueue_dma source(%dma_start3A_362 : memref<1536xf32, #tpu.memory_space<vmem>>) target(%dma_start3A_360 : memref<1536xf32, #tpu.memory_space<hbm>>) target_semaphore(%arg6 : memref<!tpu.dma_semaphore, #tpu.memory_space<semaphore_mem>>)
      %mul3A_363 = arith.constant 64 : i32
      %mul3A_364 = arith.muli %select_n3A, %mul3A_363 : i32
      %add3A_365 = arith.constant 20 : i32
      %add3A_366 = arith.addi %mul3A_364, %add3A_365 : i32
      %mul3A_367 = arith.constant 384 : i32
      %mul3A_368 = arith.muli %add3A_366, %mul3A_367 : i32
      %add3A_369 = arith.addi %mul3A_368, %add3A_57 : i32
      %mul3A_370 = arith.constant 384 : i32
      %mul3A_371 = arith.muli %add3A_369, %mul3A_370 : i32
      %dma_start3A_372 = arith.constant 30720 : i32
      %dma_start3A_373 = tpu.memref_slice %arg5[%dma_start3A_372] : memref<98304xf32, #tpu.memory_space<vmem>> -> memref<1536xf32, #tpu.memory_space<vmem>>
      %dma_start3A_374 = tpu.memref_slice %arg3[%mul3A_371] : memref<37748736xf32, #tpu.memory_space<hbm>> -> memref<1536xf32, #tpu.memory_space<hbm>>
      %dma_start3A_375 = tpu.memref_slice %arg3[%mul3A_371] : memref<37748736xf32, #tpu.memory_space<hbm>> -> memref<1536xf32, #tpu.memory_space<hbm>>
      %dma_start3A_376 = arith.constant 30720 : i32
      %dma_start3A_377 = tpu.memref_slice %arg5[%dma_start3A_376] : memref<98304xf32, #tpu.memory_space<vmem>> -> memref<1536xf32, #tpu.memory_space<vmem>>
      tpu.enqueue_dma source(%dma_start3A_377 : memref<1536xf32, #tpu.memory_space<vmem>>) target(%dma_start3A_375 : memref<1536xf32, #tpu.memory_space<hbm>>) target_semaphore(%arg6 : memref<!tpu.dma_semaphore, #tpu.memory_space<semaphore_mem>>)
      %mul3A_378 = arith.constant 64 : i32
      %mul3A_379 = arith.muli %select_n3A, %mul3A_378 : i32
      %add3A_380 = arith.constant 21 : i32
      %add3A_381 = arith.addi %mul3A_379, %add3A_380 : i32
      %mul3A_382 = arith.constant 384 : i32
      %mul3A_383 = arith.muli %add3A_381, %mul3A_382 : i32
      %add3A_384 = arith.addi %mul3A_383, %add3A_57 : i32
      %mul3A_385 = arith.constant 384 : i32
      %mul3A_386 = arith.muli %add3A_384, %mul3A_385 : i32
      %dma_start3A_387 = arith.constant 32256 : i32
      %dma_start3A_388 = tpu.memref_slice %arg5[%dma_start3A_387] : memref<98304xf32, #tpu.memory_space<vmem>> -> memref<1536xf32, #tpu.memory_space<vmem>>
      %dma_start3A_389 = tpu.memref_slice %arg3[%mul3A_386] : memref<37748736xf32, #tpu.memory_space<hbm>> -> memref<1536xf32, #tpu.memory_space<hbm>>
      %dma_start3A_390 = tpu.memref_slice %arg3[%mul3A_386] : memref<37748736xf32, #tpu.memory_space<hbm>> -> memref<1536xf32, #tpu.memory_space<hbm>>
      %dma_start3A_391 = arith.constant 32256 : i32
      %dma_start3A_392 = tpu.memref_slice %arg5[%dma_start3A_391] : memref<98304xf32, #tpu.memory_space<vmem>> -> memref<1536xf32, #tpu.memory_space<vmem>>
      tpu.enqueue_dma source(%dma_start3A_392 : memref<1536xf32, #tpu.memory_space<vmem>>) target(%dma_start3A_390 : memref<1536xf32, #tpu.memory_space<hbm>>) target_semaphore(%arg6 : memref<!tpu.dma_semaphore, #tpu.memory_space<semaphore_mem>>)
      %mul3A_393 = arith.constant 64 : i32
      %mul3A_394 = arith.muli %select_n3A, %mul3A_393 : i32
      %add3A_395 = arith.constant 22 : i32
      %add3A_396 = arith.addi %mul3A_394, %add3A_395 : i32
      %mul3A_397 = arith.constant 384 : i32
      %mul3A_398 = arith.muli %add3A_396, %mul3A_397 : i32
      %add3A_399 = arith.addi %mul3A_398, %add3A_57 : i32
      %mul3A_400 = arith.constant 384 : i32
      %mul3A_401 = arith.muli %add3A_399, %mul3A_400 : i32
      %dma_start3A_402 = arith.constant 33792 : i32
      %dma_start3A_403 = tpu.memref_slice %arg5[%dma_start3A_402] : memref<98304xf32, #tpu.memory_space<vmem>> -> memref<1536xf32, #tpu.memory_space<vmem>>
      %dma_start3A_404 = tpu.memref_slice %arg3[%mul3A_401] : memref<37748736xf32, #tpu.memory_space<hbm>> -> memref<1536xf32, #tpu.memory_space<hbm>>
      %dma_start3A_405 = tpu.memref_slice %arg3[%mul3A_401] : memref<37748736xf32, #tpu.memory_space<hbm>> -> memref<1536xf32, #tpu.memory_space<hbm>>
      %dma_start3A_406 = arith.constant 33792 : i32
      %dma_start3A_407 = tpu.memref_slice %arg5[%dma_start3A_406] : memref<98304xf32, #tpu.memory_space<vmem>> -> memref<1536xf32, #tpu.memory_space<vmem>>
      tpu.enqueue_dma source(%dma_start3A_407 : memref<1536xf32, #tpu.memory_space<vmem>>) target(%dma_start3A_405 : memref<1536xf32, #tpu.memory_space<hbm>>) target_semaphore(%arg6 : memref<!tpu.dma_semaphore, #tpu.memory_space<semaphore_mem>>)
      %mul3A_408 = arith.constant 64 : i32
      %mul3A_409 = arith.muli %select_n3A, %mul3A_408 : i32
      %add3A_410 = arith.constant 23 : i32
      %add3A_411 = arith.addi %mul3A_409, %add3A_410 : i32
      %mul3A_412 = arith.constant 384 : i32
      %mul3A_413 = arith.muli %add3A_411, %mul3A_412 : i32
      %add3A_414 = arith.addi %mul3A_413, %add3A_57 : i32
      %mul3A_415 = arith.constant 384 : i32
      %mul3A_416 = arith.muli %add3A_414, %mul3A_415 : i32
      %dma_start3A_417 = arith.constant 35328 : i32
      %dma_start3A_418 = tpu.memref_slice %arg5[%dma_start3A_417] : memref<98304xf32, #tpu.memory_space<vmem>> -> memref<1536xf32, #tpu.memory_space<vmem>>
      %dma_start3A_419 = tpu.memref_slice %arg3[%mul3A_416] : memref<37748736xf32, #tpu.memory_space<hbm>> -> memref<1536xf32, #tpu.memory_space<hbm>>
      %dma_start3A_420 = tpu.memref_slice %arg3[%mul3A_416] : memref<37748736xf32, #tpu.memory_space<hbm>> -> memref<1536xf32, #tpu.memory_space<hbm>>
      %dma_start3A_421 = arith.constant 35328 : i32
      %dma_start3A_422 = tpu.memref_slice %arg5[%dma_start3A_421] : memref<98304xf32, #tpu.memory_space<vmem>> -> memref<1536xf32, #tpu.memory_space<vmem>>
      tpu.enqueue_dma source(%dma_start3A_422 : memref<1536xf32, #tpu.memory_space<vmem>>) target(%dma_start3A_420 : memref<1536xf32, #tpu.memory_space<hbm>>) target_semaphore(%arg6 : memref<!tpu.dma_semaphore, #tpu.memory_space<semaphore_mem>>)
      %mul3A_423 = arith.constant 64 : i32
      %mul3A_424 = arith.muli %select_n3A, %mul3A_423 : i32
      %add3A_425 = arith.constant 24 : i32
      %add3A_426 = arith.addi %mul3A_424, %add3A_425 : i32
      %mul3A_427 = arith.constant 384 : i32
      %mul3A_428 = arith.muli %add3A_426, %mul3A_427 : i32
      %add3A_429 = arith.addi %mul3A_428, %add3A_57 : i32
      %mul3A_430 = arith.constant 384 : i32
      %mul3A_431 = arith.muli %add3A_429, %mul3A_430 : i32
      %dma_start3A_432 = arith.constant 36864 : i32
      %dma_start3A_433 = tpu.memref_slice %arg5[%dma_start3A_432] : memref<98304xf32, #tpu.memory_space<vmem>> -> memref<1536xf32, #tpu.memory_space<vmem>>
      %dma_start3A_434 = tpu.memref_slice %arg3[%mul3A_431] : memref<37748736xf32, #tpu.memory_space<hbm>> -> memref<1536xf32, #tpu.memory_space<hbm>>
      %dma_start3A_435 = tpu.memref_slice %arg3[%mul3A_431] : memref<37748736xf32, #tpu.memory_space<hbm>> -> memref<1536xf32, #tpu.memory_space<hbm>>
      %dma_start3A_436 = arith.constant 36864 : i32
      %dma_start3A_437 = tpu.memref_slice %arg5[%dma_start3A_436] : memref<98304xf32, #tpu.memory_space<vmem>> -> memref<1536xf32, #tpu.memory_space<vmem>>
      tpu.enqueue_dma source(%dma_start3A_437 : memref<1536xf32, #tpu.memory_space<vmem>>) target(%dma_start3A_435 : memref<1536xf32, #tpu.memory_space<hbm>>) target_semaphore(%arg6 : memref<!tpu.dma_semaphore, #tpu.memory_space<semaphore_mem>>)
      %mul3A_438 = arith.constant 64 : i32
      %mul3A_439 = arith.muli %select_n3A, %mul3A_438 : i32
      %add3A_440 = arith.constant 25 : i32
      %add3A_441 = arith.addi %mul3A_439, %add3A_440 : i32
      %mul3A_442 = arith.constant 384 : i32
      %mul3A_443 = arith.muli %add3A_441, %mul3A_442 : i32
      %add3A_444 = arith.addi %mul3A_443, %add3A_57 : i32
      %mul3A_445 = arith.constant 384 : i32
      %mul3A_446 = arith.muli %add3A_444, %mul3A_445 : i32
      %dma_start3A_447 = arith.constant 38400 : i32
      %dma_start3A_448 = tpu.memref_slice %arg5[%dma_start3A_447] : memref<98304xf32, #tpu.memory_space<vmem>> -> memref<1536xf32, #tpu.memory_space<vmem>>
      %dma_start3A_449 = tpu.memref_slice %arg3[%mul3A_446] : memref<37748736xf32, #tpu.memory_space<hbm>> -> memref<1536xf32, #tpu.memory_space<hbm>>
      %dma_start3A_450 = tpu.memref_slice %arg3[%mul3A_446] : memref<37748736xf32, #tpu.memory_space<hbm>> -> memref<1536xf32, #tpu.memory_space<hbm>>
      %dma_start3A_451 = arith.constant 38400 : i32
      %dma_start3A_452 = tpu.memref_slice %arg5[%dma_start3A_451] : memref<98304xf32, #tpu.memory_space<vmem>> -> memref<1536xf32, #tpu.memory_space<vmem>>
      tpu.enqueue_dma source(%dma_start3A_452 : memref<1536xf32, #tpu.memory_space<vmem>>) target(%dma_start3A_450 : memref<1536xf32, #tpu.memory_space<hbm>>) target_semaphore(%arg6 : memref<!tpu.dma_semaphore, #tpu.memory_space<semaphore_mem>>)
      %mul3A_453 = arith.constant 64 : i32
      %mul3A_454 = arith.muli %select_n3A, %mul3A_453 : i32
      %add3A_455 = arith.constant 26 : i32
      %add3A_456 = arith.addi %mul3A_454, %add3A_455 : i32
      %mul3A_457 = arith.constant 384 : i32
      %mul3A_458 = arith.muli %add3A_456, %mul3A_457 : i32
      %add3A_459 = arith.addi %mul3A_458, %add3A_57 : i32
      %mul3A_460 = arith.constant 384 : i32
      %mul3A_461 = arith.muli %add3A_459, %mul3A_460 : i32
      %dma_start3A_462 = arith.constant 39936 : i32
      %dma_start3A_463 = tpu.memref_slice %arg5[%dma_start3A_462] : memref<98304xf32, #tpu.memory_space<vmem>> -> memref<1536xf32, #tpu.memory_space<vmem>>
      %dma_start3A_464 = tpu.memref_slice %arg3[%mul3A_461] : memref<37748736xf32, #tpu.memory_space<hbm>> -> memref<1536xf32, #tpu.memory_space<hbm>>
      %dma_start3A_465 = tpu.memref_slice %arg3[%mul3A_461] : memref<37748736xf32, #tpu.memory_space<hbm>> -> memref<1536xf32, #tpu.memory_space<hbm>>
      %dma_start3A_466 = arith.constant 39936 : i32
      %dma_start3A_467 = tpu.memref_slice %arg5[%dma_start3A_466] : memref<98304xf32, #tpu.memory_space<vmem>> -> memref<1536xf32, #tpu.memory_space<vmem>>
      tpu.enqueue_dma source(%dma_start3A_467 : memref<1536xf32, #tpu.memory_space<vmem>>) target(%dma_start3A_465 : memref<1536xf32, #tpu.memory_space<hbm>>) target_semaphore(%arg6 : memref<!tpu.dma_semaphore, #tpu.memory_space<semaphore_mem>>)
      %mul3A_468 = arith.constant 64 : i32
      %mul3A_469 = arith.muli %select_n3A, %mul3A_468 : i32
      %add3A_470 = arith.constant 27 : i32
      %add3A_471 = arith.addi %mul3A_469, %add3A_470 : i32
      %mul3A_472 = arith.constant 384 : i32
      %mul3A_473 = arith.muli %add3A_471, %mul3A_472 : i32
      %add3A_474 = arith.addi %mul3A_473, %add3A_57 : i32
      %mul3A_475 = arith.constant 384 : i32
      %mul3A_476 = arith.muli %add3A_474, %mul3A_475 : i32
      %dma_start3A_477 = arith.constant 41472 : i32
      %dma_start3A_478 = tpu.memref_slice %arg5[%dma_start3A_477] : memref<98304xf32, #tpu.memory_space<vmem>> -> memref<1536xf32, #tpu.memory_space<vmem>>
      %dma_start3A_479 = tpu.memref_slice %arg3[%mul3A_476] : memref<37748736xf32, #tpu.memory_space<hbm>> -> memref<1536xf32, #tpu.memory_space<hbm>>
      %dma_start3A_480 = tpu.memref_slice %arg3[%mul3A_476] : memref<37748736xf32, #tpu.memory_space<hbm>> -> memref<1536xf32, #tpu.memory_space<hbm>>
      %dma_start3A_481 = arith.constant 41472 : i32
      %dma_start3A_482 = tpu.memref_slice %arg5[%dma_start3A_481] : memref<98304xf32, #tpu.memory_space<vmem>> -> memref<1536xf32, #tpu.memory_space<vmem>>
      tpu.enqueue_dma source(%dma_start3A_482 : memref<1536xf32, #tpu.memory_space<vmem>>) target(%dma_start3A_480 : memref<1536xf32, #tpu.memory_space<hbm>>) target_semaphore(%arg6 : memref<!tpu.dma_semaphore, #tpu.memory_space<semaphore_mem>>)
      %mul3A_483 = arith.constant 64 : i32
      %mul3A_484 = arith.muli %select_n3A, %mul3A_483 : i32
      %add3A_485 = arith.constant 28 : i32
      %add3A_486 = arith.addi %mul3A_484, %add3A_485 : i32
      %mul3A_487 = arith.constant 384 : i32
      %mul3A_488 = arith.muli %add3A_486, %mul3A_487 : i32
      %add3A_489 = arith.addi %mul3A_488, %add3A_57 : i32
      %mul3A_490 = arith.constant 384 : i32
      %mul3A_491 = arith.muli %add3A_489, %mul3A_490 : i32
      %dma_start3A_492 = arith.constant 43008 : i32
      %dma_start3A_493 = tpu.memref_slice %arg5[%dma_start3A_492] : memref<98304xf32, #tpu.memory_space<vmem>> -> memref<1536xf32, #tpu.memory_space<vmem>>
      %dma_start3A_494 = tpu.memref_slice %arg3[%mul3A_491] : memref<37748736xf32, #tpu.memory_space<hbm>> -> memref<1536xf32, #tpu.memory_space<hbm>>
      %dma_start3A_495 = tpu.memref_slice %arg3[%mul3A_491] : memref<37748736xf32, #tpu.memory_space<hbm>> -> memref<1536xf32, #tpu.memory_space<hbm>>
      %dma_start3A_496 = arith.constant 43008 : i32
      %dma_start3A_497 = tpu.memref_slice %arg5[%dma_start3A_496] : memref<98304xf32, #tpu.memory_space<vmem>> -> memref<1536xf32, #tpu.memory_space<vmem>>
      tpu.enqueue_dma source(%dma_start3A_497 : memref<1536xf32, #tpu.memory_space<vmem>>) target(%dma_start3A_495 : memref<1536xf32, #tpu.memory_space<hbm>>) target_semaphore(%arg6 : memref<!tpu.dma_semaphore, #tpu.memory_space<semaphore_mem>>)
      %mul3A_498 = arith.constant 64 : i32
      %mul3A_499 = arith.muli %select_n3A, %mul3A_498 : i32
      %add3A_500 = arith.constant 29 : i32
      %add3A_501 = arith.addi %mul3A_499, %add3A_500 : i32
      %mul3A_502 = arith.constant 384 : i32
      %mul3A_503 = arith.muli %add3A_501, %mul3A_502 : i32
      %add3A_504 = arith.addi %mul3A_503, %add3A_57 : i32
      %mul3A_505 = arith.constant 384 : i32
      %mul3A_506 = arith.muli %add3A_504, %mul3A_505 : i32
      %dma_start3A_507 = arith.constant 44544 : i32
      %dma_start3A_508 = tpu.memref_slice %arg5[%dma_start3A_507] : memref<98304xf32, #tpu.memory_space<vmem>> -> memref<1536xf32, #tpu.memory_space<vmem>>
      %dma_start3A_509 = tpu.memref_slice %arg3[%mul3A_506] : memref<37748736xf32, #tpu.memory_space<hbm>> -> memref<1536xf32, #tpu.memory_space<hbm>>
      %dma_start3A_510 = tpu.memref_slice %arg3[%mul3A_506] : memref<37748736xf32, #tpu.memory_space<hbm>> -> memref<1536xf32, #tpu.memory_space<hbm>>
      %dma_start3A_511 = arith.constant 44544 : i32
      %dma_start3A_512 = tpu.memref_slice %arg5[%dma_start3A_511] : memref<98304xf32, #tpu.memory_space<vmem>> -> memref<1536xf32, #tpu.memory_space<vmem>>
      tpu.enqueue_dma source(%dma_start3A_512 : memref<1536xf32, #tpu.memory_space<vmem>>) target(%dma_start3A_510 : memref<1536xf32, #tpu.memory_space<hbm>>) target_semaphore(%arg6 : memref<!tpu.dma_semaphore, #tpu.memory_space<semaphore_mem>>)
      %mul3A_513 = arith.constant 64 : i32
      %mul3A_514 = arith.muli %select_n3A, %mul3A_513 : i32
      %add3A_515 = arith.constant 30 : i32
      %add3A_516 = arith.addi %mul3A_514, %add3A_515 : i32
      %mul3A_517 = arith.constant 384 : i32
      %mul3A_518 = arith.muli %add3A_516, %mul3A_517 : i32
      %add3A_519 = arith.addi %mul3A_518, %add3A_57 : i32
      %mul3A_520 = arith.constant 384 : i32
      %mul3A_521 = arith.muli %add3A_519, %mul3A_520 : i32
      %dma_start3A_522 = arith.constant 46080 : i32
      %dma_start3A_523 = tpu.memref_slice %arg5[%dma_start3A_522] : memref<98304xf32, #tpu.memory_space<vmem>> -> memref<1536xf32, #tpu.memory_space<vmem>>
      %dma_start3A_524 = tpu.memref_slice %arg3[%mul3A_521] : memref<37748736xf32, #tpu.memory_space<hbm>> -> memref<1536xf32, #tpu.memory_space<hbm>>
      %dma_start3A_525 = tpu.memref_slice %arg3[%mul3A_521] : memref<37748736xf32, #tpu.memory_space<hbm>> -> memref<1536xf32, #tpu.memory_space<hbm>>
      %dma_start3A_526 = arith.constant 46080 : i32
      %dma_start3A_527 = tpu.memref_slice %arg5[%dma_start3A_526] : memref<98304xf32, #tpu.memory_space<vmem>> -> memref<1536xf32, #tpu.memory_space<vmem>>
      tpu.enqueue_dma source(%dma_start3A_527 : memref<1536xf32, #tpu.memory_space<vmem>>) target(%dma_start3A_525 : memref<1536xf32, #tpu.memory_space<hbm>>) target_semaphore(%arg6 : memref<!tpu.dma_semaphore, #tpu.memory_space<semaphore_mem>>)
      %mul3A_528 = arith.constant 64 : i32
      %mul3A_529 = arith.muli %select_n3A, %mul3A_528 : i32
      %add3A_530 = arith.constant 31 : i32
      %add3A_531 = arith.addi %mul3A_529, %add3A_530 : i32
      %mul3A_532 = arith.constant 384 : i32
      %mul3A_533 = arith.muli %add3A_531, %mul3A_532 : i32
      %add3A_534 = arith.addi %mul3A_533, %add3A_57 : i32
      %mul3A_535 = arith.constant 384 : i32
      %mul3A_536 = arith.muli %add3A_534, %mul3A_535 : i32
      %dma_start3A_537 = arith.constant 47616 : i32
      %dma_start3A_538 = tpu.memref_slice %arg5[%dma_start3A_537] : memref<98304xf32, #tpu.memory_space<vmem>> -> memref<1536xf32, #tpu.memory_space<vmem>>
      %dma_start3A_539 = tpu.memref_slice %arg3[%mul3A_536] : memref<37748736xf32, #tpu.memory_space<hbm>> -> memref<1536xf32, #tpu.memory_space<hbm>>
      %dma_start3A_540 = tpu.memref_slice %arg3[%mul3A_536] : memref<37748736xf32, #tpu.memory_space<hbm>> -> memref<1536xf32, #tpu.memory_space<hbm>>
      %dma_start3A_541 = arith.constant 47616 : i32
      %dma_start3A_542 = tpu.memref_slice %arg5[%dma_start3A_541] : memref<98304xf32, #tpu.memory_space<vmem>> -> memref<1536xf32, #tpu.memory_space<vmem>>
      tpu.enqueue_dma source(%dma_start3A_542 : memref<1536xf32, #tpu.memory_space<vmem>>) target(%dma_start3A_540 : memref<1536xf32, #tpu.memory_space<hbm>>) target_semaphore(%arg6 : memref<!tpu.dma_semaphore, #tpu.memory_space<semaphore_mem>>)
      %mul3A_543 = arith.constant 64 : i32
      %mul3A_544 = arith.muli %select_n3A, %mul3A_543 : i32
      %add3A_545 = arith.constant 32 : i32
      %add3A_546 = arith.addi %mul3A_544, %add3A_545 : i32
      %mul3A_547 = arith.constant 384 : i32
      %mul3A_548 = arith.muli %add3A_546, %mul3A_547 : i32
      %add3A_549 = arith.addi %mul3A_548, %add3A_57 : i32
      %mul3A_550 = arith.constant 384 : i32
      %mul3A_551 = arith.muli %add3A_549, %mul3A_550 : i32
      %dma_start3A_552 = arith.constant 49152 : i32
      %dma_start3A_553 = tpu.memref_slice %arg5[%dma_start3A_552] : memref<98304xf32, #tpu.memory_space<vmem>> -> memref<1536xf32, #tpu.memory_space<vmem>>
      %dma_start3A_554 = tpu.memref_slice %arg3[%mul3A_551] : memref<37748736xf32, #tpu.memory_space<hbm>> -> memref<1536xf32, #tpu.memory_space<hbm>>
      %dma_start3A_555 = tpu.memref_slice %arg3[%mul3A_551] : memref<37748736xf32, #tpu.memory_space<hbm>> -> memref<1536xf32, #tpu.memory_space<hbm>>
      %dma_start3A_556 = arith.constant 49152 : i32
      %dma_start3A_557 = tpu.memref_slice %arg5[%dma_start3A_556] : memref<98304xf32, #tpu.memory_space<vmem>> -> memref<1536xf32, #tpu.memory_space<vmem>>
      tpu.enqueue_dma source(%dma_start3A_557 : memref<1536xf32, #tpu.memory_space<vmem>>) target(%dma_start3A_555 : memref<1536xf32, #tpu.memory_space<hbm>>) target_semaphore(%arg6 : memref<!tpu.dma_semaphore, #tpu.memory_space<semaphore_mem>>)
      %mul3A_558 = arith.constant 64 : i32
      %mul3A_559 = arith.muli %select_n3A, %mul3A_558 : i32
      %add3A_560 = arith.constant 33 : i32
      %add3A_561 = arith.addi %mul3A_559, %add3A_560 : i32
      %mul3A_562 = arith.constant 384 : i32
      %mul3A_563 = arith.muli %add3A_561, %mul3A_562 : i32
      %add3A_564 = arith.addi %mul3A_563, %add3A_57 : i32
      %mul3A_565 = arith.constant 384 : i32
      %mul3A_566 = arith.muli %add3A_564, %mul3A_565 : i32
      %dma_start3A_567 = arith.constant 50688 : i32
      %dma_start3A_568 = tpu.memref_slice %arg5[%dma_start3A_567] : memref<98304xf32, #tpu.memory_space<vmem>> -> memref<1536xf32, #tpu.memory_space<vmem>>
      %dma_start3A_569 = tpu.memref_slice %arg3[%mul3A_566] : memref<37748736xf32, #tpu.memory_space<hbm>> -> memref<1536xf32, #tpu.memory_space<hbm>>
      %dma_start3A_570 = tpu.memref_slice %arg3[%mul3A_566] : memref<37748736xf32, #tpu.memory_space<hbm>> -> memref<1536xf32, #tpu.memory_space<hbm>>
      %dma_start3A_571 = arith.constant 50688 : i32
      %dma_start3A_572 = tpu.memref_slice %arg5[%dma_start3A_571] : memref<98304xf32, #tpu.memory_space<vmem>> -> memref<1536xf32, #tpu.memory_space<vmem>>
      tpu.enqueue_dma source(%dma_start3A_572 : memref<1536xf32, #tpu.memory_space<vmem>>) target(%dma_start3A_570 : memref<1536xf32, #tpu.memory_space<hbm>>) target_semaphore(%arg6 : memref<!tpu.dma_semaphore, #tpu.memory_space<semaphore_mem>>)
      %mul3A_573 = arith.constant 64 : i32
      %mul3A_574 = arith.muli %select_n3A, %mul3A_573 : i32
      %add3A_575 = arith.constant 34 : i32
      %add3A_576 = arith.addi %mul3A_574, %add3A_575 : i32
      %mul3A_577 = arith.constant 384 : i32
      %mul3A_578 = arith.muli %add3A_576, %mul3A_577 : i32
      %add3A_579 = arith.addi %mul3A_578, %add3A_57 : i32
      %mul3A_580 = arith.constant 384 : i32
      %mul3A_581 = arith.muli %add3A_579, %mul3A_580 : i32
      %dma_start3A_582 = arith.constant 52224 : i32
      %dma_start3A_583 = tpu.memref_slice %arg5[%dma_start3A_582] : memref<98304xf32, #tpu.memory_space<vmem>> -> memref<1536xf32, #tpu.memory_space<vmem>>
      %dma_start3A_584 = tpu.memref_slice %arg3[%mul3A_581] : memref<37748736xf32, #tpu.memory_space<hbm>> -> memref<1536xf32, #tpu.memory_space<hbm>>
      %dma_start3A_585 = tpu.memref_slice %arg3[%mul3A_581] : memref<37748736xf32, #tpu.memory_space<hbm>> -> memref<1536xf32, #tpu.memory_space<hbm>>
      %dma_start3A_586 = arith.constant 52224 : i32
      %dma_start3A_587 = tpu.memref_slice %arg5[%dma_start3A_586] : memref<98304xf32, #tpu.memory_space<vmem>> -> memref<1536xf32, #tpu.memory_space<vmem>>
      tpu.enqueue_dma source(%dma_start3A_587 : memref<1536xf32, #tpu.memory_space<vmem>>) target(%dma_start3A_585 : memref<1536xf32, #tpu.memory_space<hbm>>) target_semaphore(%arg6 : memref<!tpu.dma_semaphore, #tpu.memory_space<semaphore_mem>>)
      %mul3A_588 = arith.constant 64 : i32
      %mul3A_589 = arith.muli %select_n3A, %mul3A_588 : i32
      %add3A_590 = arith.constant 35 : i32
      %add3A_591 = arith.addi %mul3A_589, %add3A_590 : i32
      %mul3A_592 = arith.constant 384 : i32
      %mul3A_593 = arith.muli %add3A_591, %mul3A_592 : i32
      %add3A_594 = arith.addi %mul3A_593, %add3A_57 : i32
      %mul3A_595 = arith.constant 384 : i32
      %mul3A_596 = arith.muli %add3A_594, %mul3A_595 : i32
      %dma_start3A_597 = arith.constant 53760 : i32
      %dma_start3A_598 = tpu.memref_slice %arg5[%dma_start3A_597] : memref<98304xf32, #tpu.memory_space<vmem>> -> memref<1536xf32, #tpu.memory_space<vmem>>
      %dma_start3A_599 = tpu.memref_slice %arg3[%mul3A_596] : memref<37748736xf32, #tpu.memory_space<hbm>> -> memref<1536xf32, #tpu.memory_space<hbm>>
      %dma_start3A_600 = tpu.memref_slice %arg3[%mul3A_596] : memref<37748736xf32, #tpu.memory_space<hbm>> -> memref<1536xf32, #tpu.memory_space<hbm>>
      %dma_start3A_601 = arith.constant 53760 : i32
      %dma_start3A_602 = tpu.memref_slice %arg5[%dma_start3A_601] : memref<98304xf32, #tpu.memory_space<vmem>> -> memref<1536xf32, #tpu.memory_space<vmem>>
      tpu.enqueue_dma source(%dma_start3A_602 : memref<1536xf32, #tpu.memory_space<vmem>>) target(%dma_start3A_600 : memref<1536xf32, #tpu.memory_space<hbm>>) target_semaphore(%arg6 : memref<!tpu.dma_semaphore, #tpu.memory_space<semaphore_mem>>)
      %mul3A_603 = arith.constant 64 : i32
      %mul3A_604 = arith.muli %select_n3A, %mul3A_603 : i32
      %add3A_605 = arith.constant 36 : i32
      %add3A_606 = arith.addi %mul3A_604, %add3A_605 : i32
      %mul3A_607 = arith.constant 384 : i32
      %mul3A_608 = arith.muli %add3A_606, %mul3A_607 : i32
      %add3A_609 = arith.addi %mul3A_608, %add3A_57 : i32
      %mul3A_610 = arith.constant 384 : i32
      %mul3A_611 = arith.muli %add3A_609, %mul3A_610 : i32
      %dma_start3A_612 = arith.constant 55296 : i32
      %dma_start3A_613 = tpu.memref_slice %arg5[%dma_start3A_612] : memref<98304xf32, #tpu.memory_space<vmem>> -> memref<1536xf32, #tpu.memory_space<vmem>>
      %dma_start3A_614 = tpu.memref_slice %arg3[%mul3A_611] : memref<37748736xf32, #tpu.memory_space<hbm>> -> memref<1536xf32, #tpu.memory_space<hbm>>
      %dma_start3A_615 = tpu.memref_slice %arg3[%mul3A_611] : memref<37748736xf32, #tpu.memory_space<hbm>> -> memref<1536xf32, #tpu.memory_space<hbm>>
      %dma_start3A_616 = arith.constant 55296 : i32
      %dma_start3A_617 = tpu.memref_slice %arg5[%dma_start3A_616] : memref<98304xf32, #tpu.memory_space<vmem>> -> memref<1536xf32, #tpu.memory_space<vmem>>
      tpu.enqueue_dma source(%dma_start3A_617 : memref<1536xf32, #tpu.memory_space<vmem>>) target(%dma_start3A_615 : memref<1536xf32, #tpu.memory_space<hbm>>) target_semaphore(%arg6 : memref<!tpu.dma_semaphore, #tpu.memory_space<semaphore_mem>>)
      %mul3A_618 = arith.constant 64 : i32
      %mul3A_619 = arith.muli %select_n3A, %mul3A_618 : i32
      %add3A_620 = arith.constant 37 : i32
      %add3A_621 = arith.addi %mul3A_619, %add3A_620 : i32
      %mul3A_622 = arith.constant 384 : i32
      %mul3A_623 = arith.muli %add3A_621, %mul3A_622 : i32
      %add3A_624 = arith.addi %mul3A_623, %add3A_57 : i32
      %mul3A_625 = arith.constant 384 : i32
      %mul3A_626 = arith.muli %add3A_624, %mul3A_625 : i32
      %dma_start3A_627 = arith.constant 56832 : i32
      %dma_start3A_628 = tpu.memref_slice %arg5[%dma_start3A_627] : memref<98304xf32, #tpu.memory_space<vmem>> -> memref<1536xf32, #tpu.memory_space<vmem>>
      %dma_start3A_629 = tpu.memref_slice %arg3[%mul3A_626] : memref<37748736xf32, #tpu.memory_space<hbm>> -> memref<1536xf32, #tpu.memory_space<hbm>>
      %dma_start3A_630 = tpu.memref_slice %arg3[%mul3A_626] : memref<37748736xf32, #tpu.memory_space<hbm>> -> memref<1536xf32, #tpu.memory_space<hbm>>
      %dma_start3A_631 = arith.constant 56832 : i32
      %dma_start3A_632 = tpu.memref_slice %arg5[%dma_start3A_631] : memref<98304xf32, #tpu.memory_space<vmem>> -> memref<1536xf32, #tpu.memory_space<vmem>>
      tpu.enqueue_dma source(%dma_start3A_632 : memref<1536xf32, #tpu.memory_space<vmem>>) target(%dma_start3A_630 : memref<1536xf32, #tpu.memory_space<hbm>>) target_semaphore(%arg6 : memref<!tpu.dma_semaphore, #tpu.memory_space<semaphore_mem>>)
      %mul3A_633 = arith.constant 64 : i32
      %mul3A_634 = arith.muli %select_n3A, %mul3A_633 : i32
      %add3A_635 = arith.constant 38 : i32
      %add3A_636 = arith.addi %mul3A_634, %add3A_635 : i32
      %mul3A_637 = arith.constant 384 : i32
      %mul3A_638 = arith.muli %add3A_636, %mul3A_637 : i32
      %add3A_639 = arith.addi %mul3A_638, %add3A_57 : i32
      %mul3A_640 = arith.constant 384 : i32
      %mul3A_641 = arith.muli %add3A_639, %mul3A_640 : i32
      %dma_start3A_642 = arith.constant 58368 : i32
      %dma_start3A_643 = tpu.memref_slice %arg5[%dma_start3A_642] : memref<98304xf32, #tpu.memory_space<vmem>> -> memref<1536xf32, #tpu.memory_space<vmem>>
      %dma_start3A_644 = tpu.memref_slice %arg3[%mul3A_641] : memref<37748736xf32, #tpu.memory_space<hbm>> -> memref<1536xf32, #tpu.memory_space<hbm>>
      %dma_start3A_645 = tpu.memref_slice %arg3[%mul3A_641] : memref<37748736xf32, #tpu.memory_space<hbm>> -> memref<1536xf32, #tpu.memory_space<hbm>>
      %dma_start3A_646 = arith.constant 58368 : i32
      %dma_start3A_647 = tpu.memref_slice %arg5[%dma_start3A_646] : memref<98304xf32, #tpu.memory_space<vmem>> -> memref<1536xf32, #tpu.memory_space<vmem>>
      tpu.enqueue_dma source(%dma_start3A_647 : memref<1536xf32, #tpu.memory_space<vmem>>) target(%dma_start3A_645 : memref<1536xf32, #tpu.memory_space<hbm>>) target_semaphore(%arg6 : memref<!tpu.dma_semaphore, #tpu.memory_space<semaphore_mem>>)
      %mul3A_648 = arith.constant 64 : i32
      %mul3A_649 = arith.muli %select_n3A, %mul3A_648 : i32
      %add3A_650 = arith.constant 39 : i32
      %add3A_651 = arith.addi %mul3A_649, %add3A_650 : i32
      %mul3A_652 = arith.constant 384 : i32
      %mul3A_653 = arith.muli %add3A_651, %mul3A_652 : i32
      %add3A_654 = arith.addi %mul3A_653, %add3A_57 : i32
      %mul3A_655 = arith.constant 384 : i32
      %mul3A_656 = arith.muli %add3A_654, %mul3A_655 : i32
      %dma_start3A_657 = arith.constant 59904 : i32
      %dma_start3A_658 = tpu.memref_slice %arg5[%dma_start3A_657] : memref<98304xf32, #tpu.memory_space<vmem>> -> memref<1536xf32, #tpu.memory_space<vmem>>
      %dma_start3A_659 = tpu.memref_slice %arg3[%mul3A_656] : memref<37748736xf32, #tpu.memory_space<hbm>> -> memref<1536xf32, #tpu.memory_space<hbm>>
      %dma_start3A_660 = tpu.memref_slice %arg3[%mul3A_656] : memref<37748736xf32, #tpu.memory_space<hbm>> -> memref<1536xf32, #tpu.memory_space<hbm>>
      %dma_start3A_661 = arith.constant 59904 : i32
      %dma_start3A_662 = tpu.memref_slice %arg5[%dma_start3A_661] : memref<98304xf32, #tpu.memory_space<vmem>> -> memref<1536xf32, #tpu.memory_space<vmem>>
      tpu.enqueue_dma source(%dma_start3A_662 : memref<1536xf32, #tpu.memory_space<vmem>>) target(%dma_start3A_660 : memref<1536xf32, #tpu.memory_space<hbm>>) target_semaphore(%arg6 : memref<!tpu.dma_semaphore, #tpu.memory_space<semaphore_mem>>)
      %mul3A_663 = arith.constant 64 : i32
      %mul3A_664 = arith.muli %select_n3A, %mul3A_663 : i32
      %add3A_665 = arith.constant 40 : i32
      %add3A_666 = arith.addi %mul3A_664, %add3A_665 : i32
      %mul3A_667 = arith.constant 384 : i32
      %mul3A_668 = arith.muli %add3A_666, %mul3A_667 : i32
      %add3A_669 = arith.addi %mul3A_668, %add3A_57 : i32
      %mul3A_670 = arith.constant 384 : i32
      %mul3A_671 = arith.muli %add3A_669, %mul3A_670 : i32
      %dma_start3A_672 = arith.constant 61440 : i32
      %dma_start3A_673 = tpu.memref_slice %arg5[%dma_start3A_672] : memref<98304xf32, #tpu.memory_space<vmem>> -> memref<1536xf32, #tpu.memory_space<vmem>>
      %dma_start3A_674 = tpu.memref_slice %arg3[%mul3A_671] : memref<37748736xf32, #tpu.memory_space<hbm>> -> memref<1536xf32, #tpu.memory_space<hbm>>
      %dma_start3A_675 = tpu.memref_slice %arg3[%mul3A_671] : memref<37748736xf32, #tpu.memory_space<hbm>> -> memref<1536xf32, #tpu.memory_space<hbm>>
      %dma_start3A_676 = arith.constant 61440 : i32
      %dma_start3A_677 = tpu.memref_slice %arg5[%dma_start3A_676] : memref<98304xf32, #tpu.memory_space<vmem>> -> memref<1536xf32, #tpu.memory_space<vmem>>
      tpu.enqueue_dma source(%dma_start3A_677 : memref<1536xf32, #tpu.memory_space<vmem>>) target(%dma_start3A_675 : memref<1536xf32, #tpu.memory_space<hbm>>) target_semaphore(%arg6 : memref<!tpu.dma_semaphore, #tpu.memory_space<semaphore_mem>>)
      %mul3A_678 = arith.constant 64 : i32
      %mul3A_679 = arith.muli %select_n3A, %mul3A_678 : i32
      %add3A_680 = arith.constant 41 : i32
      %add3A_681 = arith.addi %mul3A_679, %add3A_680 : i32
      %mul3A_682 = arith.constant 384 : i32
      %mul3A_683 = arith.muli %add3A_681, %mul3A_682 : i32
      %add3A_684 = arith.addi %mul3A_683, %add3A_57 : i32
      %mul3A_685 = arith.constant 384 : i32
      %mul3A_686 = arith.muli %add3A_684, %mul3A_685 : i32
      %dma_start3A_687 = arith.constant 62976 : i32
      %dma_start3A_688 = tpu.memref_slice %arg5[%dma_start3A_687] : memref<98304xf32, #tpu.memory_space<vmem>> -> memref<1536xf32, #tpu.memory_space<vmem>>
      %dma_start3A_689 = tpu.memref_slice %arg3[%mul3A_686] : memref<37748736xf32, #tpu.memory_space<hbm>> -> memref<1536xf32, #tpu.memory_space<hbm>>
      %dma_start3A_690 = tpu.memref_slice %arg3[%mul3A_686] : memref<37748736xf32, #tpu.memory_space<hbm>> -> memref<1536xf32, #tpu.memory_space<hbm>>
      %dma_start3A_691 = arith.constant 62976 : i32
      %dma_start3A_692 = tpu.memref_slice %arg5[%dma_start3A_691] : memref<98304xf32, #tpu.memory_space<vmem>> -> memref<1536xf32, #tpu.memory_space<vmem>>
      tpu.enqueue_dma source(%dma_start3A_692 : memref<1536xf32, #tpu.memory_space<vmem>>) target(%dma_start3A_690 : memref<1536xf32, #tpu.memory_space<hbm>>) target_semaphore(%arg6 : memref<!tpu.dma_semaphore, #tpu.memory_space<semaphore_mem>>)
      %mul3A_693 = arith.constant 64 : i32
      %mul3A_694 = arith.muli %select_n3A, %mul3A_693 : i32
      %add3A_695 = arith.constant 42 : i32
      %add3A_696 = arith.addi %mul3A_694, %add3A_695 : i32
      %mul3A_697 = arith.constant 384 : i32
      %mul3A_698 = arith.muli %add3A_696, %mul3A_697 : i32
      %add3A_699 = arith.addi %mul3A_698, %add3A_57 : i32
      %mul3A_700 = arith.constant 384 : i32
      %mul3A_701 = arith.muli %add3A_699, %mul3A_700 : i32
      %dma_start3A_702 = arith.constant 64512 : i32
      %dma_start3A_703 = tpu.memref_slice %arg5[%dma_start3A_702] : memref<98304xf32, #tpu.memory_space<vmem>> -> memref<1536xf32, #tpu.memory_space<vmem>>
      %dma_start3A_704 = tpu.memref_slice %arg3[%mul3A_701] : memref<37748736xf32, #tpu.memory_space<hbm>> -> memref<1536xf32, #tpu.memory_space<hbm>>
      %dma_start3A_705 = tpu.memref_slice %arg3[%mul3A_701] : memref<37748736xf32, #tpu.memory_space<hbm>> -> memref<1536xf32, #tpu.memory_space<hbm>>
      %dma_start3A_706 = arith.constant 64512 : i32
      %dma_start3A_707 = tpu.memref_slice %arg5[%dma_start3A_706] : memref<98304xf32, #tpu.memory_space<vmem>> -> memref<1536xf32, #tpu.memory_space<vmem>>
      tpu.enqueue_dma source(%dma_start3A_707 : memref<1536xf32, #tpu.memory_space<vmem>>) target(%dma_start3A_705 : memref<1536xf32, #tpu.memory_space<hbm>>) target_semaphore(%arg6 : memref<!tpu.dma_semaphore, #tpu.memory_space<semaphore_mem>>)
      %mul3A_708 = arith.constant 64 : i32
      %mul3A_709 = arith.muli %select_n3A, %mul3A_708 : i32
      %add3A_710 = arith.constant 43 : i32
      %add3A_711 = arith.addi %mul3A_709, %add3A_710 : i32
      %mul3A_712 = arith.constant 384 : i32
      %mul3A_713 = arith.muli %add3A_711, %mul3A_712 : i32
      %add3A_714 = arith.addi %mul3A_713, %add3A_57 : i32
      %mul3A_715 = arith.constant 384 : i32
      %mul3A_716 = arith.muli %add3A_714, %mul3A_715 : i32
      %dma_start3A_717 = arith.constant 66048 : i32
      %dma_start3A_718 = tpu.memref_slice %arg5[%dma_start3A_717] : memref<98304xf32, #tpu.memory_space<vmem>> -> memref<1536xf32, #tpu.memory_space<vmem>>
      %dma_start3A_719 = tpu.memref_slice %arg3[%mul3A_716] : memref<37748736xf32, #tpu.memory_space<hbm>> -> memref<1536xf32, #tpu.memory_space<hbm>>
      %dma_start3A_720 = tpu.memref_slice %arg3[%mul3A_716] : memref<37748736xf32, #tpu.memory_space<hbm>> -> memref<1536xf32, #tpu.memory_space<hbm>>
      %dma_start3A_721 = arith.constant 66048 : i32
      %dma_start3A_722 = tpu.memref_slice %arg5[%dma_start3A_721] : memref<98304xf32, #tpu.memory_space<vmem>> -> memref<1536xf32, #tpu.memory_space<vmem>>
      tpu.enqueue_dma source(%dma_start3A_722 : memref<1536xf32, #tpu.memory_space<vmem>>) target(%dma_start3A_720 : memref<1536xf32, #tpu.memory_space<hbm>>) target_semaphore(%arg6 : memref<!tpu.dma_semaphore, #tpu.memory_space<semaphore_mem>>)
      %mul3A_723 = arith.constant 64 : i32
      %mul3A_724 = arith.muli %select_n3A, %mul3A_723 : i32
      %add3A_725 = arith.constant 44 : i32
      %add3A_726 = arith.addi %mul3A_724, %add3A_725 : i32
      %mul3A_727 = arith.constant 384 : i32
      %mul3A_728 = arith.muli %add3A_726, %mul3A_727 : i32
      %add3A_729 = arith.addi %mul3A_728, %add3A_57 : i32
      %mul3A_730 = arith.constant 384 : i32
      %mul3A_731 = arith.muli %add3A_729, %mul3A_730 : i32
      %dma_start3A_732 = arith.constant 67584 : i32
      %dma_start3A_733 = tpu.memref_slice %arg5[%dma_start3A_732] : memref<98304xf32, #tpu.memory_space<vmem>> -> memref<1536xf32, #tpu.memory_space<vmem>>
      %dma_start3A_734 = tpu.memref_slice %arg3[%mul3A_731] : memref<37748736xf32, #tpu.memory_space<hbm>> -> memref<1536xf32, #tpu.memory_space<hbm>>
      %dma_start3A_735 = tpu.memref_slice %arg3[%mul3A_731] : memref<37748736xf32, #tpu.memory_space<hbm>> -> memref<1536xf32, #tpu.memory_space<hbm>>
      %dma_start3A_736 = arith.constant 67584 : i32
      %dma_start3A_737 = tpu.memref_slice %arg5[%dma_start3A_736] : memref<98304xf32, #tpu.memory_space<vmem>> -> memref<1536xf32, #tpu.memory_space<vmem>>
      tpu.enqueue_dma source(%dma_start3A_737 : memref<1536xf32, #tpu.memory_space<vmem>>) target(%dma_start3A_735 : memref<1536xf32, #tpu.memory_space<hbm>>) target_semaphore(%arg6 : memref<!tpu.dma_semaphore, #tpu.memory_space<semaphore_mem>>)
      %mul3A_738 = arith.constant 64 : i32
      %mul3A_739 = arith.muli %select_n3A, %mul3A_738 : i32
      %add3A_740 = arith.constant 45 : i32
      %add3A_741 = arith.addi %mul3A_739, %add3A_740 : i32
      %mul3A_742 = arith.constant 384 : i32
      %mul3A_743 = arith.muli %add3A_741, %mul3A_742 : i32
      %add3A_744 = arith.addi %mul3A_743, %add3A_57 : i32
      %mul3A_745 = arith.constant 384 : i32
      %mul3A_746 = arith.muli %add3A_744, %mul3A_745 : i32
      %dma_start3A_747 = arith.constant 69120 : i32
      %dma_start3A_748 = tpu.memref_slice %arg5[%dma_start3A_747] : memref<98304xf32, #tpu.memory_space<vmem>> -> memref<1536xf32, #tpu.memory_space<vmem>>
      %dma_start3A_749 = tpu.memref_slice %arg3[%mul3A_746] : memref<37748736xf32, #tpu.memory_space<hbm>> -> memref<1536xf32, #tpu.memory_space<hbm>>
      %dma_start3A_750 = tpu.memref_slice %arg3[%mul3A_746] : memref<37748736xf32, #tpu.memory_space<hbm>> -> memref<1536xf32, #tpu.memory_space<hbm>>
      %dma_start3A_751 = arith.constant 69120 : i32
      %dma_start3A_752 = tpu.memref_slice %arg5[%dma_start3A_751] : memref<98304xf32, #tpu.memory_space<vmem>> -> memref<1536xf32, #tpu.memory_space<vmem>>
      tpu.enqueue_dma source(%dma_start3A_752 : memref<1536xf32, #tpu.memory_space<vmem>>) target(%dma_start3A_750 : memref<1536xf32, #tpu.memory_space<hbm>>) target_semaphore(%arg6 : memref<!tpu.dma_semaphore, #tpu.memory_space<semaphore_mem>>)
      %mul3A_753 = arith.constant 64 : i32
      %mul3A_754 = arith.muli %select_n3A, %mul3A_753 : i32
      %add3A_755 = arith.constant 46 : i32
      %add3A_756 = arith.addi %mul3A_754, %add3A_755 : i32
      %mul3A_757 = arith.constant 384 : i32
      %mul3A_758 = arith.muli %add3A_756, %mul3A_757 : i32
      %add3A_759 = arith.addi %mul3A_758, %add3A_57 : i32
      %mul3A_760 = arith.constant 384 : i32
      %mul3A_761 = arith.muli %add3A_759, %mul3A_760 : i32
      %dma_start3A_762 = arith.constant 70656 : i32
      %dma_start3A_763 = tpu.memref_slice %arg5[%dma_start3A_762] : memref<98304xf32, #tpu.memory_space<vmem>> -> memref<1536xf32, #tpu.memory_space<vmem>>
      %dma_start3A_764 = tpu.memref_slice %arg3[%mul3A_761] : memref<37748736xf32, #tpu.memory_space<hbm>> -> memref<1536xf32, #tpu.memory_space<hbm>>
      %dma_start3A_765 = tpu.memref_slice %arg3[%mul3A_761] : memref<37748736xf32, #tpu.memory_space<hbm>> -> memref<1536xf32, #tpu.memory_space<hbm>>
      %dma_start3A_766 = arith.constant 70656 : i32
      %dma_start3A_767 = tpu.memref_slice %arg5[%dma_start3A_766] : memref<98304xf32, #tpu.memory_space<vmem>> -> memref<1536xf32, #tpu.memory_space<vmem>>
      tpu.enqueue_dma source(%dma_start3A_767 : memref<1536xf32, #tpu.memory_space<vmem>>) target(%dma_start3A_765 : memref<1536xf32, #tpu.memory_space<hbm>>) target_semaphore(%arg6 : memref<!tpu.dma_semaphore, #tpu.memory_space<semaphore_mem>>)
      %mul3A_768 = arith.constant 64 : i32
      %mul3A_769 = arith.muli %select_n3A, %mul3A_768 : i32
      %add3A_770 = arith.constant 47 : i32
      %add3A_771 = arith.addi %mul3A_769, %add3A_770 : i32
      %mul3A_772 = arith.constant 384 : i32
      %mul3A_773 = arith.muli %add3A_771, %mul3A_772 : i32
      %add3A_774 = arith.addi %mul3A_773, %add3A_57 : i32
      %mul3A_775 = arith.constant 384 : i32
      %mul3A_776 = arith.muli %add3A_774, %mul3A_775 : i32
      %dma_start3A_777 = arith.constant 72192 : i32
      %dma_start3A_778 = tpu.memref_slice %arg5[%dma_start3A_777] : memref<98304xf32, #tpu.memory_space<vmem>> -> memref<1536xf32, #tpu.memory_space<vmem>>
      %dma_start3A_779 = tpu.memref_slice %arg3[%mul3A_776] : memref<37748736xf32, #tpu.memory_space<hbm>> -> memref<1536xf32, #tpu.memory_space<hbm>>
      %dma_start3A_780 = tpu.memref_slice %arg3[%mul3A_776] : memref<37748736xf32, #tpu.memory_space<hbm>> -> memref<1536xf32, #tpu.memory_space<hbm>>
      %dma_start3A_781 = arith.constant 72192 : i32
      %dma_start3A_782 = tpu.memref_slice %arg5[%dma_start3A_781] : memref<98304xf32, #tpu.memory_space<vmem>> -> memref<1536xf32, #tpu.memory_space<vmem>>
      tpu.enqueue_dma source(%dma_start3A_782 : memref<1536xf32, #tpu.memory_space<vmem>>) target(%dma_start3A_780 : memref<1536xf32, #tpu.memory_space<hbm>>) target_semaphore(%arg6 : memref<!tpu.dma_semaphore, #tpu.memory_space<semaphore_mem>>)
      %mul3A_783 = arith.constant 64 : i32
      %mul3A_784 = arith.muli %select_n3A, %mul3A_783 : i32
      %add3A_785 = arith.constant 48 : i32
      %add3A_786 = arith.addi %mul3A_784, %add3A_785 : i32
      %mul3A_787 = arith.constant 384 : i32
      %mul3A_788 = arith.muli %add3A_786, %mul3A_787 : i32
      %add3A_789 = arith.addi %mul3A_788, %add3A_57 : i32
      %mul3A_790 = arith.constant 384 : i32
      %mul3A_791 = arith.muli %add3A_789, %mul3A_790 : i32
      %dma_start3A_792 = arith.constant 73728 : i32
      %dma_start3A_793 = tpu.memref_slice %arg5[%dma_start3A_792] : memref<98304xf32, #tpu.memory_space<vmem>> -> memref<1536xf32, #tpu.memory_space<vmem>>
      %dma_start3A_794 = tpu.memref_slice %arg3[%mul3A_791] : memref<37748736xf32, #tpu.memory_space<hbm>> -> memref<1536xf32, #tpu.memory_space<hbm>>
      %dma_start3A_795 = tpu.memref_slice %arg3[%mul3A_791] : memref<37748736xf32, #tpu.memory_space<hbm>> -> memref<1536xf32, #tpu.memory_space<hbm>>
      %dma_start3A_796 = arith.constant 73728 : i32
      %dma_start3A_797 = tpu.memref_slice %arg5[%dma_start3A_796] : memref<98304xf32, #tpu.memory_space<vmem>> -> memref<1536xf32, #tpu.memory_space<vmem>>
      tpu.enqueue_dma source(%dma_start3A_797 : memref<1536xf32, #tpu.memory_space<vmem>>) target(%dma_start3A_795 : memref<1536xf32, #tpu.memory_space<hbm>>) target_semaphore(%arg6 : memref<!tpu.dma_semaphore, #tpu.memory_space<semaphore_mem>>)
      %mul3A_798 = arith.constant 64 : i32
      %mul3A_799 = arith.muli %select_n3A, %mul3A_798 : i32
      %add3A_800 = arith.constant 49 : i32
      %add3A_801 = arith.addi %mul3A_799, %add3A_800 : i32
      %mul3A_802 = arith.constant 384 : i32
      %mul3A_803 = arith.muli %add3A_801, %mul3A_802 : i32
      %add3A_804 = arith.addi %mul3A_803, %add3A_57 : i32
      %mul3A_805 = arith.constant 384 : i32
      %mul3A_806 = arith.muli %add3A_804, %mul3A_805 : i32
      %dma_start3A_807 = arith.constant 75264 : i32
      %dma_start3A_808 = tpu.memref_slice %arg5[%dma_start3A_807] : memref<98304xf32, #tpu.memory_space<vmem>> -> memref<1536xf32, #tpu.memory_space<vmem>>
      %dma_start3A_809 = tpu.memref_slice %arg3[%mul3A_806] : memref<37748736xf32, #tpu.memory_space<hbm>> -> memref<1536xf32, #tpu.memory_space<hbm>>
      %dma_start3A_810 = tpu.memref_slice %arg3[%mul3A_806] : memref<37748736xf32, #tpu.memory_space<hbm>> -> memref<1536xf32, #tpu.memory_space<hbm>>
      %dma_start3A_811 = arith.constant 75264 : i32
      %dma_start3A_812 = tpu.memref_slice %arg5[%dma_start3A_811] : memref<98304xf32, #tpu.memory_space<vmem>> -> memref<1536xf32, #tpu.memory_space<vmem>>
      tpu.enqueue_dma source(%dma_start3A_812 : memref<1536xf32, #tpu.memory_space<vmem>>) target(%dma_start3A_810 : memref<1536xf32, #tpu.memory_space<hbm>>) target_semaphore(%arg6 : memref<!tpu.dma_semaphore, #tpu.memory_space<semaphore_mem>>)
      %mul3A_813 = arith.constant 64 : i32
      %mul3A_814 = arith.muli %select_n3A, %mul3A_813 : i32
      %add3A_815 = arith.constant 50 : i32
      %add3A_816 = arith.addi %mul3A_814, %add3A_815 : i32
      %mul3A_817 = arith.constant 384 : i32
      %mul3A_818 = arith.muli %add3A_816, %mul3A_817 : i32
      %add3A_819 = arith.addi %mul3A_818, %add3A_57 : i32
      %mul3A_820 = arith.constant 384 : i32
      %mul3A_821 = arith.muli %add3A_819, %mul3A_820 : i32
      %dma_start3A_822 = arith.constant 76800 : i32
      %dma_start3A_823 = tpu.memref_slice %arg5[%dma_start3A_822] : memref<98304xf32, #tpu.memory_space<vmem>> -> memref<1536xf32, #tpu.memory_space<vmem>>
      %dma_start3A_824 = tpu.memref_slice %arg3[%mul3A_821] : memref<37748736xf32, #tpu.memory_space<hbm>> -> memref<1536xf32, #tpu.memory_space<hbm>>
      %dma_start3A_825 = tpu.memref_slice %arg3[%mul3A_821] : memref<37748736xf32, #tpu.memory_space<hbm>> -> memref<1536xf32, #tpu.memory_space<hbm>>
      %dma_start3A_826 = arith.constant 76800 : i32
      %dma_start3A_827 = tpu.memref_slice %arg5[%dma_start3A_826] : memref<98304xf32, #tpu.memory_space<vmem>> -> memref<1536xf32, #tpu.memory_space<vmem>>
      tpu.enqueue_dma source(%dma_start3A_827 : memref<1536xf32, #tpu.memory_space<vmem>>) target(%dma_start3A_825 : memref<1536xf32, #tpu.memory_space<hbm>>) target_semaphore(%arg6 : memref<!tpu.dma_semaphore, #tpu.memory_space<semaphore_mem>>)
      %mul3A_828 = arith.constant 64 : i32
      %mul3A_829 = arith.muli %select_n3A, %mul3A_828 : i32
      %add3A_830 = arith.constant 51 : i32
      %add3A_831 = arith.addi %mul3A_829, %add3A_830 : i32
      %mul3A_832 = arith.constant 384 : i32
      %mul3A_833 = arith.muli %add3A_831, %mul3A_832 : i32
      %add3A_834 = arith.addi %mul3A_833, %add3A_57 : i32
      %mul3A_835 = arith.constant 384 : i32
      %mul3A_836 = arith.muli %add3A_834, %mul3A_835 : i32
      %dma_start3A_837 = arith.constant 78336 : i32
      %dma_start3A_838 = tpu.memref_slice %arg5[%dma_start3A_837] : memref<98304xf32, #tpu.memory_space<vmem>> -> memref<1536xf32, #tpu.memory_space<vmem>>
      %dma_start3A_839 = tpu.memref_slice %arg3[%mul3A_836] : memref<37748736xf32, #tpu.memory_space<hbm>> -> memref<1536xf32, #tpu.memory_space<hbm>>
      %dma_start3A_840 = tpu.memref_slice %arg3[%mul3A_836] : memref<37748736xf32, #tpu.memory_space<hbm>> -> memref<1536xf32, #tpu.memory_space<hbm>>
      %dma_start3A_841 = arith.constant 78336 : i32
      %dma_start3A_842 = tpu.memref_slice %arg5[%dma_start3A_841] : memref<98304xf32, #tpu.memory_space<vmem>> -> memref<1536xf32, #tpu.memory_space<vmem>>
      tpu.enqueue_dma source(%dma_start3A_842 : memref<1536xf32, #tpu.memory_space<vmem>>) target(%dma_start3A_840 : memref<1536xf32, #tpu.memory_space<hbm>>) target_semaphore(%arg6 : memref<!tpu.dma_semaphore, #tpu.memory_space<semaphore_mem>>)
      %mul3A_843 = arith.constant 64 : i32
      %mul3A_844 = arith.muli %select_n3A, %mul3A_843 : i32
      %add3A_845 = arith.constant 52 : i32
      %add3A_846 = arith.addi %mul3A_844, %add3A_845 : i32
      %mul3A_847 = arith.constant 384 : i32
      %mul3A_848 = arith.muli %add3A_846, %mul3A_847 : i32
      %add3A_849 = arith.addi %mul3A_848, %add3A_57 : i32
      %mul3A_850 = arith.constant 384 : i32
      %mul3A_851 = arith.muli %add3A_849, %mul3A_850 : i32
      %dma_start3A_852 = arith.constant 79872 : i32
      %dma_start3A_853 = tpu.memref_slice %arg5[%dma_start3A_852] : memref<98304xf32, #tpu.memory_space<vmem>> -> memref<1536xf32, #tpu.memory_space<vmem>>
      %dma_start3A_854 = tpu.memref_slice %arg3[%mul3A_851] : memref<37748736xf32, #tpu.memory_space<hbm>> -> memref<1536xf32, #tpu.memory_space<hbm>>
      %dma_start3A_855 = tpu.memref_slice %arg3[%mul3A_851] : memref<37748736xf32, #tpu.memory_space<hbm>> -> memref<1536xf32, #tpu.memory_space<hbm>>
      %dma_start3A_856 = arith.constant 79872 : i32
      %dma_start3A_857 = tpu.memref_slice %arg5[%dma_start3A_856] : memref<98304xf32, #tpu.memory_space<vmem>> -> memref<1536xf32, #tpu.memory_space<vmem>>
      tpu.enqueue_dma source(%dma_start3A_857 : memref<1536xf32, #tpu.memory_space<vmem>>) target(%dma_start3A_855 : memref<1536xf32, #tpu.memory_space<hbm>>) target_semaphore(%arg6 : memref<!tpu.dma_semaphore, #tpu.memory_space<semaphore_mem>>)
      %mul3A_858 = arith.constant 64 : i32
      %mul3A_859 = arith.muli %select_n3A, %mul3A_858 : i32
      %add3A_860 = arith.constant 53 : i32
      %add3A_861 = arith.addi %mul3A_859, %add3A_860 : i32
      %mul3A_862 = arith.constant 384 : i32
      %mul3A_863 = arith.muli %add3A_861, %mul3A_862 : i32
      %add3A_864 = arith.addi %mul3A_863, %add3A_57 : i32
      %mul3A_865 = arith.constant 384 : i32
      %mul3A_866 = arith.muli %add3A_864, %mul3A_865 : i32
      %dma_start3A_867 = arith.constant 81408 : i32
      %dma_start3A_868 = tpu.memref_slice %arg5[%dma_start3A_867] : memref<98304xf32, #tpu.memory_space<vmem>> -> memref<1536xf32, #tpu.memory_space<vmem>>
      %dma_start3A_869 = tpu.memref_slice %arg3[%mul3A_866] : memref<37748736xf32, #tpu.memory_space<hbm>> -> memref<1536xf32, #tpu.memory_space<hbm>>
      %dma_start3A_870 = tpu.memref_slice %arg3[%mul3A_866] : memref<37748736xf32, #tpu.memory_space<hbm>> -> memref<1536xf32, #tpu.memory_space<hbm>>
      %dma_start3A_871 = arith.constant 81408 : i32
      %dma_start3A_872 = tpu.memref_slice %arg5[%dma_start3A_871] : memref<98304xf32, #tpu.memory_space<vmem>> -> memref<1536xf32, #tpu.memory_space<vmem>>
      tpu.enqueue_dma source(%dma_start3A_872 : memref<1536xf32, #tpu.memory_space<vmem>>) target(%dma_start3A_870 : memref<1536xf32, #tpu.memory_space<hbm>>) target_semaphore(%arg6 : memref<!tpu.dma_semaphore, #tpu.memory_space<semaphore_mem>>)
      %mul3A_873 = arith.constant 64 : i32
      %mul3A_874 = arith.muli %select_n3A, %mul3A_873 : i32
      %add3A_875 = arith.constant 54 : i32
      %add3A_876 = arith.addi %mul3A_874, %add3A_875 : i32
      %mul3A_877 = arith.constant 384 : i32
      %mul3A_878 = arith.muli %add3A_876, %mul3A_877 : i32
      %add3A_879 = arith.addi %mul3A_878, %add3A_57 : i32
      %mul3A_880 = arith.constant 384 : i32
      %mul3A_881 = arith.muli %add3A_879, %mul3A_880 : i32
      %dma_start3A_882 = arith.constant 82944 : i32
      %dma_start3A_883 = tpu.memref_slice %arg5[%dma_start3A_882] : memref<98304xf32, #tpu.memory_space<vmem>> -> memref<1536xf32, #tpu.memory_space<vmem>>
      %dma_start3A_884 = tpu.memref_slice %arg3[%mul3A_881] : memref<37748736xf32, #tpu.memory_space<hbm>> -> memref<1536xf32, #tpu.memory_space<hbm>>
      %dma_start3A_885 = tpu.memref_slice %arg3[%mul3A_881] : memref<37748736xf32, #tpu.memory_space<hbm>> -> memref<1536xf32, #tpu.memory_space<hbm>>
      %dma_start3A_886 = arith.constant 82944 : i32
      %dma_start3A_887 = tpu.memref_slice %arg5[%dma_start3A_886] : memref<98304xf32, #tpu.memory_space<vmem>> -> memref<1536xf32, #tpu.memory_space<vmem>>
      tpu.enqueue_dma source(%dma_start3A_887 : memref<1536xf32, #tpu.memory_space<vmem>>) target(%dma_start3A_885 : memref<1536xf32, #tpu.memory_space<hbm>>) target_semaphore(%arg6 : memref<!tpu.dma_semaphore, #tpu.memory_space<semaphore_mem>>)
      %mul3A_888 = arith.constant 64 : i32
      %mul3A_889 = arith.muli %select_n3A, %mul3A_888 : i32
      %add3A_890 = arith.constant 55 : i32
      %add3A_891 = arith.addi %mul3A_889, %add3A_890 : i32
      %mul3A_892 = arith.constant 384 : i32
      %mul3A_893 = arith.muli %add3A_891, %mul3A_892 : i32
      %add3A_894 = arith.addi %mul3A_893, %add3A_57 : i32
      %mul3A_895 = arith.constant 384 : i32
      %mul3A_896 = arith.muli %add3A_894, %mul3A_895 : i32
      %dma_start3A_897 = arith.constant 84480 : i32
      %dma_start3A_898 = tpu.memref_slice %arg5[%dma_start3A_897] : memref<98304xf32, #tpu.memory_space<vmem>> -> memref<1536xf32, #tpu.memory_space<vmem>>
      %dma_start3A_899 = tpu.memref_slice %arg3[%mul3A_896] : memref<37748736xf32, #tpu.memory_space<hbm>> -> memref<1536xf32, #tpu.memory_space<hbm>>
      %dma_start3A_900 = tpu.memref_slice %arg3[%mul3A_896] : memref<37748736xf32, #tpu.memory_space<hbm>> -> memref<1536xf32, #tpu.memory_space<hbm>>
      %dma_start3A_901 = arith.constant 84480 : i32
      %dma_start3A_902 = tpu.memref_slice %arg5[%dma_start3A_901] : memref<98304xf32, #tpu.memory_space<vmem>> -> memref<1536xf32, #tpu.memory_space<vmem>>
      tpu.enqueue_dma source(%dma_start3A_902 : memref<1536xf32, #tpu.memory_space<vmem>>) target(%dma_start3A_900 : memref<1536xf32, #tpu.memory_space<hbm>>) target_semaphore(%arg6 : memref<!tpu.dma_semaphore, #tpu.memory_space<semaphore_mem>>)
      %mul3A_903 = arith.constant 64 : i32
      %mul3A_904 = arith.muli %select_n3A, %mul3A_903 : i32
      %add3A_905 = arith.constant 56 : i32
      %add3A_906 = arith.addi %mul3A_904, %add3A_905 : i32
      %mul3A_907 = arith.constant 384 : i32
      %mul3A_908 = arith.muli %add3A_906, %mul3A_907 : i32
      %add3A_909 = arith.addi %mul3A_908, %add3A_57 : i32
      %mul3A_910 = arith.constant 384 : i32
      %mul3A_911 = arith.muli %add3A_909, %mul3A_910 : i32
      %dma_start3A_912 = arith.constant 86016 : i32
      %dma_start3A_913 = tpu.memref_slice %arg5[%dma_start3A_912] : memref<98304xf32, #tpu.memory_space<vmem>> -> memref<1536xf32, #tpu.memory_space<vmem>>
      %dma_start3A_914 = tpu.memref_slice %arg3[%mul3A_911] : memref<37748736xf32, #tpu.memory_space<hbm>> -> memref<1536xf32, #tpu.memory_space<hbm>>
      %dma_start3A_915 = tpu.memref_slice %arg3[%mul3A_911] : memref<37748736xf32, #tpu.memory_space<hbm>> -> memref<1536xf32, #tpu.memory_space<hbm>>
      %dma_start3A_916 = arith.constant 86016 : i32
      %dma_start3A_917 = tpu.memref_slice %arg5[%dma_start3A_916] : memref<98304xf32, #tpu.memory_space<vmem>> -> memref<1536xf32, #tpu.memory_space<vmem>>
      tpu.enqueue_dma source(%dma_start3A_917 : memref<1536xf32, #tpu.memory_space<vmem>>) target(%dma_start3A_915 : memref<1536xf32, #tpu.memory_space<hbm>>) target_semaphore(%arg6 : memref<!tpu.dma_semaphore, #tpu.memory_space<semaphore_mem>>)
      %mul3A_918 = arith.constant 64 : i32
      %mul3A_919 = arith.muli %select_n3A, %mul3A_918 : i32
      %add3A_920 = arith.constant 57 : i32
      %add3A_921 = arith.addi %mul3A_919, %add3A_920 : i32
      %mul3A_922 = arith.constant 384 : i32
      %mul3A_923 = arith.muli %add3A_921, %mul3A_922 : i32
      %add3A_924 = arith.addi %mul3A_923, %add3A_57 : i32
      %mul3A_925 = arith.constant 384 : i32
      %mul3A_926 = arith.muli %add3A_924, %mul3A_925 : i32
      %dma_start3A_927 = arith.constant 87552 : i32
      %dma_start3A_928 = tpu.memref_slice %arg5[%dma_start3A_927] : memref<98304xf32, #tpu.memory_space<vmem>> -> memref<1536xf32, #tpu.memory_space<vmem>>
      %dma_start3A_929 = tpu.memref_slice %arg3[%mul3A_926] : memref<37748736xf32, #tpu.memory_space<hbm>> -> memref<1536xf32, #tpu.memory_space<hbm>>
      %dma_start3A_930 = tpu.memref_slice %arg3[%mul3A_926] : memref<37748736xf32, #tpu.memory_space<hbm>> -> memref<1536xf32, #tpu.memory_space<hbm>>
      %dma_start3A_931 = arith.constant 87552 : i32
      %dma_start3A_932 = tpu.memref_slice %arg5[%dma_start3A_931] : memref<98304xf32, #tpu.memory_space<vmem>> -> memref<1536xf32, #tpu.memory_space<vmem>>
      tpu.enqueue_dma source(%dma_start3A_932 : memref<1536xf32, #tpu.memory_space<vmem>>) target(%dma_start3A_930 : memref<1536xf32, #tpu.memory_space<hbm>>) target_semaphore(%arg6 : memref<!tpu.dma_semaphore, #tpu.memory_space<semaphore_mem>>)
      %mul3A_933 = arith.constant 64 : i32
      %mul3A_934 = arith.muli %select_n3A, %mul3A_933 : i32
      %add3A_935 = arith.constant 58 : i32
      %add3A_936 = arith.addi %mul3A_934, %add3A_935 : i32
      %mul3A_937 = arith.constant 384 : i32
      %mul3A_938 = arith.muli %add3A_936, %mul3A_937 : i32
      %add3A_939 = arith.addi %mul3A_938, %add3A_57 : i32
      %mul3A_940 = arith.constant 384 : i32
      %mul3A_941 = arith.muli %add3A_939, %mul3A_940 : i32
      %dma_start3A_942 = arith.constant 89088 : i32
      %dma_start3A_943 = tpu.memref_slice %arg5[%dma_start3A_942] : memref<98304xf32, #tpu.memory_space<vmem>> -> memref<1536xf32, #tpu.memory_space<vmem>>
      %dma_start3A_944 = tpu.memref_slice %arg3[%mul3A_941] : memref<37748736xf32, #tpu.memory_space<hbm>> -> memref<1536xf32, #tpu.memory_space<hbm>>
      %dma_start3A_945 = tpu.memref_slice %arg3[%mul3A_941] : memref<37748736xf32, #tpu.memory_space<hbm>> -> memref<1536xf32, #tpu.memory_space<hbm>>
      %dma_start3A_946 = arith.constant 89088 : i32
      %dma_start3A_947 = tpu.memref_slice %arg5[%dma_start3A_946] : memref<98304xf32, #tpu.memory_space<vmem>> -> memref<1536xf32, #tpu.memory_space<vmem>>
      tpu.enqueue_dma source(%dma_start3A_947 : memref<1536xf32, #tpu.memory_space<vmem>>) target(%dma_start3A_945 : memref<1536xf32, #tpu.memory_space<hbm>>) target_semaphore(%arg6 : memref<!tpu.dma_semaphore, #tpu.memory_space<semaphore_mem>>)
      %mul3A_948 = arith.constant 64 : i32
      %mul3A_949 = arith.muli %select_n3A, %mul3A_948 : i32
      %add3A_950 = arith.constant 59 : i32
      %add3A_951 = arith.addi %mul3A_949, %add3A_950 : i32
      %mul3A_952 = arith.constant 384 : i32
      %mul3A_953 = arith.muli %add3A_951, %mul3A_952 : i32
      %add3A_954 = arith.addi %mul3A_953, %add3A_57 : i32
      %mul3A_955 = arith.constant 384 : i32
      %mul3A_956 = arith.muli %add3A_954, %mul3A_955 : i32
      %dma_start3A_957 = arith.constant 90624 : i32
      %dma_start3A_958 = tpu.memref_slice %arg5[%dma_start3A_957] : memref<98304xf32, #tpu.memory_space<vmem>> -> memref<1536xf32, #tpu.memory_space<vmem>>
      %dma_start3A_959 = tpu.memref_slice %arg3[%mul3A_956] : memref<37748736xf32, #tpu.memory_space<hbm>> -> memref<1536xf32, #tpu.memory_space<hbm>>
      %dma_start3A_960 = tpu.memref_slice %arg3[%mul3A_956] : memref<37748736xf32, #tpu.memory_space<hbm>> -> memref<1536xf32, #tpu.memory_space<hbm>>
      %dma_start3A_961 = arith.constant 90624 : i32
      %dma_start3A_962 = tpu.memref_slice %arg5[%dma_start3A_961] : memref<98304xf32, #tpu.memory_space<vmem>> -> memref<1536xf32, #tpu.memory_space<vmem>>
      tpu.enqueue_dma source(%dma_start3A_962 : memref<1536xf32, #tpu.memory_space<vmem>>) target(%dma_start3A_960 : memref<1536xf32, #tpu.memory_space<hbm>>) target_semaphore(%arg6 : memref<!tpu.dma_semaphore, #tpu.memory_space<semaphore_mem>>)
      %mul3A_963 = arith.constant 64 : i32
      %mul3A_964 = arith.muli %select_n3A, %mul3A_963 : i32
      %add3A_965 = arith.constant 60 : i32
      %add3A_966 = arith.addi %mul3A_964, %add3A_965 : i32
      %mul3A_967 = arith.constant 384 : i32
      %mul3A_968 = arith.muli %add3A_966, %mul3A_967 : i32
      %add3A_969 = arith.addi %mul3A_968, %add3A_57 : i32
      %mul3A_970 = arith.constant 384 : i32
      %mul3A_971 = arith.muli %add3A_969, %mul3A_970 : i32
      %dma_start3A_972 = arith.constant 92160 : i32
      %dma_start3A_973 = tpu.memref_slice %arg5[%dma_start3A_972] : memref<98304xf32, #tpu.memory_space<vmem>> -> memref<1536xf32, #tpu.memory_space<vmem>>
      %dma_start3A_974 = tpu.memref_slice %arg3[%mul3A_971] : memref<37748736xf32, #tpu.memory_space<hbm>> -> memref<1536xf32, #tpu.memory_space<hbm>>
      %dma_start3A_975 = tpu.memref_slice %arg3[%mul3A_971] : memref<37748736xf32, #tpu.memory_space<hbm>> -> memref<1536xf32, #tpu.memory_space<hbm>>
      %dma_start3A_976 = arith.constant 92160 : i32
      %dma_start3A_977 = tpu.memref_slice %arg5[%dma_start3A_976] : memref<98304xf32, #tpu.memory_space<vmem>> -> memref<1536xf32, #tpu.memory_space<vmem>>
      tpu.enqueue_dma source(%dma_start3A_977 : memref<1536xf32, #tpu.memory_space<vmem>>) target(%dma_start3A_975 : memref<1536xf32, #tpu.memory_space<hbm>>) target_semaphore(%arg6 : memref<!tpu.dma_semaphore, #tpu.memory_space<semaphore_mem>>)
      %mul3A_978 = arith.constant 64 : i32
      %mul3A_979 = arith.muli %select_n3A, %mul3A_978 : i32
      %add3A_980 = arith.constant 61 : i32
      %add3A_981 = arith.addi %mul3A_979, %add3A_980 : i32
      %mul3A_982 = arith.constant 384 : i32
      %mul3A_983 = arith.muli %add3A_981, %mul3A_982 : i32
      %add3A_984 = arith.addi %mul3A_983, %add3A_57 : i32
      %mul3A_985 = arith.constant 384 : i32
      %mul3A_986 = arith.muli %add3A_984, %mul3A_985 : i32
      %dma_start3A_987 = arith.constant 93696 : i32
      %dma_start3A_988 = tpu.memref_slice %arg5[%dma_start3A_987] : memref<98304xf32, #tpu.memory_space<vmem>> -> memref<1536xf32, #tpu.memory_space<vmem>>
      %dma_start3A_989 = tpu.memref_slice %arg3[%mul3A_986] : memref<37748736xf32, #tpu.memory_space<hbm>> -> memref<1536xf32, #tpu.memory_space<hbm>>
      %dma_start3A_990 = tpu.memref_slice %arg3[%mul3A_986] : memref<37748736xf32, #tpu.memory_space<hbm>> -> memref<1536xf32, #tpu.memory_space<hbm>>
      %dma_start3A_991 = arith.constant 93696 : i32
      %dma_start3A_992 = tpu.memref_slice %arg5[%dma_start3A_991] : memref<98304xf32, #tpu.memory_space<vmem>> -> memref<1536xf32, #tpu.memory_space<vmem>>
      tpu.enqueue_dma source(%dma_start3A_992 : memref<1536xf32, #tpu.memory_space<vmem>>) target(%dma_start3A_990 : memref<1536xf32, #tpu.memory_space<hbm>>) target_semaphore(%arg6 : memref<!tpu.dma_semaphore, #tpu.memory_space<semaphore_mem>>)
      %mul3A_993 = arith.constant 64 : i32
      %mul3A_994 = arith.muli %select_n3A, %mul3A_993 : i32
      %add3A_995 = arith.constant 62 : i32
      %add3A_996 = arith.addi %mul3A_994, %add3A_995 : i32
      %mul3A_997 = arith.constant 384 : i32
      %mul3A_998 = arith.muli %add3A_996, %mul3A_997 : i32
      %add3A_999 = arith.addi %mul3A_998, %add3A_57 : i32
      %mul3A_1000 = arith.constant 384 : i32
      %mul3A_1001 = arith.muli %add3A_999, %mul3A_1000 : i32
      %dma_start3A_1002 = arith.constant 95232 : i32
      %dma_start3A_1003 = tpu.memref_slice %arg5[%dma_start3A_1002] : memref<98304xf32, #tpu.memory_space<vmem>> -> memref<1536xf32, #tpu.memory_space<vmem>>
      %dma_start3A_1004 = tpu.memref_slice %arg3[%mul3A_1001] : memref<37748736xf32, #tpu.memory_space<hbm>> -> memref<1536xf32, #tpu.memory_space<hbm>>
      %dma_start3A_1005 = tpu.memref_slice %arg3[%mul3A_1001] : memref<37748736xf32, #tpu.memory_space<hbm>> -> memref<1536xf32, #tpu.memory_space<hbm>>
      %dma_start3A_1006 = arith.constant 95232 : i32
      %dma_start3A_1007 = tpu.memref_slice %arg5[%dma_start3A_1006] : memref<98304xf32, #tpu.memory_space<vmem>> -> memref<1536xf32, #tpu.memory_space<vmem>>
      tpu.enqueue_dma source(%dma_start3A_1007 : memref<1536xf32, #tpu.memory_space<vmem>>) target(%dma_start3A_1005 : memref<1536xf32, #tpu.memory_space<hbm>>) target_semaphore(%arg6 : memref<!tpu.dma_semaphore, #tpu.memory_space<semaphore_mem>>)
      %mul3A_1008 = arith.constant 64 : i32
      %mul3A_1009 = arith.muli %select_n3A, %mul3A_1008 : i32
      %add3A_1010 = arith.constant 63 : i32
      %add3A_1011 = arith.addi %mul3A_1009, %add3A_1010 : i32
      %mul3A_1012 = arith.constant 384 : i32
      %mul3A_1013 = arith.muli %add3A_1011, %mul3A_1012 : i32
      %add3A_1014 = arith.addi %mul3A_1013, %add3A_57 : i32
      %mul3A_1015 = arith.constant 384 : i32
      %mul3A_1016 = arith.muli %add3A_1014, %mul3A_1015 : i32
      %dma_start3A_1017 = arith.constant 96768 : i32
      %dma_start3A_1018 = tpu.memref_slice %arg5[%dma_start3A_1017] : memref<98304xf32, #tpu.memory_space<vmem>> -> memref<1536xf32, #tpu.memory_space<vmem>>
      %dma_start3A_1019 = tpu.memref_slice %arg3[%mul3A_1016] : memref<37748736xf32, #tpu.memory_space<hbm>> -> memref<1536xf32, #tpu.memory_space<hbm>>
      %dma_start3A_1020 = tpu.memref_slice %arg3[%mul3A_1016] : memref<37748736xf32, #tpu.memory_space<hbm>> -> memref<1536xf32, #tpu.memory_space<hbm>>
      %dma_start3A_1021 = arith.constant 96768 : i32
      %dma_start3A_1022 = tpu.memref_slice %arg5[%dma_start3A_1021] : memref<98304xf32, #tpu.memory_space<vmem>> -> memref<1536xf32, #tpu.memory_space<vmem>>
      tpu.enqueue_dma source(%dma_start3A_1022 : memref<1536xf32, #tpu.memory_space<vmem>>) target(%dma_start3A_1020 : memref<1536xf32, #tpu.memory_space<hbm>>) target_semaphore(%arg6 : memref<!tpu.dma_semaphore, #tpu.memory_space<semaphore_mem>>)
      %dma_wait3A = arith.constant 0 : i32
      %dma_wait3A_1023 = tpu.memref_slice %arg5[%dma_wait3A] : memref<98304xf32, #tpu.memory_space<vmem>> -> memref<1536xf32, #tpu.memory_space<vmem>>
      %dma_wait3A_1024 = tpu.memref_slice %arg3[%mul3A_72] : memref<37748736xf32, #tpu.memory_space<hbm>> -> memref<1536xf32, #tpu.memory_space<hbm>>
      %dma_wait3A_1025 = tpu.memref_slice %arg3[%mul3A_72] : memref<37748736xf32, #tpu.memory_space<hbm>> -> memref<1536xf32, #tpu.memory_space<hbm>>
      %dma_wait3A_1026 = arith.constant 0 : i32
      %dma_wait3A_1027 = tpu.memref_slice %arg5[%dma_wait3A_1026] : memref<98304xf32, #tpu.memory_space<vmem>> -> memref<1536xf32, #tpu.memory_space<vmem>>
      tpu.wait_dma2 semaphore(%arg6 : memref<!tpu.dma_semaphore, #tpu.memory_space<semaphore_mem>>) src(%dma_wait3A_1027 : memref<1536xf32, #tpu.memory_space<vmem>>) dst(%dma_wait3A_1025 : memref<1536xf32, #tpu.memory_space<hbm>>)
      %dma_wait3A_1028 = arith.constant 1536 : i32
      %dma_wait3A_1029 = tpu.memref_slice %arg5[%dma_wait3A_1028] : memref<98304xf32, #tpu.memory_space<vmem>> -> memref<1536xf32, #tpu.memory_space<vmem>>
      %dma_wait3A_1030 = tpu.memref_slice %arg3[%mul3A_86] : memref<37748736xf32, #tpu.memory_space<hbm>> -> memref<1536xf32, #tpu.memory_space<hbm>>
      %dma_wait3A_1031 = tpu.memref_slice %arg3[%mul3A_86] : memref<37748736xf32, #tpu.memory_space<hbm>> -> memref<1536xf32, #tpu.memory_space<hbm>>
      %dma_wait3A_1032 = arith.constant 1536 : i32
      %dma_wait3A_1033 = tpu.memref_slice %arg5[%dma_wait3A_1032] : memref<98304xf32, #tpu.memory_space<vmem>> -> memref<1536xf32, #tpu.memory_space<vmem>>
      tpu.wait_dma2 semaphore(%arg6 : memref<!tpu.dma_semaphore, #tpu.memory_space<semaphore_mem>>) src(%dma_wait3A_1033 : memref<1536xf32, #tpu.memory_space<vmem>>) dst(%dma_wait3A_1031 : memref<1536xf32, #tpu.memory_space<hbm>>)
      %dma_wait3A_1034 = arith.constant 3072 : i32
      %dma_wait3A_1035 = tpu.memref_slice %arg5[%dma_wait3A_1034] : memref<98304xf32, #tpu.memory_space<vmem>> -> memref<1536xf32, #tpu.memory_space<vmem>>
      %dma_wait3A_1036 = tpu.memref_slice %arg3[%mul3A_101] : memref<37748736xf32, #tpu.memory_space<hbm>> -> memref<1536xf32, #tpu.memory_space<hbm>>
      %dma_wait3A_1037 = tpu.memref_slice %arg3[%mul3A_101] : memref<37748736xf32, #tpu.memory_space<hbm>> -> memref<1536xf32, #tpu.memory_space<hbm>>
      %dma_wait3A_1038 = arith.constant 3072 : i32
      %dma_wait3A_1039 = tpu.memref_slice %arg5[%dma_wait3A_1038] : memref<98304xf32, #tpu.memory_space<vmem>> -> memref<1536xf32, #tpu.memory_space<vmem>>
      tpu.wait_dma2 semaphore(%arg6 : memref<!tpu.dma_semaphore, #tpu.memory_space<semaphore_mem>>) src(%dma_wait3A_1039 : memref<1536xf32, #tpu.memory_space<vmem>>) dst(%dma_wait3A_1037 : memref<1536xf32, #tpu.memory_space<hbm>>)
      %dma_wait3A_1040 = arith.constant 4608 : i32
      %dma_wait3A_1041 = tpu.memref_slice %arg5[%dma_wait3A_1040] : memref<98304xf32, #tpu.memory_space<vmem>> -> memref<1536xf32, #tpu.memory_space<vmem>>
      %dma_wait3A_1042 = tpu.memref_slice %arg3[%mul3A_116] : memref<37748736xf32, #tpu.memory_space<hbm>> -> memref<1536xf32, #tpu.memory_space<hbm>>
      %dma_wait3A_1043 = tpu.memref_slice %arg3[%mul3A_116] : memref<37748736xf32, #tpu.memory_space<hbm>> -> memref<1536xf32, #tpu.memory_space<hbm>>
      %dma_wait3A_1044 = arith.constant 4608 : i32
      %dma_wait3A_1045 = tpu.memref_slice %arg5[%dma_wait3A_1044] : memref<98304xf32, #tpu.memory_space<vmem>> -> memref<1536xf32, #tpu.memory_space<vmem>>
      tpu.wait_dma2 semaphore(%arg6 : memref<!tpu.dma_semaphore, #tpu.memory_space<semaphore_mem>>) src(%dma_wait3A_1045 : memref<1536xf32, #tpu.memory_space<vmem>>) dst(%dma_wait3A_1043 : memref<1536xf32, #tpu.memory_space<hbm>>)
      %dma_wait3A_1046 = arith.constant 6144 : i32
      %dma_wait3A_1047 = tpu.memref_slice %arg5[%dma_wait3A_1046] : memref<98304xf32, #tpu.memory_space<vmem>> -> memref<1536xf32, #tpu.memory_space<vmem>>
      %dma_wait3A_1048 = tpu.memref_slice %arg3[%mul3A_131] : memref<37748736xf32, #tpu.memory_space<hbm>> -> memref<1536xf32, #tpu.memory_space<hbm>>
      %dma_wait3A_1049 = tpu.memref_slice %arg3[%mul3A_131] : memref<37748736xf32, #tpu.memory_space<hbm>> -> memref<1536xf32, #tpu.memory_space<hbm>>
      %dma_wait3A_1050 = arith.constant 6144 : i32
      %dma_wait3A_1051 = tpu.memref_slice %arg5[%dma_wait3A_1050] : memref<98304xf32, #tpu.memory_space<vmem>> -> memref<1536xf32, #tpu.memory_space<vmem>>
      tpu.wait_dma2 semaphore(%arg6 : memref<!tpu.dma_semaphore, #tpu.memory_space<semaphore_mem>>) src(%dma_wait3A_1051 : memref<1536xf32, #tpu.memory_space<vmem>>) dst(%dma_wait3A_1049 : memref<1536xf32, #tpu.memory_space<hbm>>)
      %dma_wait3A_1052 = arith.constant 7680 : i32
      %dma_wait3A_1053 = tpu.memref_slice %arg5[%dma_wait3A_1052] : memref<98304xf32, #tpu.memory_space<vmem>> -> memref<1536xf32, #tpu.memory_space<vmem>>
      %dma_wait3A_1054 = tpu.memref_slice %arg3[%mul3A_146] : memref<37748736xf32, #tpu.memory_space<hbm>> -> memref<1536xf32, #tpu.memory_space<hbm>>
      %dma_wait3A_1055 = tpu.memref_slice %arg3[%mul3A_146] : memref<37748736xf32, #tpu.memory_space<hbm>> -> memref<1536xf32, #tpu.memory_space<hbm>>
      %dma_wait3A_1056 = arith.constant 7680 : i32
      %dma_wait3A_1057 = tpu.memref_slice %arg5[%dma_wait3A_1056] : memref<98304xf32, #tpu.memory_space<vmem>> -> memref<1536xf32, #tpu.memory_space<vmem>>
      tpu.wait_dma2 semaphore(%arg6 : memref<!tpu.dma_semaphore, #tpu.memory_space<semaphore_mem>>) src(%dma_wait3A_1057 : memref<1536xf32, #tpu.memory_space<vmem>>) dst(%dma_wait3A_1055 : memref<1536xf32, #tpu.memory_space<hbm>>)
      %dma_wait3A_1058 = arith.constant 9216 : i32
      %dma_wait3A_1059 = tpu.memref_slice %arg5[%dma_wait3A_1058] : memref<98304xf32, #tpu.memory_space<vmem>> -> memref<1536xf32, #tpu.memory_space<vmem>>
      %dma_wait3A_1060 = tpu.memref_slice %arg3[%mul3A_161] : memref<37748736xf32, #tpu.memory_space<hbm>> -> memref<1536xf32, #tpu.memory_space<hbm>>
      %dma_wait3A_1061 = tpu.memref_slice %arg3[%mul3A_161] : memref<37748736xf32, #tpu.memory_space<hbm>> -> memref<1536xf32, #tpu.memory_space<hbm>>
      %dma_wait3A_1062 = arith.constant 9216 : i32
      %dma_wait3A_1063 = tpu.memref_slice %arg5[%dma_wait3A_1062] : memref<98304xf32, #tpu.memory_space<vmem>> -> memref<1536xf32, #tpu.memory_space<vmem>>
      tpu.wait_dma2 semaphore(%arg6 : memref<!tpu.dma_semaphore, #tpu.memory_space<semaphore_mem>>) src(%dma_wait3A_1063 : memref<1536xf32, #tpu.memory_space<vmem>>) dst(%dma_wait3A_1061 : memref<1536xf32, #tpu.memory_space<hbm>>)
      %dma_wait3A_1064 = arith.constant 10752 : i32
      %dma_wait3A_1065 = tpu.memref_slice %arg5[%dma_wait3A_1064] : memref<98304xf32, #tpu.memory_space<vmem>> -> memref<1536xf32, #tpu.memory_space<vmem>>
      %dma_wait3A_1066 = tpu.memref_slice %arg3[%mul3A_176] : memref<37748736xf32, #tpu.memory_space<hbm>> -> memref<1536xf32, #tpu.memory_space<hbm>>
      %dma_wait3A_1067 = tpu.memref_slice %arg3[%mul3A_176] : memref<37748736xf32, #tpu.memory_space<hbm>> -> memref<1536xf32, #tpu.memory_space<hbm>>
      %dma_wait3A_1068 = arith.constant 10752 : i32
      %dma_wait3A_1069 = tpu.memref_slice %arg5[%dma_wait3A_1068] : memref<98304xf32, #tpu.memory_space<vmem>> -> memref<1536xf32, #tpu.memory_space<vmem>>
      tpu.wait_dma2 semaphore(%arg6 : memref<!tpu.dma_semaphore, #tpu.memory_space<semaphore_mem>>) src(%dma_wait3A_1069 : memref<1536xf32, #tpu.memory_space<vmem>>) dst(%dma_wait3A_1067 : memref<1536xf32, #tpu.memory_space<hbm>>)
      %dma_wait3A_1070 = arith.constant 12288 : i32
      %dma_wait3A_1071 = tpu.memref_slice %arg5[%dma_wait3A_1070] : memref<98304xf32, #tpu.memory_space<vmem>> -> memref<1536xf32, #tpu.memory_space<vmem>>
      %dma_wait3A_1072 = tpu.memref_slice %arg3[%mul3A_191] : memref<37748736xf32, #tpu.memory_space<hbm>> -> memref<1536xf32, #tpu.memory_space<hbm>>
      %dma_wait3A_1073 = tpu.memref_slice %arg3[%mul3A_191] : memref<37748736xf32, #tpu.memory_space<hbm>> -> memref<1536xf32, #tpu.memory_space<hbm>>
      %dma_wait3A_1074 = arith.constant 12288 : i32
      %dma_wait3A_1075 = tpu.memref_slice %arg5[%dma_wait3A_1074] : memref<98304xf32, #tpu.memory_space<vmem>> -> memref<1536xf32, #tpu.memory_space<vmem>>
      tpu.wait_dma2 semaphore(%arg6 : memref<!tpu.dma_semaphore, #tpu.memory_space<semaphore_mem>>) src(%dma_wait3A_1075 : memref<1536xf32, #tpu.memory_space<vmem>>) dst(%dma_wait3A_1073 : memref<1536xf32, #tpu.memory_space<hbm>>)
      %dma_wait3A_1076 = arith.constant 13824 : i32
      %dma_wait3A_1077 = tpu.memref_slice %arg5[%dma_wait3A_1076] : memref<98304xf32, #tpu.memory_space<vmem>> -> memref<1536xf32, #tpu.memory_space<vmem>>
      %dma_wait3A_1078 = tpu.memref_slice %arg3[%mul3A_206] : memref<37748736xf32, #tpu.memory_space<hbm>> -> memref<1536xf32, #tpu.memory_space<hbm>>
      %dma_wait3A_1079 = tpu.memref_slice %arg3[%mul3A_206] : memref<37748736xf32, #tpu.memory_space<hbm>> -> memref<1536xf32, #tpu.memory_space<hbm>>
      %dma_wait3A_1080 = arith.constant 13824 : i32
      %dma_wait3A_1081 = tpu.memref_slice %arg5[%dma_wait3A_1080] : memref<98304xf32, #tpu.memory_space<vmem>> -> memref<1536xf32, #tpu.memory_space<vmem>>
      tpu.wait_dma2 semaphore(%arg6 : memref<!tpu.dma_semaphore, #tpu.memory_space<semaphore_mem>>) src(%dma_wait3A_1081 : memref<1536xf32, #tpu.memory_space<vmem>>) dst(%dma_wait3A_1079 : memref<1536xf32, #tpu.memory_space<hbm>>)
      %dma_wait3A_1082 = arith.constant 15360 : i32
      %dma_wait3A_1083 = tpu.memref_slice %arg5[%dma_wait3A_1082] : memref<98304xf32, #tpu.memory_space<vmem>> -> memref<1536xf32, #tpu.memory_space<vmem>>
      %dma_wait3A_1084 = tpu.memref_slice %arg3[%mul3A_221] : memref<37748736xf32, #tpu.memory_space<hbm>> -> memref<1536xf32, #tpu.memory_space<hbm>>
      %dma_wait3A_1085 = tpu.memref_slice %arg3[%mul3A_221] : memref<37748736xf32, #tpu.memory_space<hbm>> -> memref<1536xf32, #tpu.memory_space<hbm>>
      %dma_wait3A_1086 = arith.constant 15360 : i32
      %dma_wait3A_1087 = tpu.memref_slice %arg5[%dma_wait3A_1086] : memref<98304xf32, #tpu.memory_space<vmem>> -> memref<1536xf32, #tpu.memory_space<vmem>>
      tpu.wait_dma2 semaphore(%arg6 : memref<!tpu.dma_semaphore, #tpu.memory_space<semaphore_mem>>) src(%dma_wait3A_1087 : memref<1536xf32, #tpu.memory_space<vmem>>) dst(%dma_wait3A_1085 : memref<1536xf32, #tpu.memory_space<hbm>>)
      %dma_wait3A_1088 = arith.constant 16896 : i32
      %dma_wait3A_1089 = tpu.memref_slice %arg5[%dma_wait3A_1088] : memref<98304xf32, #tpu.memory_space<vmem>> -> memref<1536xf32, #tpu.memory_space<vmem>>
      %dma_wait3A_1090 = tpu.memref_slice %arg3[%mul3A_236] : memref<37748736xf32, #tpu.memory_space<hbm>> -> memref<1536xf32, #tpu.memory_space<hbm>>
      %dma_wait3A_1091 = tpu.memref_slice %arg3[%mul3A_236] : memref<37748736xf32, #tpu.memory_space<hbm>> -> memref<1536xf32, #tpu.memory_space<hbm>>
      %dma_wait3A_1092 = arith.constant 16896 : i32
      %dma_wait3A_1093 = tpu.memref_slice %arg5[%dma_wait3A_1092] : memref<98304xf32, #tpu.memory_space<vmem>> -> memref<1536xf32, #tpu.memory_space<vmem>>
      tpu.wait_dma2 semaphore(%arg6 : memref<!tpu.dma_semaphore, #tpu.memory_space<semaphore_mem>>) src(%dma_wait3A_1093 : memref<1536xf32, #tpu.memory_space<vmem>>) dst(%dma_wait3A_1091 : memref<1536xf32, #tpu.memory_space<hbm>>)
      %dma_wait3A_1094 = arith.constant 18432 : i32
      %dma_wait3A_1095 = tpu.memref_slice %arg5[%dma_wait3A_1094] : memref<98304xf32, #tpu.memory_space<vmem>> -> memref<1536xf32, #tpu.memory_space<vmem>>
      %dma_wait3A_1096 = tpu.memref_slice %arg3[%mul3A_251] : memref<37748736xf32, #tpu.memory_space<hbm>> -> memref<1536xf32, #tpu.memory_space<hbm>>
      %dma_wait3A_1097 = tpu.memref_slice %arg3[%mul3A_251] : memref<37748736xf32, #tpu.memory_space<hbm>> -> memref<1536xf32, #tpu.memory_space<hbm>>
      %dma_wait3A_1098 = arith.constant 18432 : i32
      %dma_wait3A_1099 = tpu.memref_slice %arg5[%dma_wait3A_1098] : memref<98304xf32, #tpu.memory_space<vmem>> -> memref<1536xf32, #tpu.memory_space<vmem>>
      tpu.wait_dma2 semaphore(%arg6 : memref<!tpu.dma_semaphore, #tpu.memory_space<semaphore_mem>>) src(%dma_wait3A_1099 : memref<1536xf32, #tpu.memory_space<vmem>>) dst(%dma_wait3A_1097 : memref<1536xf32, #tpu.memory_space<hbm>>)
      %dma_wait3A_1100 = arith.constant 19968 : i32
      %dma_wait3A_1101 = tpu.memref_slice %arg5[%dma_wait3A_1100] : memref<98304xf32, #tpu.memory_space<vmem>> -> memref<1536xf32, #tpu.memory_space<vmem>>
      %dma_wait3A_1102 = tpu.memref_slice %arg3[%mul3A_266] : memref<37748736xf32, #tpu.memory_space<hbm>> -> memref<1536xf32, #tpu.memory_space<hbm>>
      %dma_wait3A_1103 = tpu.memref_slice %arg3[%mul3A_266] : memref<37748736xf32, #tpu.memory_space<hbm>> -> memref<1536xf32, #tpu.memory_space<hbm>>
      %dma_wait3A_1104 = arith.constant 19968 : i32
      %dma_wait3A_1105 = tpu.memref_slice %arg5[%dma_wait3A_1104] : memref<98304xf32, #tpu.memory_space<vmem>> -> memref<1536xf32, #tpu.memory_space<vmem>>
      tpu.wait_dma2 semaphore(%arg6 : memref<!tpu.dma_semaphore, #tpu.memory_space<semaphore_mem>>) src(%dma_wait3A_1105 : memref<1536xf32, #tpu.memory_space<vmem>>) dst(%dma_wait3A_1103 : memref<1536xf32, #tpu.memory_space<hbm>>)
      %dma_wait3A_1106 = arith.constant 21504 : i32
      %dma_wait3A_1107 = tpu.memref_slice %arg5[%dma_wait3A_1106] : memref<98304xf32, #tpu.memory_space<vmem>> -> memref<1536xf32, #tpu.memory_space<vmem>>
      %dma_wait3A_1108 = tpu.memref_slice %arg3[%mul3A_281] : memref<37748736xf32, #tpu.memory_space<hbm>> -> memref<1536xf32, #tpu.memory_space<hbm>>
      %dma_wait3A_1109 = tpu.memref_slice %arg3[%mul3A_281] : memref<37748736xf32, #tpu.memory_space<hbm>> -> memref<1536xf32, #tpu.memory_space<hbm>>
      %dma_wait3A_1110 = arith.constant 21504 : i32
      %dma_wait3A_1111 = tpu.memref_slice %arg5[%dma_wait3A_1110] : memref<98304xf32, #tpu.memory_space<vmem>> -> memref<1536xf32, #tpu.memory_space<vmem>>
      tpu.wait_dma2 semaphore(%arg6 : memref<!tpu.dma_semaphore, #tpu.memory_space<semaphore_mem>>) src(%dma_wait3A_1111 : memref<1536xf32, #tpu.memory_space<vmem>>) dst(%dma_wait3A_1109 : memref<1536xf32, #tpu.memory_space<hbm>>)
      %dma_wait3A_1112 = arith.constant 23040 : i32
      %dma_wait3A_1113 = tpu.memref_slice %arg5[%dma_wait3A_1112] : memref<98304xf32, #tpu.memory_space<vmem>> -> memref<1536xf32, #tpu.memory_space<vmem>>
      %dma_wait3A_1114 = tpu.memref_slice %arg3[%mul3A_296] : memref<37748736xf32, #tpu.memory_space<hbm>> -> memref<1536xf32, #tpu.memory_space<hbm>>
      %dma_wait3A_1115 = tpu.memref_slice %arg3[%mul3A_296] : memref<37748736xf32, #tpu.memory_space<hbm>> -> memref<1536xf32, #tpu.memory_space<hbm>>
      %dma_wait3A_1116 = arith.constant 23040 : i32
      %dma_wait3A_1117 = tpu.memref_slice %arg5[%dma_wait3A_1116] : memref<98304xf32, #tpu.memory_space<vmem>> -> memref<1536xf32, #tpu.memory_space<vmem>>
      tpu.wait_dma2 semaphore(%arg6 : memref<!tpu.dma_semaphore, #tpu.memory_space<semaphore_mem>>) src(%dma_wait3A_1117 : memref<1536xf32, #tpu.memory_space<vmem>>) dst(%dma_wait3A_1115 : memref<1536xf32, #tpu.memory_space<hbm>>)
      %dma_wait3A_1118 = arith.constant 24576 : i32
      %dma_wait3A_1119 = tpu.memref_slice %arg5[%dma_wait3A_1118] : memref<98304xf32, #tpu.memory_space<vmem>> -> memref<1536xf32, #tpu.memory_space<vmem>>
      %dma_wait3A_1120 = tpu.memref_slice %arg3[%mul3A_311] : memref<37748736xf32, #tpu.memory_space<hbm>> -> memref<1536xf32, #tpu.memory_space<hbm>>
      %dma_wait3A_1121 = tpu.memref_slice %arg3[%mul3A_311] : memref<37748736xf32, #tpu.memory_space<hbm>> -> memref<1536xf32, #tpu.memory_space<hbm>>
      %dma_wait3A_1122 = arith.constant 24576 : i32
      %dma_wait3A_1123 = tpu.memref_slice %arg5[%dma_wait3A_1122] : memref<98304xf32, #tpu.memory_space<vmem>> -> memref<1536xf32, #tpu.memory_space<vmem>>
      tpu.wait_dma2 semaphore(%arg6 : memref<!tpu.dma_semaphore, #tpu.memory_space<semaphore_mem>>) src(%dma_wait3A_1123 : memref<1536xf32, #tpu.memory_space<vmem>>) dst(%dma_wait3A_1121 : memref<1536xf32, #tpu.memory_space<hbm>>)
      %dma_wait3A_1124 = arith.constant 26112 : i32
      %dma_wait3A_1125 = tpu.memref_slice %arg5[%dma_wait3A_1124] : memref<98304xf32, #tpu.memory_space<vmem>> -> memref<1536xf32, #tpu.memory_space<vmem>>
      %dma_wait3A_1126 = tpu.memref_slice %arg3[%mul3A_326] : memref<37748736xf32, #tpu.memory_space<hbm>> -> memref<1536xf32, #tpu.memory_space<hbm>>
      %dma_wait3A_1127 = tpu.memref_slice %arg3[%mul3A_326] : memref<37748736xf32, #tpu.memory_space<hbm>> -> memref<1536xf32, #tpu.memory_space<hbm>>
      %dma_wait3A_1128 = arith.constant 26112 : i32
      %dma_wait3A_1129 = tpu.memref_slice %arg5[%dma_wait3A_1128] : memref<98304xf32, #tpu.memory_space<vmem>> -> memref<1536xf32, #tpu.memory_space<vmem>>
      tpu.wait_dma2 semaphore(%arg6 : memref<!tpu.dma_semaphore, #tpu.memory_space<semaphore_mem>>) src(%dma_wait3A_1129 : memref<1536xf32, #tpu.memory_space<vmem>>) dst(%dma_wait3A_1127 : memref<1536xf32, #tpu.memory_space<hbm>>)
      %dma_wait3A_1130 = arith.constant 27648 : i32
      %dma_wait3A_1131 = tpu.memref_slice %arg5[%dma_wait3A_1130] : memref<98304xf32, #tpu.memory_space<vmem>> -> memref<1536xf32, #tpu.memory_space<vmem>>
      %dma_wait3A_1132 = tpu.memref_slice %arg3[%mul3A_341] : memref<37748736xf32, #tpu.memory_space<hbm>> -> memref<1536xf32, #tpu.memory_space<hbm>>
      %dma_wait3A_1133 = tpu.memref_slice %arg3[%mul3A_341] : memref<37748736xf32, #tpu.memory_space<hbm>> -> memref<1536xf32, #tpu.memory_space<hbm>>
      %dma_wait3A_1134 = arith.constant 27648 : i32
      %dma_wait3A_1135 = tpu.memref_slice %arg5[%dma_wait3A_1134] : memref<98304xf32, #tpu.memory_space<vmem>> -> memref<1536xf32, #tpu.memory_space<vmem>>
      tpu.wait_dma2 semaphore(%arg6 : memref<!tpu.dma_semaphore, #tpu.memory_space<semaphore_mem>>) src(%dma_wait3A_1135 : memref<1536xf32, #tpu.memory_space<vmem>>) dst(%dma_wait3A_1133 : memref<1536xf32, #tpu.memory_space<hbm>>)
      %dma_wait3A_1136 = arith.constant 29184 : i32
      %dma_wait3A_1137 = tpu.memref_slice %arg5[%dma_wait3A_1136] : memref<98304xf32, #tpu.memory_space<vmem>> -> memref<1536xf32, #tpu.memory_space<vmem>>
      %dma_wait3A_1138 = tpu.memref_slice %arg3[%mul3A_356] : memref<37748736xf32, #tpu.memory_space<hbm>> -> memref<1536xf32, #tpu.memory_space<hbm>>
      %dma_wait3A_1139 = tpu.memref_slice %arg3[%mul3A_356] : memref<37748736xf32, #tpu.memory_space<hbm>> -> memref<1536xf32, #tpu.memory_space<hbm>>
      %dma_wait3A_1140 = arith.constant 29184 : i32
      %dma_wait3A_1141 = tpu.memref_slice %arg5[%dma_wait3A_1140] : memref<98304xf32, #tpu.memory_space<vmem>> -> memref<1536xf32, #tpu.memory_space<vmem>>
      tpu.wait_dma2 semaphore(%arg6 : memref<!tpu.dma_semaphore, #tpu.memory_space<semaphore_mem>>) src(%dma_wait3A_1141 : memref<1536xf32, #tpu.memory_space<vmem>>) dst(%dma_wait3A_1139 : memref<1536xf32, #tpu.memory_space<hbm>>)
      %dma_wait3A_1142 = arith.constant 30720 : i32
      %dma_wait3A_1143 = tpu.memref_slice %arg5[%dma_wait3A_1142] : memref<98304xf32, #tpu.memory_space<vmem>> -> memref<1536xf32, #tpu.memory_space<vmem>>
      %dma_wait3A_1144 = tpu.memref_slice %arg3[%mul3A_371] : memref<37748736xf32, #tpu.memory_space<hbm>> -> memref<1536xf32, #tpu.memory_space<hbm>>
      %dma_wait3A_1145 = tpu.memref_slice %arg3[%mul3A_371] : memref<37748736xf32, #tpu.memory_space<hbm>> -> memref<1536xf32, #tpu.memory_space<hbm>>
      %dma_wait3A_1146 = arith.constant 30720 : i32
      %dma_wait3A_1147 = tpu.memref_slice %arg5[%dma_wait3A_1146] : memref<98304xf32, #tpu.memory_space<vmem>> -> memref<1536xf32, #tpu.memory_space<vmem>>
      tpu.wait_dma2 semaphore(%arg6 : memref<!tpu.dma_semaphore, #tpu.memory_space<semaphore_mem>>) src(%dma_wait3A_1147 : memref<1536xf32, #tpu.memory_space<vmem>>) dst(%dma_wait3A_1145 : memref<1536xf32, #tpu.memory_space<hbm>>)
      %dma_wait3A_1148 = arith.constant 32256 : i32
      %dma_wait3A_1149 = tpu.memref_slice %arg5[%dma_wait3A_1148] : memref<98304xf32, #tpu.memory_space<vmem>> -> memref<1536xf32, #tpu.memory_space<vmem>>
      %dma_wait3A_1150 = tpu.memref_slice %arg3[%mul3A_386] : memref<37748736xf32, #tpu.memory_space<hbm>> -> memref<1536xf32, #tpu.memory_space<hbm>>
      %dma_wait3A_1151 = tpu.memref_slice %arg3[%mul3A_386] : memref<37748736xf32, #tpu.memory_space<hbm>> -> memref<1536xf32, #tpu.memory_space<hbm>>
      %dma_wait3A_1152 = arith.constant 32256 : i32
      %dma_wait3A_1153 = tpu.memref_slice %arg5[%dma_wait3A_1152] : memref<98304xf32, #tpu.memory_space<vmem>> -> memref<1536xf32, #tpu.memory_space<vmem>>
      tpu.wait_dma2 semaphore(%arg6 : memref<!tpu.dma_semaphore, #tpu.memory_space<semaphore_mem>>) src(%dma_wait3A_1153 : memref<1536xf32, #tpu.memory_space<vmem>>) dst(%dma_wait3A_1151 : memref<1536xf32, #tpu.memory_space<hbm>>)
      %dma_wait3A_1154 = arith.constant 33792 : i32
      %dma_wait3A_1155 = tpu.memref_slice %arg5[%dma_wait3A_1154] : memref<98304xf32, #tpu.memory_space<vmem>> -> memref<1536xf32, #tpu.memory_space<vmem>>
      %dma_wait3A_1156 = tpu.memref_slice %arg3[%mul3A_401] : memref<37748736xf32, #tpu.memory_space<hbm>> -> memref<1536xf32, #tpu.memory_space<hbm>>
      %dma_wait3A_1157 = tpu.memref_slice %arg3[%mul3A_401] : memref<37748736xf32, #tpu.memory_space<hbm>> -> memref<1536xf32, #tpu.memory_space<hbm>>
      %dma_wait3A_1158 = arith.constant 33792 : i32
      %dma_wait3A_1159 = tpu.memref_slice %arg5[%dma_wait3A_1158] : memref<98304xf32, #tpu.memory_space<vmem>> -> memref<1536xf32, #tpu.memory_space<vmem>>
      tpu.wait_dma2 semaphore(%arg6 : memref<!tpu.dma_semaphore, #tpu.memory_space<semaphore_mem>>) src(%dma_wait3A_1159 : memref<1536xf32, #tpu.memory_space<vmem>>) dst(%dma_wait3A_1157 : memref<1536xf32, #tpu.memory_space<hbm>>)
      %dma_wait3A_1160 = arith.constant 35328 : i32
      %dma_wait3A_1161 = tpu.memref_slice %arg5[%dma_wait3A_1160] : memref<98304xf32, #tpu.memory_space<vmem>> -> memref<1536xf32, #tpu.memory_space<vmem>>
      %dma_wait3A_1162 = tpu.memref_slice %arg3[%mul3A_416] : memref<37748736xf32, #tpu.memory_space<hbm>> -> memref<1536xf32, #tpu.memory_space<hbm>>
      %dma_wait3A_1163 = tpu.memref_slice %arg3[%mul3A_416] : memref<37748736xf32, #tpu.memory_space<hbm>> -> memref<1536xf32, #tpu.memory_space<hbm>>
      %dma_wait3A_1164 = arith.constant 35328 : i32
      %dma_wait3A_1165 = tpu.memref_slice %arg5[%dma_wait3A_1164] : memref<98304xf32, #tpu.memory_space<vmem>> -> memref<1536xf32, #tpu.memory_space<vmem>>
      tpu.wait_dma2 semaphore(%arg6 : memref<!tpu.dma_semaphore, #tpu.memory_space<semaphore_mem>>) src(%dma_wait3A_1165 : memref<1536xf32, #tpu.memory_space<vmem>>) dst(%dma_wait3A_1163 : memref<1536xf32, #tpu.memory_space<hbm>>)
      %dma_wait3A_1166 = arith.constant 36864 : i32
      %dma_wait3A_1167 = tpu.memref_slice %arg5[%dma_wait3A_1166] : memref<98304xf32, #tpu.memory_space<vmem>> -> memref<1536xf32, #tpu.memory_space<vmem>>
      %dma_wait3A_1168 = tpu.memref_slice %arg3[%mul3A_431] : memref<37748736xf32, #tpu.memory_space<hbm>> -> memref<1536xf32, #tpu.memory_space<hbm>>
      %dma_wait3A_1169 = tpu.memref_slice %arg3[%mul3A_431] : memref<37748736xf32, #tpu.memory_space<hbm>> -> memref<1536xf32, #tpu.memory_space<hbm>>
      %dma_wait3A_1170 = arith.constant 36864 : i32
      %dma_wait3A_1171 = tpu.memref_slice %arg5[%dma_wait3A_1170] : memref<98304xf32, #tpu.memory_space<vmem>> -> memref<1536xf32, #tpu.memory_space<vmem>>
      tpu.wait_dma2 semaphore(%arg6 : memref<!tpu.dma_semaphore, #tpu.memory_space<semaphore_mem>>) src(%dma_wait3A_1171 : memref<1536xf32, #tpu.memory_space<vmem>>) dst(%dma_wait3A_1169 : memref<1536xf32, #tpu.memory_space<hbm>>)
      %dma_wait3A_1172 = arith.constant 38400 : i32
      %dma_wait3A_1173 = tpu.memref_slice %arg5[%dma_wait3A_1172] : memref<98304xf32, #tpu.memory_space<vmem>> -> memref<1536xf32, #tpu.memory_space<vmem>>
      %dma_wait3A_1174 = tpu.memref_slice %arg3[%mul3A_446] : memref<37748736xf32, #tpu.memory_space<hbm>> -> memref<1536xf32, #tpu.memory_space<hbm>>
      %dma_wait3A_1175 = tpu.memref_slice %arg3[%mul3A_446] : memref<37748736xf32, #tpu.memory_space<hbm>> -> memref<1536xf32, #tpu.memory_space<hbm>>
      %dma_wait3A_1176 = arith.constant 38400 : i32
      %dma_wait3A_1177 = tpu.memref_slice %arg5[%dma_wait3A_1176] : memref<98304xf32, #tpu.memory_space<vmem>> -> memref<1536xf32, #tpu.memory_space<vmem>>
      tpu.wait_dma2 semaphore(%arg6 : memref<!tpu.dma_semaphore, #tpu.memory_space<semaphore_mem>>) src(%dma_wait3A_1177 : memref<1536xf32, #tpu.memory_space<vmem>>) dst(%dma_wait3A_1175 : memref<1536xf32, #tpu.memory_space<hbm>>)
      %dma_wait3A_1178 = arith.constant 39936 : i32
      %dma_wait3A_1179 = tpu.memref_slice %arg5[%dma_wait3A_1178] : memref<98304xf32, #tpu.memory_space<vmem>> -> memref<1536xf32, #tpu.memory_space<vmem>>
      %dma_wait3A_1180 = tpu.memref_slice %arg3[%mul3A_461] : memref<37748736xf32, #tpu.memory_space<hbm>> -> memref<1536xf32, #tpu.memory_space<hbm>>
      %dma_wait3A_1181 = tpu.memref_slice %arg3[%mul3A_461] : memref<37748736xf32, #tpu.memory_space<hbm>> -> memref<1536xf32, #tpu.memory_space<hbm>>
      %dma_wait3A_1182 = arith.constant 39936 : i32
      %dma_wait3A_1183 = tpu.memref_slice %arg5[%dma_wait3A_1182] : memref<98304xf32, #tpu.memory_space<vmem>> -> memref<1536xf32, #tpu.memory_space<vmem>>
      tpu.wait_dma2 semaphore(%arg6 : memref<!tpu.dma_semaphore, #tpu.memory_space<semaphore_mem>>) src(%dma_wait3A_1183 : memref<1536xf32, #tpu.memory_space<vmem>>) dst(%dma_wait3A_1181 : memref<1536xf32, #tpu.memory_space<hbm>>)
      %dma_wait3A_1184 = arith.constant 41472 : i32
      %dma_wait3A_1185 = tpu.memref_slice %arg5[%dma_wait3A_1184] : memref<98304xf32, #tpu.memory_space<vmem>> -> memref<1536xf32, #tpu.memory_space<vmem>>
      %dma_wait3A_1186 = tpu.memref_slice %arg3[%mul3A_476] : memref<37748736xf32, #tpu.memory_space<hbm>> -> memref<1536xf32, #tpu.memory_space<hbm>>
      %dma_wait3A_1187 = tpu.memref_slice %arg3[%mul3A_476] : memref<37748736xf32, #tpu.memory_space<hbm>> -> memref<1536xf32, #tpu.memory_space<hbm>>
      %dma_wait3A_1188 = arith.constant 41472 : i32
      %dma_wait3A_1189 = tpu.memref_slice %arg5[%dma_wait3A_1188] : memref<98304xf32, #tpu.memory_space<vmem>> -> memref<1536xf32, #tpu.memory_space<vmem>>
      tpu.wait_dma2 semaphore(%arg6 : memref<!tpu.dma_semaphore, #tpu.memory_space<semaphore_mem>>) src(%dma_wait3A_1189 : memref<1536xf32, #tpu.memory_space<vmem>>) dst(%dma_wait3A_1187 : memref<1536xf32, #tpu.memory_space<hbm>>)
      %dma_wait3A_1190 = arith.constant 43008 : i32
      %dma_wait3A_1191 = tpu.memref_slice %arg5[%dma_wait3A_1190] : memref<98304xf32, #tpu.memory_space<vmem>> -> memref<1536xf32, #tpu.memory_space<vmem>>
      %dma_wait3A_1192 = tpu.memref_slice %arg3[%mul3A_491] : memref<37748736xf32, #tpu.memory_space<hbm>> -> memref<1536xf32, #tpu.memory_space<hbm>>
      %dma_wait3A_1193 = tpu.memref_slice %arg3[%mul3A_491] : memref<37748736xf32, #tpu.memory_space<hbm>> -> memref<1536xf32, #tpu.memory_space<hbm>>
      %dma_wait3A_1194 = arith.constant 43008 : i32
      %dma_wait3A_1195 = tpu.memref_slice %arg5[%dma_wait3A_1194] : memref<98304xf32, #tpu.memory_space<vmem>> -> memref<1536xf32, #tpu.memory_space<vmem>>
      tpu.wait_dma2 semaphore(%arg6 : memref<!tpu.dma_semaphore, #tpu.memory_space<semaphore_mem>>) src(%dma_wait3A_1195 : memref<1536xf32, #tpu.memory_space<vmem>>) dst(%dma_wait3A_1193 : memref<1536xf32, #tpu.memory_space<hbm>>)
      %dma_wait3A_1196 = arith.constant 44544 : i32
      %dma_wait3A_1197 = tpu.memref_slice %arg5[%dma_wait3A_1196] : memref<98304xf32, #tpu.memory_space<vmem>> -> memref<1536xf32, #tpu.memory_space<vmem>>
      %dma_wait3A_1198 = tpu.memref_slice %arg3[%mul3A_506] : memref<37748736xf32, #tpu.memory_space<hbm>> -> memref<1536xf32, #tpu.memory_space<hbm>>
      %dma_wait3A_1199 = tpu.memref_slice %arg3[%mul3A_506] : memref<37748736xf32, #tpu.memory_space<hbm>> -> memref<1536xf32, #tpu.memory_space<hbm>>
      %dma_wait3A_1200 = arith.constant 44544 : i32
      %dma_wait3A_1201 = tpu.memref_slice %arg5[%dma_wait3A_1200] : memref<98304xf32, #tpu.memory_space<vmem>> -> memref<1536xf32, #tpu.memory_space<vmem>>
      tpu.wait_dma2 semaphore(%arg6 : memref<!tpu.dma_semaphore, #tpu.memory_space<semaphore_mem>>) src(%dma_wait3A_1201 : memref<1536xf32, #tpu.memory_space<vmem>>) dst(%dma_wait3A_1199 : memref<1536xf32, #tpu.memory_space<hbm>>)
      %dma_wait3A_1202 = arith.constant 46080 : i32
      %dma_wait3A_1203 = tpu.memref_slice %arg5[%dma_wait3A_1202] : memref<98304xf32, #tpu.memory_space<vmem>> -> memref<1536xf32, #tpu.memory_space<vmem>>
      %dma_wait3A_1204 = tpu.memref_slice %arg3[%mul3A_521] : memref<37748736xf32, #tpu.memory_space<hbm>> -> memref<1536xf32, #tpu.memory_space<hbm>>
      %dma_wait3A_1205 = tpu.memref_slice %arg3[%mul3A_521] : memref<37748736xf32, #tpu.memory_space<hbm>> -> memref<1536xf32, #tpu.memory_space<hbm>>
      %dma_wait3A_1206 = arith.constant 46080 : i32
      %dma_wait3A_1207 = tpu.memref_slice %arg5[%dma_wait3A_1206] : memref<98304xf32, #tpu.memory_space<vmem>> -> memref<1536xf32, #tpu.memory_space<vmem>>
      tpu.wait_dma2 semaphore(%arg6 : memref<!tpu.dma_semaphore, #tpu.memory_space<semaphore_mem>>) src(%dma_wait3A_1207 : memref<1536xf32, #tpu.memory_space<vmem>>) dst(%dma_wait3A_1205 : memref<1536xf32, #tpu.memory_space<hbm>>)
      %dma_wait3A_1208 = arith.constant 47616 : i32
      %dma_wait3A_1209 = tpu.memref_slice %arg5[%dma_wait3A_1208] : memref<98304xf32, #tpu.memory_space<vmem>> -> memref<1536xf32, #tpu.memory_space<vmem>>
      %dma_wait3A_1210 = tpu.memref_slice %arg3[%mul3A_536] : memref<37748736xf32, #tpu.memory_space<hbm>> -> memref<1536xf32, #tpu.memory_space<hbm>>
      %dma_wait3A_1211 = tpu.memref_slice %arg3[%mul3A_536] : memref<37748736xf32, #tpu.memory_space<hbm>> -> memref<1536xf32, #tpu.memory_space<hbm>>
      %dma_wait3A_1212 = arith.constant 47616 : i32
      %dma_wait3A_1213 = tpu.memref_slice %arg5[%dma_wait3A_1212] : memref<98304xf32, #tpu.memory_space<vmem>> -> memref<1536xf32, #tpu.memory_space<vmem>>
      tpu.wait_dma2 semaphore(%arg6 : memref<!tpu.dma_semaphore, #tpu.memory_space<semaphore_mem>>) src(%dma_wait3A_1213 : memref<1536xf32, #tpu.memory_space<vmem>>) dst(%dma_wait3A_1211 : memref<1536xf32, #tpu.memory_space<hbm>>)
      %dma_wait3A_1214 = arith.constant 49152 : i32
      %dma_wait3A_1215 = tpu.memref_slice %arg5[%dma_wait3A_1214] : memref<98304xf32, #tpu.memory_space<vmem>> -> memref<1536xf32, #tpu.memory_space<vmem>>
      %dma_wait3A_1216 = tpu.memref_slice %arg3[%mul3A_551] : memref<37748736xf32, #tpu.memory_space<hbm>> -> memref<1536xf32, #tpu.memory_space<hbm>>
      %dma_wait3A_1217 = tpu.memref_slice %arg3[%mul3A_551] : memref<37748736xf32, #tpu.memory_space<hbm>> -> memref<1536xf32, #tpu.memory_space<hbm>>
      %dma_wait3A_1218 = arith.constant 49152 : i32
      %dma_wait3A_1219 = tpu.memref_slice %arg5[%dma_wait3A_1218] : memref<98304xf32, #tpu.memory_space<vmem>> -> memref<1536xf32, #tpu.memory_space<vmem>>
      tpu.wait_dma2 semaphore(%arg6 : memref<!tpu.dma_semaphore, #tpu.memory_space<semaphore_mem>>) src(%dma_wait3A_1219 : memref<1536xf32, #tpu.memory_space<vmem>>) dst(%dma_wait3A_1217 : memref<1536xf32, #tpu.memory_space<hbm>>)
      %dma_wait3A_1220 = arith.constant 50688 : i32
      %dma_wait3A_1221 = tpu.memref_slice %arg5[%dma_wait3A_1220] : memref<98304xf32, #tpu.memory_space<vmem>> -> memref<1536xf32, #tpu.memory_space<vmem>>
      %dma_wait3A_1222 = tpu.memref_slice %arg3[%mul3A_566] : memref<37748736xf32, #tpu.memory_space<hbm>> -> memref<1536xf32, #tpu.memory_space<hbm>>
      %dma_wait3A_1223 = tpu.memref_slice %arg3[%mul3A_566] : memref<37748736xf32, #tpu.memory_space<hbm>> -> memref<1536xf32, #tpu.memory_space<hbm>>
      %dma_wait3A_1224 = arith.constant 50688 : i32
      %dma_wait3A_1225 = tpu.memref_slice %arg5[%dma_wait3A_1224] : memref<98304xf32, #tpu.memory_space<vmem>> -> memref<1536xf32, #tpu.memory_space<vmem>>
      tpu.wait_dma2 semaphore(%arg6 : memref<!tpu.dma_semaphore, #tpu.memory_space<semaphore_mem>>) src(%dma_wait3A_1225 : memref<1536xf32, #tpu.memory_space<vmem>>) dst(%dma_wait3A_1223 : memref<1536xf32, #tpu.memory_space<hbm>>)
      %dma_wait3A_1226 = arith.constant 52224 : i32
      %dma_wait3A_1227 = tpu.memref_slice %arg5[%dma_wait3A_1226] : memref<98304xf32, #tpu.memory_space<vmem>> -> memref<1536xf32, #tpu.memory_space<vmem>>
      %dma_wait3A_1228 = tpu.memref_slice %arg3[%mul3A_581] : memref<37748736xf32, #tpu.memory_space<hbm>> -> memref<1536xf32, #tpu.memory_space<hbm>>
      %dma_wait3A_1229 = tpu.memref_slice %arg3[%mul3A_581] : memref<37748736xf32, #tpu.memory_space<hbm>> -> memref<1536xf32, #tpu.memory_space<hbm>>
      %dma_wait3A_1230 = arith.constant 52224 : i32
      %dma_wait3A_1231 = tpu.memref_slice %arg5[%dma_wait3A_1230] : memref<98304xf32, #tpu.memory_space<vmem>> -> memref<1536xf32, #tpu.memory_space<vmem>>
      tpu.wait_dma2 semaphore(%arg6 : memref<!tpu.dma_semaphore, #tpu.memory_space<semaphore_mem>>) src(%dma_wait3A_1231 : memref<1536xf32, #tpu.memory_space<vmem>>) dst(%dma_wait3A_1229 : memref<1536xf32, #tpu.memory_space<hbm>>)
      %dma_wait3A_1232 = arith.constant 53760 : i32
      %dma_wait3A_1233 = tpu.memref_slice %arg5[%dma_wait3A_1232] : memref<98304xf32, #tpu.memory_space<vmem>> -> memref<1536xf32, #tpu.memory_space<vmem>>
      %dma_wait3A_1234 = tpu.memref_slice %arg3[%mul3A_596] : memref<37748736xf32, #tpu.memory_space<hbm>> -> memref<1536xf32, #tpu.memory_space<hbm>>
      %dma_wait3A_1235 = tpu.memref_slice %arg3[%mul3A_596] : memref<37748736xf32, #tpu.memory_space<hbm>> -> memref<1536xf32, #tpu.memory_space<hbm>>
      %dma_wait3A_1236 = arith.constant 53760 : i32
      %dma_wait3A_1237 = tpu.memref_slice %arg5[%dma_wait3A_1236] : memref<98304xf32, #tpu.memory_space<vmem>> -> memref<1536xf32, #tpu.memory_space<vmem>>
      tpu.wait_dma2 semaphore(%arg6 : memref<!tpu.dma_semaphore, #tpu.memory_space<semaphore_mem>>) src(%dma_wait3A_1237 : memref<1536xf32, #tpu.memory_space<vmem>>) dst(%dma_wait3A_1235 : memref<1536xf32, #tpu.memory_space<hbm>>)
      %dma_wait3A_1238 = arith.constant 55296 : i32
      %dma_wait3A_1239 = tpu.memref_slice %arg5[%dma_wait3A_1238] : memref<98304xf32, #tpu.memory_space<vmem>> -> memref<1536xf32, #tpu.memory_space<vmem>>
      %dma_wait3A_1240 = tpu.memref_slice %arg3[%mul3A_611] : memref<37748736xf32, #tpu.memory_space<hbm>> -> memref<1536xf32, #tpu.memory_space<hbm>>
      %dma_wait3A_1241 = tpu.memref_slice %arg3[%mul3A_611] : memref<37748736xf32, #tpu.memory_space<hbm>> -> memref<1536xf32, #tpu.memory_space<hbm>>
      %dma_wait3A_1242 = arith.constant 55296 : i32
      %dma_wait3A_1243 = tpu.memref_slice %arg5[%dma_wait3A_1242] : memref<98304xf32, #tpu.memory_space<vmem>> -> memref<1536xf32, #tpu.memory_space<vmem>>
      tpu.wait_dma2 semaphore(%arg6 : memref<!tpu.dma_semaphore, #tpu.memory_space<semaphore_mem>>) src(%dma_wait3A_1243 : memref<1536xf32, #tpu.memory_space<vmem>>) dst(%dma_wait3A_1241 : memref<1536xf32, #tpu.memory_space<hbm>>)
      %dma_wait3A_1244 = arith.constant 56832 : i32
      %dma_wait3A_1245 = tpu.memref_slice %arg5[%dma_wait3A_1244] : memref<98304xf32, #tpu.memory_space<vmem>> -> memref<1536xf32, #tpu.memory_space<vmem>>
      %dma_wait3A_1246 = tpu.memref_slice %arg3[%mul3A_626] : memref<37748736xf32, #tpu.memory_space<hbm>> -> memref<1536xf32, #tpu.memory_space<hbm>>
      %dma_wait3A_1247 = tpu.memref_slice %arg3[%mul3A_626] : memref<37748736xf32, #tpu.memory_space<hbm>> -> memref<1536xf32, #tpu.memory_space<hbm>>
      %dma_wait3A_1248 = arith.constant 56832 : i32
      %dma_wait3A_1249 = tpu.memref_slice %arg5[%dma_wait3A_1248] : memref<98304xf32, #tpu.memory_space<vmem>> -> memref<1536xf32, #tpu.memory_space<vmem>>
      tpu.wait_dma2 semaphore(%arg6 : memref<!tpu.dma_semaphore, #tpu.memory_space<semaphore_mem>>) src(%dma_wait3A_1249 : memref<1536xf32, #tpu.memory_space<vmem>>) dst(%dma_wait3A_1247 : memref<1536xf32, #tpu.memory_space<hbm>>)
      %dma_wait3A_1250 = arith.constant 58368 : i32
      %dma_wait3A_1251 = tpu.memref_slice %arg5[%dma_wait3A_1250] : memref<98304xf32, #tpu.memory_space<vmem>> -> memref<1536xf32, #tpu.memory_space<vmem>>
      %dma_wait3A_1252 = tpu.memref_slice %arg3[%mul3A_641] : memref<37748736xf32, #tpu.memory_space<hbm>> -> memref<1536xf32, #tpu.memory_space<hbm>>
      %dma_wait3A_1253 = tpu.memref_slice %arg3[%mul3A_641] : memref<37748736xf32, #tpu.memory_space<hbm>> -> memref<1536xf32, #tpu.memory_space<hbm>>
      %dma_wait3A_1254 = arith.constant 58368 : i32
      %dma_wait3A_1255 = tpu.memref_slice %arg5[%dma_wait3A_1254] : memref<98304xf32, #tpu.memory_space<vmem>> -> memref<1536xf32, #tpu.memory_space<vmem>>
      tpu.wait_dma2 semaphore(%arg6 : memref<!tpu.dma_semaphore, #tpu.memory_space<semaphore_mem>>) src(%dma_wait3A_1255 : memref<1536xf32, #tpu.memory_space<vmem>>) dst(%dma_wait3A_1253 : memref<1536xf32, #tpu.memory_space<hbm>>)
      %dma_wait3A_1256 = arith.constant 59904 : i32
      %dma_wait3A_1257 = tpu.memref_slice %arg5[%dma_wait3A_1256] : memref<98304xf32, #tpu.memory_space<vmem>> -> memref<1536xf32, #tpu.memory_space<vmem>>
      %dma_wait3A_1258 = tpu.memref_slice %arg3[%mul3A_656] : memref<37748736xf32, #tpu.memory_space<hbm>> -> memref<1536xf32, #tpu.memory_space<hbm>>
      %dma_wait3A_1259 = tpu.memref_slice %arg3[%mul3A_656] : memref<37748736xf32, #tpu.memory_space<hbm>> -> memref<1536xf32, #tpu.memory_space<hbm>>
      %dma_wait3A_1260 = arith.constant 59904 : i32
      %dma_wait3A_1261 = tpu.memref_slice %arg5[%dma_wait3A_1260] : memref<98304xf32, #tpu.memory_space<vmem>> -> memref<1536xf32, #tpu.memory_space<vmem>>
      tpu.wait_dma2 semaphore(%arg6 : memref<!tpu.dma_semaphore, #tpu.memory_space<semaphore_mem>>) src(%dma_wait3A_1261 : memref<1536xf32, #tpu.memory_space<vmem>>) dst(%dma_wait3A_1259 : memref<1536xf32, #tpu.memory_space<hbm>>)
      %dma_wait3A_1262 = arith.constant 61440 : i32
      %dma_wait3A_1263 = tpu.memref_slice %arg5[%dma_wait3A_1262] : memref<98304xf32, #tpu.memory_space<vmem>> -> memref<1536xf32, #tpu.memory_space<vmem>>
      %dma_wait3A_1264 = tpu.memref_slice %arg3[%mul3A_671] : memref<37748736xf32, #tpu.memory_space<hbm>> -> memref<1536xf32, #tpu.memory_space<hbm>>
      %dma_wait3A_1265 = tpu.memref_slice %arg3[%mul3A_671] : memref<37748736xf32, #tpu.memory_space<hbm>> -> memref<1536xf32, #tpu.memory_space<hbm>>
      %dma_wait3A_1266 = arith.constant 61440 : i32
      %dma_wait3A_1267 = tpu.memref_slice %arg5[%dma_wait3A_1266] : memref<98304xf32, #tpu.memory_space<vmem>> -> memref<1536xf32, #tpu.memory_space<vmem>>
      tpu.wait_dma2 semaphore(%arg6 : memref<!tpu.dma_semaphore, #tpu.memory_space<semaphore_mem>>) src(%dma_wait3A_1267 : memref<1536xf32, #tpu.memory_space<vmem>>) dst(%dma_wait3A_1265 : memref<1536xf32, #tpu.memory_space<hbm>>)
      %dma_wait3A_1268 = arith.constant 62976 : i32
      %dma_wait3A_1269 = tpu.memref_slice %arg5[%dma_wait3A_1268] : memref<98304xf32, #tpu.memory_space<vmem>> -> memref<1536xf32, #tpu.memory_space<vmem>>
      %dma_wait3A_1270 = tpu.memref_slice %arg3[%mul3A_686] : memref<37748736xf32, #tpu.memory_space<hbm>> -> memref<1536xf32, #tpu.memory_space<hbm>>
      %dma_wait3A_1271 = tpu.memref_slice %arg3[%mul3A_686] : memref<37748736xf32, #tpu.memory_space<hbm>> -> memref<1536xf32, #tpu.memory_space<hbm>>
      %dma_wait3A_1272 = arith.constant 62976 : i32
      %dma_wait3A_1273 = tpu.memref_slice %arg5[%dma_wait3A_1272] : memref<98304xf32, #tpu.memory_space<vmem>> -> memref<1536xf32, #tpu.memory_space<vmem>>
      tpu.wait_dma2 semaphore(%arg6 : memref<!tpu.dma_semaphore, #tpu.memory_space<semaphore_mem>>) src(%dma_wait3A_1273 : memref<1536xf32, #tpu.memory_space<vmem>>) dst(%dma_wait3A_1271 : memref<1536xf32, #tpu.memory_space<hbm>>)
      %dma_wait3A_1274 = arith.constant 64512 : i32
      %dma_wait3A_1275 = tpu.memref_slice %arg5[%dma_wait3A_1274] : memref<98304xf32, #tpu.memory_space<vmem>> -> memref<1536xf32, #tpu.memory_space<vmem>>
      %dma_wait3A_1276 = tpu.memref_slice %arg3[%mul3A_701] : memref<37748736xf32, #tpu.memory_space<hbm>> -> memref<1536xf32, #tpu.memory_space<hbm>>
      %dma_wait3A_1277 = tpu.memref_slice %arg3[%mul3A_701] : memref<37748736xf32, #tpu.memory_space<hbm>> -> memref<1536xf32, #tpu.memory_space<hbm>>
      %dma_wait3A_1278 = arith.constant 64512 : i32
      %dma_wait3A_1279 = tpu.memref_slice %arg5[%dma_wait3A_1278] : memref<98304xf32, #tpu.memory_space<vmem>> -> memref<1536xf32, #tpu.memory_space<vmem>>
      tpu.wait_dma2 semaphore(%arg6 : memref<!tpu.dma_semaphore, #tpu.memory_space<semaphore_mem>>) src(%dma_wait3A_1279 : memref<1536xf32, #tpu.memory_space<vmem>>) dst(%dma_wait3A_1277 : memref<1536xf32, #tpu.memory_space<hbm>>)
      %dma_wait3A_1280 = arith.constant 66048 : i32
      %dma_wait3A_1281 = tpu.memref_slice %arg5[%dma_wait3A_1280] : memref<98304xf32, #tpu.memory_space<vmem>> -> memref<1536xf32, #tpu.memory_space<vmem>>
      %dma_wait3A_1282 = tpu.memref_slice %arg3[%mul3A_716] : memref<37748736xf32, #tpu.memory_space<hbm>> -> memref<1536xf32, #tpu.memory_space<hbm>>
      %dma_wait3A_1283 = tpu.memref_slice %arg3[%mul3A_716] : memref<37748736xf32, #tpu.memory_space<hbm>> -> memref<1536xf32, #tpu.memory_space<hbm>>
      %dma_wait3A_1284 = arith.constant 66048 : i32
      %dma_wait3A_1285 = tpu.memref_slice %arg5[%dma_wait3A_1284] : memref<98304xf32, #tpu.memory_space<vmem>> -> memref<1536xf32, #tpu.memory_space<vmem>>
      tpu.wait_dma2 semaphore(%arg6 : memref<!tpu.dma_semaphore, #tpu.memory_space<semaphore_mem>>) src(%dma_wait3A_1285 : memref<1536xf32, #tpu.memory_space<vmem>>) dst(%dma_wait3A_1283 : memref<1536xf32, #tpu.memory_space<hbm>>)
      %dma_wait3A_1286 = arith.constant 67584 : i32
      %dma_wait3A_1287 = tpu.memref_slice %arg5[%dma_wait3A_1286] : memref<98304xf32, #tpu.memory_space<vmem>> -> memref<1536xf32, #tpu.memory_space<vmem>>
      %dma_wait3A_1288 = tpu.memref_slice %arg3[%mul3A_731] : memref<37748736xf32, #tpu.memory_space<hbm>> -> memref<1536xf32, #tpu.memory_space<hbm>>
      %dma_wait3A_1289 = tpu.memref_slice %arg3[%mul3A_731] : memref<37748736xf32, #tpu.memory_space<hbm>> -> memref<1536xf32, #tpu.memory_space<hbm>>
      %dma_wait3A_1290 = arith.constant 67584 : i32
      %dma_wait3A_1291 = tpu.memref_slice %arg5[%dma_wait3A_1290] : memref<98304xf32, #tpu.memory_space<vmem>> -> memref<1536xf32, #tpu.memory_space<vmem>>
      tpu.wait_dma2 semaphore(%arg6 : memref<!tpu.dma_semaphore, #tpu.memory_space<semaphore_mem>>) src(%dma_wait3A_1291 : memref<1536xf32, #tpu.memory_space<vmem>>) dst(%dma_wait3A_1289 : memref<1536xf32, #tpu.memory_space<hbm>>)
      %dma_wait3A_1292 = arith.constant 69120 : i32
      %dma_wait3A_1293 = tpu.memref_slice %arg5[%dma_wait3A_1292] : memref<98304xf32, #tpu.memory_space<vmem>> -> memref<1536xf32, #tpu.memory_space<vmem>>
      %dma_wait3A_1294 = tpu.memref_slice %arg3[%mul3A_746] : memref<37748736xf32, #tpu.memory_space<hbm>> -> memref<1536xf32, #tpu.memory_space<hbm>>
      %dma_wait3A_1295 = tpu.memref_slice %arg3[%mul3A_746] : memref<37748736xf32, #tpu.memory_space<hbm>> -> memref<1536xf32, #tpu.memory_space<hbm>>
      %dma_wait3A_1296 = arith.constant 69120 : i32
      %dma_wait3A_1297 = tpu.memref_slice %arg5[%dma_wait3A_1296] : memref<98304xf32, #tpu.memory_space<vmem>> -> memref<1536xf32, #tpu.memory_space<vmem>>
      tpu.wait_dma2 semaphore(%arg6 : memref<!tpu.dma_semaphore, #tpu.memory_space<semaphore_mem>>) src(%dma_wait3A_1297 : memref<1536xf32, #tpu.memory_space<vmem>>) dst(%dma_wait3A_1295 : memref<1536xf32, #tpu.memory_space<hbm>>)
      %dma_wait3A_1298 = arith.constant 70656 : i32
      %dma_wait3A_1299 = tpu.memref_slice %arg5[%dma_wait3A_1298] : memref<98304xf32, #tpu.memory_space<vmem>> -> memref<1536xf32, #tpu.memory_space<vmem>>
      %dma_wait3A_1300 = tpu.memref_slice %arg3[%mul3A_761] : memref<37748736xf32, #tpu.memory_space<hbm>> -> memref<1536xf32, #tpu.memory_space<hbm>>
      %dma_wait3A_1301 = tpu.memref_slice %arg3[%mul3A_761] : memref<37748736xf32, #tpu.memory_space<hbm>> -> memref<1536xf32, #tpu.memory_space<hbm>>
      %dma_wait3A_1302 = arith.constant 70656 : i32
      %dma_wait3A_1303 = tpu.memref_slice %arg5[%dma_wait3A_1302] : memref<98304xf32, #tpu.memory_space<vmem>> -> memref<1536xf32, #tpu.memory_space<vmem>>
      tpu.wait_dma2 semaphore(%arg6 : memref<!tpu.dma_semaphore, #tpu.memory_space<semaphore_mem>>) src(%dma_wait3A_1303 : memref<1536xf32, #tpu.memory_space<vmem>>) dst(%dma_wait3A_1301 : memref<1536xf32, #tpu.memory_space<hbm>>)
      %dma_wait3A_1304 = arith.constant 72192 : i32
      %dma_wait3A_1305 = tpu.memref_slice %arg5[%dma_wait3A_1304] : memref<98304xf32, #tpu.memory_space<vmem>> -> memref<1536xf32, #tpu.memory_space<vmem>>
      %dma_wait3A_1306 = tpu.memref_slice %arg3[%mul3A_776] : memref<37748736xf32, #tpu.memory_space<hbm>> -> memref<1536xf32, #tpu.memory_space<hbm>>
      %dma_wait3A_1307 = tpu.memref_slice %arg3[%mul3A_776] : memref<37748736xf32, #tpu.memory_space<hbm>> -> memref<1536xf32, #tpu.memory_space<hbm>>
      %dma_wait3A_1308 = arith.constant 72192 : i32
      %dma_wait3A_1309 = tpu.memref_slice %arg5[%dma_wait3A_1308] : memref<98304xf32, #tpu.memory_space<vmem>> -> memref<1536xf32, #tpu.memory_space<vmem>>
      tpu.wait_dma2 semaphore(%arg6 : memref<!tpu.dma_semaphore, #tpu.memory_space<semaphore_mem>>) src(%dma_wait3A_1309 : memref<1536xf32, #tpu.memory_space<vmem>>) dst(%dma_wait3A_1307 : memref<1536xf32, #tpu.memory_space<hbm>>)
      %dma_wait3A_1310 = arith.constant 73728 : i32
      %dma_wait3A_1311 = tpu.memref_slice %arg5[%dma_wait3A_1310] : memref<98304xf32, #tpu.memory_space<vmem>> -> memref<1536xf32, #tpu.memory_space<vmem>>
      %dma_wait3A_1312 = tpu.memref_slice %arg3[%mul3A_791] : memref<37748736xf32, #tpu.memory_space<hbm>> -> memref<1536xf32, #tpu.memory_space<hbm>>
      %dma_wait3A_1313 = tpu.memref_slice %arg3[%mul3A_791] : memref<37748736xf32, #tpu.memory_space<hbm>> -> memref<1536xf32, #tpu.memory_space<hbm>>
      %dma_wait3A_1314 = arith.constant 73728 : i32
      %dma_wait3A_1315 = tpu.memref_slice %arg5[%dma_wait3A_1314] : memref<98304xf32, #tpu.memory_space<vmem>> -> memref<1536xf32, #tpu.memory_space<vmem>>
      tpu.wait_dma2 semaphore(%arg6 : memref<!tpu.dma_semaphore, #tpu.memory_space<semaphore_mem>>) src(%dma_wait3A_1315 : memref<1536xf32, #tpu.memory_space<vmem>>) dst(%dma_wait3A_1313 : memref<1536xf32, #tpu.memory_space<hbm>>)
      %dma_wait3A_1316 = arith.constant 75264 : i32
      %dma_wait3A_1317 = tpu.memref_slice %arg5[%dma_wait3A_1316] : memref<98304xf32, #tpu.memory_space<vmem>> -> memref<1536xf32, #tpu.memory_space<vmem>>
      %dma_wait3A_1318 = tpu.memref_slice %arg3[%mul3A_806] : memref<37748736xf32, #tpu.memory_space<hbm>> -> memref<1536xf32, #tpu.memory_space<hbm>>
      %dma_wait3A_1319 = tpu.memref_slice %arg3[%mul3A_806] : memref<37748736xf32, #tpu.memory_space<hbm>> -> memref<1536xf32, #tpu.memory_space<hbm>>
      %dma_wait3A_1320 = arith.constant 75264 : i32
      %dma_wait3A_1321 = tpu.memref_slice %arg5[%dma_wait3A_1320] : memref<98304xf32, #tpu.memory_space<vmem>> -> memref<1536xf32, #tpu.memory_space<vmem>>
      tpu.wait_dma2 semaphore(%arg6 : memref<!tpu.dma_semaphore, #tpu.memory_space<semaphore_mem>>) src(%dma_wait3A_1321 : memref<1536xf32, #tpu.memory_space<vmem>>) dst(%dma_wait3A_1319 : memref<1536xf32, #tpu.memory_space<hbm>>)
      %dma_wait3A_1322 = arith.constant 76800 : i32
      %dma_wait3A_1323 = tpu.memref_slice %arg5[%dma_wait3A_1322] : memref<98304xf32, #tpu.memory_space<vmem>> -> memref<1536xf32, #tpu.memory_space<vmem>>
      %dma_wait3A_1324 = tpu.memref_slice %arg3[%mul3A_821] : memref<37748736xf32, #tpu.memory_space<hbm>> -> memref<1536xf32, #tpu.memory_space<hbm>>
      %dma_wait3A_1325 = tpu.memref_slice %arg3[%mul3A_821] : memref<37748736xf32, #tpu.memory_space<hbm>> -> memref<1536xf32, #tpu.memory_space<hbm>>
      %dma_wait3A_1326 = arith.constant 76800 : i32
      %dma_wait3A_1327 = tpu.memref_slice %arg5[%dma_wait3A_1326] : memref<98304xf32, #tpu.memory_space<vmem>> -> memref<1536xf32, #tpu.memory_space<vmem>>
      tpu.wait_dma2 semaphore(%arg6 : memref<!tpu.dma_semaphore, #tpu.memory_space<semaphore_mem>>) src(%dma_wait3A_1327 : memref<1536xf32, #tpu.memory_space<vmem>>) dst(%dma_wait3A_1325 : memref<1536xf32, #tpu.memory_space<hbm>>)
      %dma_wait3A_1328 = arith.constant 78336 : i32
      %dma_wait3A_1329 = tpu.memref_slice %arg5[%dma_wait3A_1328] : memref<98304xf32, #tpu.memory_space<vmem>> -> memref<1536xf32, #tpu.memory_space<vmem>>
      %dma_wait3A_1330 = tpu.memref_slice %arg3[%mul3A_836] : memref<37748736xf32, #tpu.memory_space<hbm>> -> memref<1536xf32, #tpu.memory_space<hbm>>
      %dma_wait3A_1331 = tpu.memref_slice %arg3[%mul3A_836] : memref<37748736xf32, #tpu.memory_space<hbm>> -> memref<1536xf32, #tpu.memory_space<hbm>>
      %dma_wait3A_1332 = arith.constant 78336 : i32
      %dma_wait3A_1333 = tpu.memref_slice %arg5[%dma_wait3A_1332] : memref<98304xf32, #tpu.memory_space<vmem>> -> memref<1536xf32, #tpu.memory_space<vmem>>
      tpu.wait_dma2 semaphore(%arg6 : memref<!tpu.dma_semaphore, #tpu.memory_space<semaphore_mem>>) src(%dma_wait3A_1333 : memref<1536xf32, #tpu.memory_space<vmem>>) dst(%dma_wait3A_1331 : memref<1536xf32, #tpu.memory_space<hbm>>)
      %dma_wait3A_1334 = arith.constant 79872 : i32
      %dma_wait3A_1335 = tpu.memref_slice %arg5[%dma_wait3A_1334] : memref<98304xf32, #tpu.memory_space<vmem>> -> memref<1536xf32, #tpu.memory_space<vmem>>
      %dma_wait3A_1336 = tpu.memref_slice %arg3[%mul3A_851] : memref<37748736xf32, #tpu.memory_space<hbm>> -> memref<1536xf32, #tpu.memory_space<hbm>>
      %dma_wait3A_1337 = tpu.memref_slice %arg3[%mul3A_851] : memref<37748736xf32, #tpu.memory_space<hbm>> -> memref<1536xf32, #tpu.memory_space<hbm>>
      %dma_wait3A_1338 = arith.constant 79872 : i32
      %dma_wait3A_1339 = tpu.memref_slice %arg5[%dma_wait3A_1338] : memref<98304xf32, #tpu.memory_space<vmem>> -> memref<1536xf32, #tpu.memory_space<vmem>>
      tpu.wait_dma2 semaphore(%arg6 : memref<!tpu.dma_semaphore, #tpu.memory_space<semaphore_mem>>) src(%dma_wait3A_1339 : memref<1536xf32, #tpu.memory_space<vmem>>) dst(%dma_wait3A_1337 : memref<1536xf32, #tpu.memory_space<hbm>>)
      %dma_wait3A_1340 = arith.constant 81408 : i32
      %dma_wait3A_1341 = tpu.memref_slice %arg5[%dma_wait3A_1340] : memref<98304xf32, #tpu.memory_space<vmem>> -> memref<1536xf32, #tpu.memory_space<vmem>>
      %dma_wait3A_1342 = tpu.memref_slice %arg3[%mul3A_866] : memref<37748736xf32, #tpu.memory_space<hbm>> -> memref<1536xf32, #tpu.memory_space<hbm>>
      %dma_wait3A_1343 = tpu.memref_slice %arg3[%mul3A_866] : memref<37748736xf32, #tpu.memory_space<hbm>> -> memref<1536xf32, #tpu.memory_space<hbm>>
      %dma_wait3A_1344 = arith.constant 81408 : i32
      %dma_wait3A_1345 = tpu.memref_slice %arg5[%dma_wait3A_1344] : memref<98304xf32, #tpu.memory_space<vmem>> -> memref<1536xf32, #tpu.memory_space<vmem>>
      tpu.wait_dma2 semaphore(%arg6 : memref<!tpu.dma_semaphore, #tpu.memory_space<semaphore_mem>>) src(%dma_wait3A_1345 : memref<1536xf32, #tpu.memory_space<vmem>>) dst(%dma_wait3A_1343 : memref<1536xf32, #tpu.memory_space<hbm>>)
      %dma_wait3A_1346 = arith.constant 82944 : i32
      %dma_wait3A_1347 = tpu.memref_slice %arg5[%dma_wait3A_1346] : memref<98304xf32, #tpu.memory_space<vmem>> -> memref<1536xf32, #tpu.memory_space<vmem>>
      %dma_wait3A_1348 = tpu.memref_slice %arg3[%mul3A_881] : memref<37748736xf32, #tpu.memory_space<hbm>> -> memref<1536xf32, #tpu.memory_space<hbm>>
      %dma_wait3A_1349 = tpu.memref_slice %arg3[%mul3A_881] : memref<37748736xf32, #tpu.memory_space<hbm>> -> memref<1536xf32, #tpu.memory_space<hbm>>
      %dma_wait3A_1350 = arith.constant 82944 : i32
      %dma_wait3A_1351 = tpu.memref_slice %arg5[%dma_wait3A_1350] : memref<98304xf32, #tpu.memory_space<vmem>> -> memref<1536xf32, #tpu.memory_space<vmem>>
      tpu.wait_dma2 semaphore(%arg6 : memref<!tpu.dma_semaphore, #tpu.memory_space<semaphore_mem>>) src(%dma_wait3A_1351 : memref<1536xf32, #tpu.memory_space<vmem>>) dst(%dma_wait3A_1349 : memref<1536xf32, #tpu.memory_space<hbm>>)
      %dma_wait3A_1352 = arith.constant 84480 : i32
      %dma_wait3A_1353 = tpu.memref_slice %arg5[%dma_wait3A_1352] : memref<98304xf32, #tpu.memory_space<vmem>> -> memref<1536xf32, #tpu.memory_space<vmem>>
      %dma_wait3A_1354 = tpu.memref_slice %arg3[%mul3A_896] : memref<37748736xf32, #tpu.memory_space<hbm>> -> memref<1536xf32, #tpu.memory_space<hbm>>
      %dma_wait3A_1355 = tpu.memref_slice %arg3[%mul3A_896] : memref<37748736xf32, #tpu.memory_space<hbm>> -> memref<1536xf32, #tpu.memory_space<hbm>>
      %dma_wait3A_1356 = arith.constant 84480 : i32
      %dma_wait3A_1357 = tpu.memref_slice %arg5[%dma_wait3A_1356] : memref<98304xf32, #tpu.memory_space<vmem>> -> memref<1536xf32, #tpu.memory_space<vmem>>
      tpu.wait_dma2 semaphore(%arg6 : memref<!tpu.dma_semaphore, #tpu.memory_space<semaphore_mem>>) src(%dma_wait3A_1357 : memref<1536xf32, #tpu.memory_space<vmem>>) dst(%dma_wait3A_1355 : memref<1536xf32, #tpu.memory_space<hbm>>)
      %dma_wait3A_1358 = arith.constant 86016 : i32
      %dma_wait3A_1359 = tpu.memref_slice %arg5[%dma_wait3A_1358] : memref<98304xf32, #tpu.memory_space<vmem>> -> memref<1536xf32, #tpu.memory_space<vmem>>
      %dma_wait3A_1360 = tpu.memref_slice %arg3[%mul3A_911] : memref<37748736xf32, #tpu.memory_space<hbm>> -> memref<1536xf32, #tpu.memory_space<hbm>>
      %dma_wait3A_1361 = tpu.memref_slice %arg3[%mul3A_911] : memref<37748736xf32, #tpu.memory_space<hbm>> -> memref<1536xf32, #tpu.memory_space<hbm>>
      %dma_wait3A_1362 = arith.constant 86016 : i32
      %dma_wait3A_1363 = tpu.memref_slice %arg5[%dma_wait3A_1362] : memref<98304xf32, #tpu.memory_space<vmem>> -> memref<1536xf32, #tpu.memory_space<vmem>>
      tpu.wait_dma2 semaphore(%arg6 : memref<!tpu.dma_semaphore, #tpu.memory_space<semaphore_mem>>) src(%dma_wait3A_1363 : memref<1536xf32, #tpu.memory_space<vmem>>) dst(%dma_wait3A_1361 : memref<1536xf32, #tpu.memory_space<hbm>>)
      %dma_wait3A_1364 = arith.constant 87552 : i32
      %dma_wait3A_1365 = tpu.memref_slice %arg5[%dma_wait3A_1364] : memref<98304xf32, #tpu.memory_space<vmem>> -> memref<1536xf32, #tpu.memory_space<vmem>>
      %dma_wait3A_1366 = tpu.memref_slice %arg3[%mul3A_926] : memref<37748736xf32, #tpu.memory_space<hbm>> -> memref<1536xf32, #tpu.memory_space<hbm>>
      %dma_wait3A_1367 = tpu.memref_slice %arg3[%mul3A_926] : memref<37748736xf32, #tpu.memory_space<hbm>> -> memref<1536xf32, #tpu.memory_space<hbm>>
      %dma_wait3A_1368 = arith.constant 87552 : i32
      %dma_wait3A_1369 = tpu.memref_slice %arg5[%dma_wait3A_1368] : memref<98304xf32, #tpu.memory_space<vmem>> -> memref<1536xf32, #tpu.memory_space<vmem>>
      tpu.wait_dma2 semaphore(%arg6 : memref<!tpu.dma_semaphore, #tpu.memory_space<semaphore_mem>>) src(%dma_wait3A_1369 : memref<1536xf32, #tpu.memory_space<vmem>>) dst(%dma_wait3A_1367 : memref<1536xf32, #tpu.memory_space<hbm>>)
      %dma_wait3A_1370 = arith.constant 89088 : i32
      %dma_wait3A_1371 = tpu.memref_slice %arg5[%dma_wait3A_1370] : memref<98304xf32, #tpu.memory_space<vmem>> -> memref<1536xf32, #tpu.memory_space<vmem>>
      %dma_wait3A_1372 = tpu.memref_slice %arg3[%mul3A_941] : memref<37748736xf32, #tpu.memory_space<hbm>> -> memref<1536xf32, #tpu.memory_space<hbm>>
      %dma_wait3A_1373 = tpu.memref_slice %arg3[%mul3A_941] : memref<37748736xf32, #tpu.memory_space<hbm>> -> memref<1536xf32, #tpu.memory_space<hbm>>
      %dma_wait3A_1374 = arith.constant 89088 : i32
      %dma_wait3A_1375 = tpu.memref_slice %arg5[%dma_wait3A_1374] : memref<98304xf32, #tpu.memory_space<vmem>> -> memref<1536xf32, #tpu.memory_space<vmem>>
      tpu.wait_dma2 semaphore(%arg6 : memref<!tpu.dma_semaphore, #tpu.memory_space<semaphore_mem>>) src(%dma_wait3A_1375 : memref<1536xf32, #tpu.memory_space<vmem>>) dst(%dma_wait3A_1373 : memref<1536xf32, #tpu.memory_space<hbm>>)
      %dma_wait3A_1376 = arith.constant 90624 : i32
      %dma_wait3A_1377 = tpu.memref_slice %arg5[%dma_wait3A_1376] : memref<98304xf32, #tpu.memory_space<vmem>> -> memref<1536xf32, #tpu.memory_space<vmem>>
      %dma_wait3A_1378 = tpu.memref_slice %arg3[%mul3A_956] : memref<37748736xf32, #tpu.memory_space<hbm>> -> memref<1536xf32, #tpu.memory_space<hbm>>
      %dma_wait3A_1379 = tpu.memref_slice %arg3[%mul3A_956] : memref<37748736xf32, #tpu.memory_space<hbm>> -> memref<1536xf32, #tpu.memory_space<hbm>>
      %dma_wait3A_1380 = arith.constant 90624 : i32
      %dma_wait3A_1381 = tpu.memref_slice %arg5[%dma_wait3A_1380] : memref<98304xf32, #tpu.memory_space<vmem>> -> memref<1536xf32, #tpu.memory_space<vmem>>
      tpu.wait_dma2 semaphore(%arg6 : memref<!tpu.dma_semaphore, #tpu.memory_space<semaphore_mem>>) src(%dma_wait3A_1381 : memref<1536xf32, #tpu.memory_space<vmem>>) dst(%dma_wait3A_1379 : memref<1536xf32, #tpu.memory_space<hbm>>)
      %dma_wait3A_1382 = arith.constant 92160 : i32
      %dma_wait3A_1383 = tpu.memref_slice %arg5[%dma_wait3A_1382] : memref<98304xf32, #tpu.memory_space<vmem>> -> memref<1536xf32, #tpu.memory_space<vmem>>
      %dma_wait3A_1384 = tpu.memref_slice %arg3[%mul3A_971] : memref<37748736xf32, #tpu.memory_space<hbm>> -> memref<1536xf32, #tpu.memory_space<hbm>>
      %dma_wait3A_1385 = tpu.memref_slice %arg3[%mul3A_971] : memref<37748736xf32, #tpu.memory_space<hbm>> -> memref<1536xf32, #tpu.memory_space<hbm>>
      %dma_wait3A_1386 = arith.constant 92160 : i32
      %dma_wait3A_1387 = tpu.memref_slice %arg5[%dma_wait3A_1386] : memref<98304xf32, #tpu.memory_space<vmem>> -> memref<1536xf32, #tpu.memory_space<vmem>>
      tpu.wait_dma2 semaphore(%arg6 : memref<!tpu.dma_semaphore, #tpu.memory_space<semaphore_mem>>) src(%dma_wait3A_1387 : memref<1536xf32, #tpu.memory_space<vmem>>) dst(%dma_wait3A_1385 : memref<1536xf32, #tpu.memory_space<hbm>>)
      %dma_wait3A_1388 = arith.constant 93696 : i32
      %dma_wait3A_1389 = tpu.memref_slice %arg5[%dma_wait3A_1388] : memref<98304xf32, #tpu.memory_space<vmem>> -> memref<1536xf32, #tpu.memory_space<vmem>>
      %dma_wait3A_1390 = tpu.memref_slice %arg3[%mul3A_986] : memref<37748736xf32, #tpu.memory_space<hbm>> -> memref<1536xf32, #tpu.memory_space<hbm>>
      %dma_wait3A_1391 = tpu.memref_slice %arg3[%mul3A_986] : memref<37748736xf32, #tpu.memory_space<hbm>> -> memref<1536xf32, #tpu.memory_space<hbm>>
      %dma_wait3A_1392 = arith.constant 93696 : i32
      %dma_wait3A_1393 = tpu.memref_slice %arg5[%dma_wait3A_1392] : memref<98304xf32, #tpu.memory_space<vmem>> -> memref<1536xf32, #tpu.memory_space<vmem>>
      tpu.wait_dma2 semaphore(%arg6 : memref<!tpu.dma_semaphore, #tpu.memory_space<semaphore_mem>>) src(%dma_wait3A_1393 : memref<1536xf32, #tpu.memory_space<vmem>>) dst(%dma_wait3A_1391 : memref<1536xf32, #tpu.memory_space<hbm>>)
      %dma_wait3A_1394 = arith.constant 95232 : i32
      %dma_wait3A_1395 = tpu.memref_slice %arg5[%dma_wait3A_1394] : memref<98304xf32, #tpu.memory_space<vmem>> -> memref<1536xf32, #tpu.memory_space<vmem>>
      %dma_wait3A_1396 = tpu.memref_slice %arg3[%mul3A_1001] : memref<37748736xf32, #tpu.memory_space<hbm>> -> memref<1536xf32, #tpu.memory_space<hbm>>
      %dma_wait3A_1397 = tpu.memref_slice %arg3[%mul3A_1001] : memref<37748736xf32, #tpu.memory_space<hbm>> -> memref<1536xf32, #tpu.memory_space<hbm>>
      %dma_wait3A_1398 = arith.constant 95232 : i32
      %dma_wait3A_1399 = tpu.memref_slice %arg5[%dma_wait3A_1398] : memref<98304xf32, #tpu.memory_space<vmem>> -> memref<1536xf32, #tpu.memory_space<vmem>>
      tpu.wait_dma2 semaphore(%arg6 : memref<!tpu.dma_semaphore, #tpu.memory_space<semaphore_mem>>) src(%dma_wait3A_1399 : memref<1536xf32, #tpu.memory_space<vmem>>) dst(%dma_wait3A_1397 : memref<1536xf32, #tpu.memory_space<hbm>>)
      %dma_wait3A_1400 = arith.constant 96768 : i32
      %dma_wait3A_1401 = tpu.memref_slice %arg5[%dma_wait3A_1400] : memref<98304xf32, #tpu.memory_space<vmem>> -> memref<1536xf32, #tpu.memory_space<vmem>>
      %dma_wait3A_1402 = tpu.memref_slice %arg3[%mul3A_1016] : memref<37748736xf32, #tpu.memory_space<hbm>> -> memref<1536xf32, #tpu.memory_space<hbm>>
      %dma_wait3A_1403 = tpu.memref_slice %arg3[%mul3A_1016] : memref<37748736xf32, #tpu.memory_space<hbm>> -> memref<1536xf32, #tpu.memory_space<hbm>>
      %dma_wait3A_1404 = arith.constant 96768 : i32
      %dma_wait3A_1405 = tpu.memref_slice %arg5[%dma_wait3A_1404] : memref<98304xf32, #tpu.memory_space<vmem>> -> memref<1536xf32, #tpu.memory_space<vmem>>
      tpu.wait_dma2 semaphore(%arg6 : memref<!tpu.dma_semaphore, #tpu.memory_space<semaphore_mem>>) src(%dma_wait3A_1405 : memref<1536xf32, #tpu.memory_space<vmem>>) dst(%dma_wait3A_1403 : memref<1536xf32, #tpu.memory_space<hbm>>)
      %scan3A_1406 = arith.constant 0 : i32
      %scan3A_1407 = arith.constant 0 : i32
      %scan3A_1408 = arith.constant 96 : i32
      %scan3A_1409 = arith.addi %scan3A_1407, %scan3A_1408 : i32
      %scan3A_1410 = arith.constant 1 : i32
      scf.for %scan3A_1412 = %scan3A_1407 to %scan3A_1409 step %scan3A_1410  : i32 {
        %mul3A_1413 = arith.constant 16 : i32
        %mul3A_1414 = arith.muli %scan3A_1412, %mul3A_1413 : i32
        %get3A = arith.index_cast %mul3A_1414 : i32 to index
        %get3A_1415 = tpu.vector_load %arg4[%get3A] {strides = array<i32>} : memref<1536xi32, #tpu.memory_space<vmem>>, vector<16xi32>,
        %mul3A_1416 = arith.constant 1536 : i32
        %mul3A_1417 = vector.broadcast %mul3A_1416 : i32 to vector<16xi32>
        %mul3A_1418 = arith.muli %get3A_1415, %mul3A_1417 : vector<16xi32>
        %mul3A_1419 = arith.constant 16 : i32
        %mul3A_1420 = arith.muli %scan3A_1412, %mul3A_1419 : i32
        %add3A_1421 = vector.broadcast %mul3A_1420 : i32 to vector<16xi32>
        %add3A_1422 = arith.addi %mul3A_1418, %add3A_1421 : vector<16xi32>
        %iota3A = tpu.iota {dimensions = array<i32: 0>} : vector<16xi32>
        %add3A_1423 = arith.addi %add3A_1422, %iota3A : vector<16xi32>
        tpu.vector_store_idx %arg5[%add3A_1423], %broadcast_in_dim3A_33 : memref<98304xf32, #tpu.memory_space<vmem>>[vector<16xi32>], vector<16xf32>,
      }
      %scan3A_1411 = arith.constant 96 : i32
    }
    %scan3A_46 = arith.constant 12 : i32
    return
  }
}

</mosaic_0001>

<sc_bundles>
// kernel: kernel.3.cloned.1.call-start
scs
__scs_entry_jumppad:
0x0: {  	(pc) =	sbr.rel $0x88, $3  }
0x1: {  	(tag) =	ssettag $0x0;
	lr =	simm.s32 $0x1  }
0x2: {  	[smem:$0x3FA0] =	sst lr;
	_ =	strace $0xD0000000  }
0x3: {  	_ = 	snop  }
0x4: {  	_ = 	snop  }
0x5: {  	_ = 	snop  }
0x6: {  	_ = 	snop  }
0x7: {  	_ = 	snop  }
__scs_overlays_trampoline_lowered:
0x8: {  	[smem:$0x3FAF] =	sst s0  }
0x9: {  	[smem:$0x3FB0] =	sst s1  }
0xa: {  	[smem:$0x3FB1] =	sst s2  }
0xb: {  	[smem:$0x3FB2] =	sst s3  }
0xc: {  	[smem:$0x3FB3] =	sst s4  }
0xd: {  	[smem:$0x3FB4] =	sst s5  }
0xe: {  	[smem:$0x3FB5] =	sst s6  }
0xf: {  	[smem:$0x3FB6] =	sst s7  }
0x10: {  	[smem:$0x3FB7] =	sst s8  }
0x11: {  	[smem:$0x3FB8] =	sst s9;
	s0 =	simm.s32 @!p0 $0x0  }
0x12: {  	s1 =	sld [smem:$0x3F9E];
	s0 =	simm.s32 @p0 $0x1  }
0x13: {  	[smem:$0x3FB9] =	sst s0;
	s0 =	simm.s32 @!p1 $0x0  }
0x14: {  	s2 =	sld [smem:$0x3F9D];
	s0 =	simm.s32 @p1 $0x1  }
0x15: {  	[smem:$0x3FBA] =	sst s0;
	s0 =	simm.s32 @!p2 $0x0  }
0x16: {  	s3 =	sld [smem:$0x3FDB];
	s0 =	simm.s32 @p2 $0x1  }
0x17: {  	s4 =	simm.s32 $0x1BF5;
	[smem:$0x3FBC] =	sst s0  }
0x18: {  	s0 =	sld [smem:$0x3F9F];
	_ =	swait.ge [sflag:s4], $0x0  }
0x19: {  	s7 =	sld [smem:$0x3FA0]  }
0x1a: {  	s8 =	sadd.s32 $0xFFFFE003, lr  }
0x1b: {  	s9 =	sadd.s32 $0xFFFFFEF7, lr;
	s5 =	simm.s32 $0xFFFFFFFF;
	p2 =	slt.u32 s8, $0xFFFFF086  }
0x1c: {  	p1 =	slt.u32 s9, $0xF7A;
	s5 =	simm.s32 @!p2 $0x0  }
0x1d: {  	s5 =	simm.s32 @p1 $0x1;
	p0 =	seq.s32 s7, s2  }
0x1e: {  	s7 =	smul.u32 @!p0 $0xF7A, s2;
	p2 =	seq.s32 @!p0 s5, $0x0  }
0x1f: {  	s9 =	smul.u32 $0xF7A, s1;
	s8 =	simm.s32 @!p0 $0x1BF5;
	p2 =	por !p2, p0  }
0x20: {  	[sflag:s8] =	ssyncset.s32 @!p0 $0xFFFFF086;
	s6 =	sadd.s32 @!p0 s3, s7;
	s7 =	simm.s32 @!p0 $0x108  }
0x21: {  	s3 =	sadd.s32 s3, s9;
	s6 =	sadd.s32 @!p0 $0x88, s6;
	s7 =	simm.s32 @p2 $0x1082  }
0x22: {  	[simem:s7], [sflag:s8] =	dma.local @!p0 [hbm:s6], $0xF7A  }
0x23: {  	s9 =	sor.u32 $0xD0000000, s2;
	s6 =	simm.s32 $0x108;
	_ =	swait.ge @!p0 [sflag:s8], $0x0  }
0x24: {  	s3 =	sadd.s32 $0x88, s3;
	s6 =	simm.s32 @!p1 $0x1082;
	[sflag:s4] =	ssyncset.s32 $0xFFFFF086  }
0x25: {  	[simem:s6], [sflag:s4] =	dma.local [hbm:s3], $0xF7A  }
0x26: {  	[smem:$0x3FA0] =	sst s1;
	(tag) =	ssettag s2;
	_ =	strace s9  }
0x27: {  	s1 =	sld [smem:$0x3FB0]  }
0x28: {  	s2 =	sld [smem:$0x3FB1]  }
0x29: {  	s4 =	sld [smem:$0x3FB3]  }
0x2a: {  	p0 =	seq.s32 s5, $0x0;
	s5 =	sld [smem:$0x3FB4]  }
0x2b: {  	s6 =	sld [smem:$0x3FB5]  }
0x2c: {  	s7 =	sld [smem:$0x3FB6]  }
0x2d: {  	s3 =	simm.s32 $0x108;
	s8 =	sld [smem:$0x3FB7]  }
0x2e: {  	s3 =	simm.s32 @!p0 $0x1082;
	s9 =	sld [smem:$0x3FB8]  }
0x2f: {  	lr =	sadd.s32 s0, s3;
	s0 =	sld [smem:$0x3FAF]  }
0x30: {  	s3 =	sld [smem:$0x3FB2]  }
0x31: {  	[smem:$0x3FBB] =	sst s10  }
0x32: {  	s10 =	sld [smem:$0x3FB9];
	_ =	sdelay $0x3  }
0x33: {  	p0 =	seq.s32 s10, $0x1;
	s10 =	sld [smem:$0x3FBB];
	_ =	sdelay $0x3  }
0x34: {  	[smem:$0x3FBB] =	sst s10  }
0x35: {  	s10 =	sld [smem:$0x3FBA];
	_ =	sdelay $0x3  }
0x36: {  	p1 =	seq.s32 s10, $0x1;
	s10 =	sld [smem:$0x3FBB];
	_ =	sdelay $0x3  }
0x37: {  	[smem:$0x3FBB] =	sst s10  }
0x38: {  	s10 =	sld [smem:$0x3FBC]  }
0x39: {  	_ = 	snop;
	(pc) =	sbr.ind lr, $3  }
0x3a: {  	_ = 	snop  }
0x3b: {  	_ = 	snop  }
0x3c: {  	p2 =	seq.s32 s10, $0x1;
	s10 =	sld [smem:$0x3FBB]  }
0x3d: {  	_ =	shalt  }
0x3e: {  	_ =	shalt  }
0x3f: {  	_ =	shalt  }
0x40: {  	_ =	shalt  }
0x41: {  	_ =	shalt  }
0x42: {  	_ =	shalt  }
0x43: {  	_ =	shalt  }
0x44: {  	_ =	shalt  }
0x45: {  	_ =	shalt  }
0x46: {  	_ =	shalt  }
0x47: {  	_ =	shalt  }
0x48: {  	_ =	shalt  }
0x49: {  	_ =	shalt  }
0x4a: {  	_ =	shalt  }
0x4b: {  	_ =	shalt  }
0x4c: {  	_ =	shalt  }
0x4d: {  	_ =	shalt  }
0x4e: {  	_ =	shalt  }
0x4f: {  	_ =	shalt  }
0x50: {  	_ =	shalt  }
0x51: {  	_ =	shalt  }
0x52: {  	_ =	shalt  }
0x53: {  	_ =	shalt  }
0x54: {  	_ =	shalt  }
0x55: {  	_ =	shalt  }
0x56: {  	_ =	shalt  }
0x57: {  	_ =	shalt  }
0x58: {  	_ =	shalt  }
0x59: {  	_ =	shalt  }
0x5a: {  	_ =	shalt  }
0x5b: {  	_ =	shalt  }
0x5c: {  	_ =	shalt  }
0x5d: {  	_ =	shalt  }
0x5e: {  	_ =	shalt  }
0x5f: {  	_ =	shalt  }
0x60: {  	_ =	shalt  }
0x61: {  	_ =	shalt  }
0x62: {  	_ =	shalt  }
0x63: {  	_ =	shalt  }
0x64: {  	_ =	shalt  }
0x65: {  	_ =	shalt  }
0x66: {  	_ =	shalt  }
0x67: {  	_ =	shalt  }
0x68: {  	_ =	shalt  }
0x69: {  	_ =	shalt  }
0x6a: {  	_ =	shalt  }
0x6b: {  	_ =	shalt  }
0x6c: {  	_ =	shalt  }
0x6d: {  	_ =	shalt  }
0x6e: {  	_ =	shalt  }
0x6f: {  	_ =	shalt  }
0x70: {  	_ =	shalt  }
0x71: {  	_ =	shalt  }
0x72: {  	_ =	shalt  }
0x73: {  	_ =	shalt  }
0x74: {  	_ =	shalt  }
0x75: {  	_ =	shalt  }
0x76: {  	_ =	shalt  }
0x77: {  	_ =	shalt  }
0x78: {  	_ =	shalt  }
0x79: {  	_ =	shalt  }
0x7a: {  	_ =	shalt  }
0x7b: {  	_ =	shalt  }
0x7c: {  	_ =	shalt  }
0x7d: {  	_ =	shalt  }
0x7e: {  	_ =	shalt  }
0x7f: {  	_ =	shalt  }
0x80: {  	_ =	shalt  }
0x81: {  	_ =	shalt  }
0x82: {  	_ =	shalt  }
0x83: {  	_ =	shalt  }
0x84: {  	_ =	shalt  }
0x85: {  	_ =	shalt  }
0x86: {  	_ =	shalt  }
0x87: {  	_ =	shalt  }
.Lfunc_end0:
.L_simem_size_0:
called_computation_lowered:
.L_overlay_start_0:
0x88: {  	s2 =	sld [smem:$0x3FD9]  }
0x89: {  	s3 =	sld [smem:$0x3FFE];
	_ =	sdelay $0x1  }
0x8a: {  	s1 =	srdreg.scid  }
0x8b: {  	s0 =	sand.u32 $0x1, s1  }
0x8c: {  	s17 =	sshll.u32 s0, $0xA;
	s2 =	sadd.s32 s3, s2  }
0x8d: {  	s2 =	sadd.s32 s2, s17  }
0x8e: {  	[smem:$0x3FC7] =	sst s2  }
0x8f: {  	_ = 	snop  }
0x90: {  	s2 =	sld [smem:$0x3FD0];
	(tm) =	ssettm $0x1  }
0x91: {  	s18 =	sld [smem:$0x3FFB];
	_ =	sdelay $0x3  }
0x92: {  	_ =	strace s18  }
0x93: {  	s3 =	sld [smem:$0x3FFC];
	_ =	sdelay $0x3  }
0x94: {  	_ =	strace s3  }
0x95: {  	s3 =	sld [smem:$0x3FFD];
	_ =	sdelay $0x3  }
0x96: {  	_ =	strace s3  }
0x97: {  	_ =	strace $0x8FFFFFFF  }
0x98: {  	s19 =	sld [smem:$0x3FDB];
	_ =	sdelay $0x1  }
0x99: {  	s4 =	simm.s32 $_scs_section_size  }
0x9a: {  	s5 =	simm.s32 $_size__tile_overlayer_lowered;
	s6 =	simm.s32 $_tile_overlayer_lowered  }
0x9b: {  	s22 =	simm.s32 $0x1BFF;
	s21 =	sshll.u32 s6, $0x1;
	s3 =	sadd.s32 s4, s19  }
0x9c: {  	s7 =	simm.s32 $0x0;
	s20 =	sshll.u32 s5, $0x1;
	s5 =	sadd.s32 s21, s3  }
0x9d: {  	[timem:s7], [sflag:s22] =	dma.local [hbm:s5], s20  }
0x9e: {  	_ =	swait.ge [sflag:s22], s20  }
0x9f: {  	s4 =	ssub.s32 $0x0, s20;
	[sflag:s22] =	ssyncset.done $0x0  }
0xa0: {  	[sflag:s22] =	ssyncadd.s32 s4;
	_ =	sdelay $0x1  }
0xa1: {  	s23 =	simm.s32 $0x1B8B  }
0xa2: {  	_ =	swait.ge [sflag:s23], $0x1  }
0xa3: {  	[sflag:s23] =	ssyncset.done $0x0  }
0xa4: {  	s25 =	simm.s32 $0x1B8E;
	s24 =	sld [smem:$0x3FFE];
	[sflag:s23] =	ssyncadd.s32 $0xFFFFFFFF  }
0xa5: {  	s26 =	simm.s32 $execute0_lowered;
	[smem:$0x3FD2] =	sst s25  }
0xa6: {  	s5 =	sshll.u32 s26, $0x1;
	_ =	strace $0x80000046;
	[dreg:$0x1] =	wrdreg $0xFFFFFFFF  }
0xa7: {  	s28 =	simm.s32 $_size_execute0_lowered;
	s3 =	sadd.s32 s3, s5;
	[dreg:$0x0] =	wrdreg $0x0  }
0xa8: {  	s5 =	sshll.u32 s28, $0x1;
	[dreg:$0x2] =	wrdreg s3  }
0xa9: {  	[dreg:$0x3] =	wrdreg s5  }
0xaa: {  	[dreg:$0x4] =	wrdreg $0xC0  }
0xab: {  	_ =	task [dreg:s7], $0x5FFFF  }
0xac: {  	[dreg:$0x1] =	wrdreg $0xFFFFFFFF  }
0xad: {  	[dreg:$0x0] =	wrdreg $0x60  }
0xae: {  	[dreg:$0x2] =	wrdreg s2  }
0xaf: {  	[dreg:$0x3] =	wrdreg s24  }
0xb0: {  	[dreg:$0x4] =	wrdreg $0x9  }
0xb1: {  	_ =	task.clear_ibuf [dreg:s7], $0x5FFFF;
	_ =	strace $0x90000046  }
0xb2: {  	s29 =	simm.s32 $0x9;
	_ =	strace $0x80000048  }
0xb3: {  	_ =	swait.ge [sflag:s29], $0x1  }
0xb4: {  	[sflag:s29] =	ssyncadd.s32 $0xFFFFFFFF  }
0xb5: {  	_ =	strace $0x90000048  }
0xb6: {  	_ =	sfence  }
0xb7: {  	s30 =	sld [smem:$0x0];
	_ =	sdelay $0x2  }
0xb8: {  	s31 =	sshll.u32 s1, $0xD;
	s1 =	sshrl.u32 s1, $0x2  }
0xb9: {  	s3 =	sand.u32 $0x4000, s31;
	s1 =	sadd.s32 s1, s30  }
0xba: {  	s0 =	sor.u32 s3, s0;
	s1 =	sshll.u32 s1, $0x11  }
0xbb: {  	s0 =	sor.u32 s1, s0  }
0xbc: {  	s0 =	sadd.s32 $0x8F2B, s0  }
0xbd: {  	[sflag:s0] =	ssyncadd.remote.s32 $0x1  }
0xbe: {  	_ =	sfence.sel $0xFFFF  }
0xbf: {  	[dreg:$0x0] =	wrdreg $0xFFFFFFFF;
	(pc) =	sbr.abs _section_cstart, $3  }
0xc0: {  	[dreg:$0x1] =	wrdreg $0xFFFFFFFF  }
0xc1: {  	_ =	task.clear_ibuf [dreg:s7], $0x2FFFF;
	_ =	strace $0x9FFFFFFF  }
0xc2: {  	(tm) =	ssettm $0x7FFFFFFF  }
0xc3: {  	_ =	shalt  }
tec
execute0_lowered:
.L_overlay_start_1:
0x0: {  	(tag) =	ssettag $0x1  }
0x1: {  	s14 =	simm.s32 $0x0;
	s1 =	srdreg.scid;
	s4 =	stileid.u32  }
0x2: {  	s1 =	sand.u32 $0x1, s1;
	s2 =	sshll.u32 s4, $0x1;
	s24 =	sshrl.u32 s4, $0x2  }
0x3: {  	s3 =	ssub.s32 $0x2, s1;
	s1 =	sor.u32 s1, s2;
	s10 =	smul.u32 $0x6000, s24  }
0x4: {  	[smem:$0x7FF] =	sst s14;
	s6 =	sand.u32 $0x7, s1;
	s1 =	smul.u32 $0x30, s1  }
0x5: {  	s0 =	rddreg [dreg:$0x1];
	_ =	strace $0x80000047;
	s25 =	sshrl.u32 s3, $0x1  }
0x6: {  	s26 =	ssub.s32 s3, s25;
	s4 =	sor.u32 $0x180, s10;
	[dreg:$0x5] =	wrdreg s1  }
0x7: {  	s3 =	smul.u32 $0x30, s6;
	s6 =	sor.u32 $0x300, s10;
	[dreg:$0x6] =	wrdreg s4  }
0x8: {  	s7 =	sor.u32 $0x480, s10;
	[dreg:$0x7] =	wrdreg s6  }
0x9: {  	s8 =	sor.u32 $0x600, s10;
	[dreg:$0x8] =	wrdreg s7  }
0xa: {  	s9 =	sor.u32 $0x780, s10;
	[dreg:$0x9] =	wrdreg s8  }
0xb: {  	s11 =	sor.u32 $0x900, s10;
	[dreg:$0xa] =	wrdreg s9  }
0xc: {  	s12 =	sor.u32 $0xA80, s10;
	[dreg:$0xb] =	wrdreg s11  }
0xd: {  	s13 =	sor.u32 $0xD80, s10;
	[dreg:$0xc] =	wrdreg s12  }
0xe: {  	s15 =	sor.u32 $0xF00, s10;
	[dreg:$0xd] =	wrdreg s13  }
0xf: {  	s16 =	sor.u32 $0x1080, s10;
	[dreg:$0xe] =	wrdreg s15  }
0x10: {  	s17 =	sor.u32 $0x1200, s10;
	[dreg:$0xf] =	wrdreg s16  }
0x11: {  	s18 =	sor.u32 $0x1380, s10;
	[dreg:$0x10] =	wrdreg s17  }
0x12: {  	s19 =	sor.u32 $0x1500, s10;
	[dreg:$0x11] =	wrdreg s18  }
0x13: {  	s20 =	sor.u32 $0x1680, s10;
	[dreg:$0x12] =	wrdreg s19  }
0x14: {  	s21 =	sor.u32 $0x1980, s10;
	[dreg:$0x13] =	wrdreg s20  }
0x15: {  	s22 =	sor.u32 $0x1B00, s10;
	[dreg:$0x14] =	wrdreg s21  }
0x16: {  	s23 =	sor.u32 $0x1C80, s10;
	[dreg:$0x15] =	wrdreg s22  }
0x17: {  	s24 =	sor.u32 $0x1E00, s10;
	[dreg:$0x16] =	wrdreg s23  }
0x18: {  	s25 =	sor.u32 $0x1F80, s10;
	[dreg:$0x18] =	wrdreg s24  }
0x19: {  	s2 =	sadd.s32 $0x2400, s10;
	[dreg:$0x19] =	wrdreg s25  }
0x1a: {  	[dreg:$0x1c] =	wrdreg s2  }
0x1b: {  	s5 =	sadd.s32 $0x400, s0;
	s0 =	smax.u32 s26, $0x1;
	[dreg:$0x4] =	wrdreg s3  }
0x1c: {  	s26 =	sadd.s32 $0x2100, s10;
	[dreg:$0x17] =	wrdreg s0  }
0x1d: {  	s1 =	sadd.s32 $0x2280, s10;
	[dreg:$0x1a] =	wrdreg s26  }
0x1e: {  	s4 =	sadd.s32 $0x2700, s10;
	[dreg:$0x1b] =	wrdreg s1  }
0x1f: {  	s6 =	sadd.s32 $0x2880, s10;
	[dreg:$0x1e] =	wrdreg s4  }
0x20: {  	s7 =	sadd.s32 $0x2A00, s10;
	[dreg:$0x1f] =	wrdreg s6  }
0x21: {  	s8 =	sadd.s32 $0x2B80, s10;
	[smem:$0x7EC] =	sst s7  }
0x22: {  	s9 =	sadd.s32 $0x2D00, s10;
	[smem:$0x7ED] =	sst s8  }
0x23: {  	s11 =	sadd.s32 $0x2E80, s10;
	[smem:$0x7EE] =	sst s9  }
0x24: {  	s12 =	sadd.s32 $0x3000, s10;
	[smem:$0x7EF] =	sst s11  }
0x25: {  	s13 =	sadd.s32 $0x3180, s10;
	[smem:$0x7F0] =	sst s12  }
0x26: {  	s15 =	sadd.s32 $0x3300, s10;
	[smem:$0x7F1] =	sst s13  }
0x27: {  	s16 =	sadd.s32 $0x3480, s10;
	[smem:$0x7F2] =	sst s15  }
0x28: {  	s17 =	sadd.s32 $0x3600, s10;
	[smem:$0x7F3] =	sst s16  }
0x29: {  	s18 =	sadd.s32 $0x3780, s10;
	[smem:$0x7F4] =	sst s17  }
0x2a: {  	s19 =	sadd.s32 $0x3900, s10;
	[smem:$0x7F5] =	sst s18  }
0x2b: {  	s28 =	sadd.s32 $0x4B00, s10;
	s20 =	sadd.s32 $0x3A80, s10;
	[smem:$0x7F6] =	sst s19  }
0x2c: {  	s29 =	sadd.s32 $0x4C80, s10;
	s21 =	sadd.s32 $0x3C00, s10;
	[smem:$0x7F7] =	sst s20  }
0x2d: {  	s30 =	sadd.s32 $0x4E00, s10;
	s22 =	sadd.s32 $0x3D80, s10;
	[smem:$0x7F8] =	sst s21  }
0x2e: {  	s31 =	sadd.s32 $0x4F80, s10;
	s23 =	sadd.s32 $0x3F00, s10;
	[smem:$0x7F9] =	sst s22  }
0x2f: {  	s24 =	sadd.s32 $0x4080, s10;
	s25 =	sadd.s32 $0x4200, s10;
	[smem:$0x7FA] =	sst s23  }
0x30: {  	s2 =	sadd.s32 $0x5280, s10;
	s3 =	sadd.s32 $0x2580, s10;
	[smem:$0x7FB] =	sst s24  }
0x31: {  	[smem:$0x7FC] =	sst s25;
	s26 =	sadd.s32 $0x4380, s10;
	s22 =	sadd.s32 $0x4500, s10  }
0x32: {  	s23 =	sadd.s32 $0x4680, s10;
	s24 =	sadd.s32 $0x4800, s10;
	s0 =	sadd.s32 $0x5100, s10  }
0x33: {  	s25 =	sadd.s32 $0x5400, s10;
	s1 =	sadd.s32 $0x5700, s10;
	s6 =	sadd.s32 $0x5880, s10  }
0x34: {  	s7 =	sadd.s32 $0x5A00, s10;
	s8 =	sadd.s32 $0x5B80, s10;
	s9 =	sadd.s32 $0x5D00, s10  }
0x35: {  	s20 =	smov.u32 s10;
	s11 =	simm.s32 $0x2;
	[dreg:$0x1d] =	wrdreg s3  }
0x36: {  	s12 =	simm.s32 $0x600;
	s13 =	simm.s32 $0x1;
	[smem:$0x7FD] =	sst s26  }
0x37: {  	v0 =	vimm.f32 $0.0e+00;
	v1 =	vlaneseq.u32;
	v2 =	vimm.f32 $1.000000000e+00;
	s26 =	sadd.s32 $0x4980, s10;
	s3 =	sadd.s32 $0x5580, s10;
	s10 =	sadd.s32 $0x5E80, s10  }
.LBB2_1:
0x38: {  	[dreg:$0x3] =	wrdreg s14;
	s4 =	simm.s32 $0x40;
	s14 =	simm.s32 $0x0  }
.LBB2_2:
0x39: {  	p0 =	sne.s32 s4, $0x5FFC0;
	[tilespmem:s14+$0x600] =	vst v0;
	s14 =	smov.u32 s4;
	s4 =	sadd.s32 $0x40, s4  }
.Ltmp0:
0x3a: {  	(pc) =	sbr.rel @p0 .LBB2_2-.Ltmp0, $2  }
0x3b: {  	_ =	sdelay $0x2  }
0x3c: {  	s14 =	sshra.s32 s14, $0x2  }
0x3d: {  	[tilespmem:s14+$0x600] =	vst v0;
	s4 =	simm.s32 $0x0;
	s14 =	simm.s32 $0x0  }
.LBB2_4:
0x3e: {  	s15 =	sshll.u32 s14, $0x2;
	s16 =	rddreg [dreg:$0x5]  }
0x3f: {  	s16 =	sadd.s32 s16, s15  }
0x40: {  	s16 =	smul.u32 $0x30, s16  }
0x41: {  	s17 =	rddreg [dreg:$0x0]  }
0x42: {  	s16 =	sadd.s32 s17, s16  }
0x43: {  	[tilespmem:s4], [sflag:$0x2] =	stream.linear.gather [hbm4b:s16+s4], $0x600, $0x38;
	[tilespmem:$0x18600] =	vst v63  }
0x44: {  	_ =	swait.ge [sflag:s11], $0x600  }
0x45: {  	[sflag:s11] =	ssyncset.done $0x0  }
0x46: {  	[sflag:s11] =	ssyncadd.s32 $0xFFFFFA00  }
0x47: {  	s18 =	simm.s32 $0x0;
	s17 =	simm.s32 $0x10;
	s16 =	simm.s32 $0x0;
	v3 =	vld [tilespmem:s4+$0x0]  }
.LBB2_5:
0x48: {  	p0 =	sne.s32 s17, $0x5F0;
	_ =	sdelay $0x3  }
0x49: {  	v3 =	vmul.u32 $0x600, v3;
	_ =	sdelay $0x1  }
0x4a: {  	v3 =	vadd.s32 s16, v3;
	s16 =	smov.u32 s17  }
0x4b: {  	v3 =	vor.u32 v1, v3;
	_ =	sdelay $0x1  }
.Ltmp1:
0x4c: {  	(pc) =	sbr.rel @p0 .LBB2_5-.Ltmp1, $3  }
0x4d: {  	_ =	sdelay $0x1  }
0x4e: {  	s18 =	sadd.s32 $0x10, s18;
	[tilespmem:v3+s12+$0x0] =	vst.idx.msk $0xffff, v2  }
0x4f: {  	s17 =	sadd.s32 $0x10, s17;
	v3 =	vld [tilespmem:s18+$0x0]  }
0x50: {  	_ =	sdelay $0x3  }
0x51: {  	v3 =	vmul.u32 $0x600, v3;
	_ =	sdelay $0x1  }
0x52: {  	v3 =	vadd.s32 s16, v3  }
0x53: {  	s18 =	rddreg [dreg:$0x4];
	v3 =	vor.u32 v1, v3  }
0x54: {  	s16 =	sadd.s32 s18, s15  }
0x55: {  	s17 =	sor.u32 s20, s16  }
0x56: {  	s18 =	rddreg [dreg:$0x6];
	s19 =	smul.u32 $0x30, s17  }
0x57: {  	s18 =	sadd.s32 s16, s18  }
0x58: {  	s15 =	simm.s32 $0x0;
	s18 =	smul.u32 $0x30, s18;
	s19 =	sadd.s32 s5, s19;
	[tilespmem:v3+s12+$0x0] =	vst.idx.msk $0xffff, v2  }
0x59: {  	[hbm4b:s19+s15] =	stream.linear.scatter [tilespmem:s12], [sflag:$0x1], $0x600, $0x38;
	[tilespmem:$0x18600] =	vst v63  }
0x5a: {  	s21 =	simm.s32 $0xC00;
	s18 =	sadd.s32 s5, s18;
	s19 =	rddreg [dreg:$0x7]  }
0x5b: {  	[hbm4b:s18+s15] =	stream.linear.scatter [tilespmem:s21], [sflag:$0x1], $0x600, $0x38;
	[tilespmem:$0x18600] =	vst v63  }
0x5c: {  	s18 =	sadd.s32 s16, s19  }
0x5d: {  	s21 =	rddreg [dreg:$0x8];
	s18 =	smul.u32 $0x30, s18  }
0x5e: {  	s19 =	sadd.s32 s16, s21  }
0x5f: {  	s21 =	simm.s32 $0x1200;
	s19 =	smul.u32 $0x30, s19;
	s18 =	sadd.s32 s5, s18  }
0x60: {  	[hbm4b:s18+s15] =	stream.linear.scatter [tilespmem:s21], [sflag:$0x1], $0x600, $0x38;
	[tilespmem:$0x18600] =	vst v63  }
0x61: {  	s19 =	sadd.s32 s5, s19;
	s21 =	simm.s32 $0x1800  }
0x62: {  	[hbm4b:s19+s15] =	stream.linear.scatter [tilespmem:s21], [sflag:$0x1], $0x600, $0x38;
	[tilespmem:$0x18600] =	vst v63  }
0x63: {  	s19 =	rddreg [dreg:$0x9]  }
0x64: {  	s18 =	sadd.s32 s16, s19  }
0x65: {  	s21 =	rddreg [dreg:$0xa];
	s18 =	smul.u32 $0x30, s18  }
0x66: {  	s19 =	sadd.s32 s16, s21  }
0x67: {  	s21 =	simm.s32 $0x1E00;
	s19 =	smul.u32 $0x30, s19;
	s18 =	sadd.s32 s5, s18  }
0x68: {  	[hbm4b:s18+s15] =	stream.linear.scatter [tilespmem:s21], [sflag:$0x1], $0x600, $0x38;
	[tilespmem:$0x18600] =	vst v63  }
0x69: {  	s19 =	sadd.s32 s5, s19;
	s21 =	simm.s32 $0x2400  }
0x6a: {  	[hbm4b:s19+s15] =	stream.linear.scatter [tilespmem:s21], [sflag:$0x1], $0x600, $0x38;
	[tilespmem:$0x18600] =	vst v63  }
0x6b: {  	s19 =	rddreg [dreg:$0xb]  }
0x6c: {  	s18 =	sadd.s32 s16, s19  }
0x6d: {  	s21 =	rddreg [dreg:$0xc];
	s18 =	smul.u32 $0x30, s18  }
0x6e: {  	s19 =	sadd.s32 s16, s21  }
0x6f: {  	s21 =	simm.s32 $0x2A00;
	s19 =	smul.u32 $0x30, s19;
	s18 =	sadd.s32 s5, s18  }
0x70: {  	[hbm4b:s18+s15] =	stream.linear.scatter [tilespmem:s21], [sflag:$0x1], $0x600, $0x38;
	[tilespmem:$0x18600] =	vst v63  }
0x71: {  	s17 =	smul.u32 $0x180, s17;
	s19 =	sadd.s32 s5, s19;
	s21 =	simm.s32 $0x3000  }
0x72: {  	[hbm4b:s19+s15] =	stream.linear.scatter [tilespmem:s21], [sflag:$0x1], $0x600, $0x38;
	[tilespmem:$0x18600] =	vst v63  }
0x73: {  	s17 =	sshrl.u32 s17, $0x3;
	s19 =	rddreg [dreg:$0xd]  }
0x74: {  	s17 =	sadd.s32 s5, s17;
	s18 =	sadd.s32 s16, s19  }
0x75: {  	s21 =	simm.s32 $0x3600;
	s19 =	sadd.s32 $0x24000, s17;
	s18 =	smul.u32 $0x30, s18  }
0x76: {  	[hbm4b:s19+s15] =	stream.linear.scatter [tilespmem:s21], [sflag:$0x1], $0x600, $0x38;
	[tilespmem:$0x18600] =	vst v63  }
0x77: {  	s21 =	simm.s32 $0x3C00;
	s19 =	rddreg [dreg:$0xe];
	s18 =	sadd.s32 s5, s18  }
0x78: {  	[hbm4b:s18+s15] =	stream.linear.scatter [tilespmem:s21], [sflag:$0x1], $0x600, $0x38;
	[tilespmem:$0x18600] =	vst v63  }
0x79: {  	s18 =	sadd.s32 s16, s19  }
0x7a: {  	s21 =	rddreg [dreg:$0xf];
	s18 =	smul.u32 $0x30, s18  }
0x7b: {  	s19 =	sadd.s32 s16, s21  }
0x7c: {  	s21 =	simm.s32 $0x4200;
	s19 =	smul.u32 $0x30, s19;
	s18 =	sadd.s32 s5, s18  }
0x7d: {  	[hbm4b:s18+s15] =	stream.linear.scatter [tilespmem:s21], [sflag:$0x1], $0x600, $0x38;
	[tilespmem:$0x18600] =	vst v63  }
0x7e: {  	s19 =	sadd.s32 s5, s19;
	s21 =	simm.s32 $0x4800  }
0x7f: {  	[hbm4b:s19+s15] =	stream.linear.scatter [tilespmem:s21], [sflag:$0x1], $0x600, $0x38;
	[tilespmem:$0x18600] =	vst v63  }
0x80: {  	s19 =	rddreg [dreg:$0x10]  }
0x81: {  	s18 =	sadd.s32 s16, s19  }
0x82: {  	s21 =	rddreg [dreg:$0x11];
	s18 =	smul.u32 $0x30, s18  }
0x83: {  	s19 =	sadd.s32 s16, s21  }
0x84: {  	s21 =	simm.s32 $0x4E00;
	s19 =	smul.u32 $0x30, s19;
	s18 =	sadd.s32 s5, s18  }
0x85: {  	[hbm4b:s18+s15] =	stream.linear.scatter [tilespmem:s21], [sflag:$0x1], $0x600, $0x38;
	[tilespmem:$0x18600] =	vst v63  }
0x86: {  	s19 =	sadd.s32 s5, s19;
	s21 =	simm.s32 $0x5400  }
0x87: {  	[hbm4b:s19+s15] =	stream.linear.scatter [tilespmem:s21], [sflag:$0x1], $0x600, $0x38;
	[tilespmem:$0x18600] =	vst v63  }
0x88: {  	s19 =	rddreg [dreg:$0x12]  }
0x89: {  	s18 =	sadd.s32 s16, s19  }
0x8a: {  	s21 =	rddreg [dreg:$0x13];
	s18 =	smul.u32 $0x30, s18  }
0x8b: {  	s19 =	sadd.s32 s16, s21  }
0x8c: {  	s21 =	simm.s32 $0x5A00;
	s19 =	smul.u32 $0x30, s19;
	s18 =	sadd.s32 s5, s18  }
0x8d: {  	[hbm4b:s18+s15] =	stream.linear.scatter [tilespmem:s21], [sflag:$0x1], $0x600, $0x38;
	[tilespmem:$0x18600] =	vst v63  }
0x8e: {  	s19 =	sadd.s32 s5, s19;
	s21 =	simm.s32 $0x6000  }
0x8f: {  	[hbm4b:s19+s15] =	stream.linear.scatter [tilespmem:s21], [sflag:$0x1], $0x600, $0x38;
	[tilespmem:$0x18600] =	vst v63  }
0x90: {  	s19 =	rddreg [dreg:$0x14]  }
0x91: {  	s18 =	sadd.s32 s16, s19  }
0x92: {  	s17 =	sadd.s32 $0x48000, s17;
	s21 =	simm.s32 $0x6600;
	s18 =	smul.u32 $0x30, s18  }
0x93: {  	[hbm4b:s17+s15] =	stream.linear.scatter [tilespmem:s21], [sflag:$0x1], $0x600, $0x38;
	[tilespmem:$0x18600] =	vst v63  }
0x94: {  	s21 =	simm.s32 $0x6C00;
	s19 =	sadd.s32 s5, s18;
	s18 =	rddreg [dreg:$0x15]  }
0x95: {  	[hbm4b:s19+s15] =	stream.linear.scatter [tilespmem:s21], [sflag:$0x1], $0x600, $0x38;
	[tilespmem:$0x18600] =	vst v63  }
0x96: {  	s17 =	sadd.s32 s16, s18  }
0x97: {  	s19 =	rddreg [dreg:$0x16];
	s17 =	smul.u32 $0x30, s17  }
0x98: {  	s18 =	sadd.s32 s16, s19  }
0x99: {  	s21 =	simm.s32 $0x7200;
	s18 =	smul.u32 $0x30, s18;
	s17 =	sadd.s32 s5, s17  }
0x9a: {  	[hbm4b:s17+s15] =	stream.linear.scatter [tilespmem:s21], [sflag:$0x1], $0x600, $0x38;
	[tilespmem:$0x18600] =	vst v63  }
0x9b: {  	s19 =	sadd.s32 s5, s18;
	s18 =	rddreg [dreg:$0x18]  }
0x9c: {  	s21 =	simm.s32 $0x7800;
	s17 =	sadd.s32 s16, s18  }
0x9d: {  	[hbm4b:s19+s15] =	stream.linear.scatter [tilespmem:s21], [sflag:$0x1], $0x600, $0x38;
	[tilespmem:$0x18600] =	vst v63  }
0x9e: {  	s17 =	smul.u32 $0x30, s17;
	s19 =	rddreg [dreg:$0x19]  }
0x9f: {  	s18 =	sadd.s32 s16, s19  }
0xa0: {  	s21 =	simm.s32 $0x7E00;
	s17 =	sadd.s32 s5, s17;
	s18 =	smul.u32 $0x30, s18  }
0xa1: {  	[hbm4b:s17+s15] =	stream.linear.scatter [tilespmem:s21], [sflag:$0x1], $0x600, $0x38;
	[tilespmem:$0x18600] =	vst v63  }
0xa2: {  	s21 =	simm.s32 $0x8400;
	s19 =	sadd.s32 s5, s18;
	s18 =	rddreg [dreg:$0x1a]  }
0xa3: {  	[hbm4b:s19+s15] =	stream.linear.scatter [tilespmem:s21], [sflag:$0x1], $0x600, $0x38;
	[tilespmem:$0x18600] =	vst v63  }
0xa4: {  	s17 =	sadd.s32 s16, s18  }
0xa5: {  	s19 =	rddreg [dreg:$0x1b];
	s17 =	smul.u32 $0x30, s17  }
0xa6: {  	s18 =	sadd.s32 s16, s19  }
0xa7: {  	s21 =	simm.s32 $0x8A00;
	s18 =	smul.u32 $0x30, s18;
	s17 =	sadd.s32 s5, s17  }
0xa8: {  	[hbm4b:s17+s15] =	stream.linear.scatter [tilespmem:s21], [sflag:$0x1], $0x600, $0x38;
	[tilespmem:$0x18600] =	vst v63  }
0xa9: {  	s19 =	sadd.s32 s5, s18;
	s18 =	rddreg [dreg:$0x1c]  }
0xaa: {  	s21 =	simm.s32 $0x9000;
	s17 =	sadd.s32 s18, s16  }
0xab: {  	[hbm4b:s19+s15] =	stream.linear.scatter [tilespmem:s21], [sflag:$0x1], $0x600, $0x38;
	[tilespmem:$0x18600] =	vst v63  }
0xac: {  	s17 =	smul.u32 $0x30, s17;
	s19 =	rddreg [dreg:$0x1d]  }
0xad: {  	s18 =	sadd.s32 s16, s19  }
0xae: {  	s21 =	simm.s32 $0x9600;
	s17 =	sadd.s32 s5, s17;
	s18 =	smul.u32 $0x30, s18  }
0xaf: {  	[hbm4b:s17+s15] =	stream.linear.scatter [tilespmem:s21], [sflag:$0x1], $0x600, $0x38;
	[tilespmem:$0x18600] =	vst v63  }
0xb0: {  	s21 =	simm.s32 $0x9C00;
	s19 =	sadd.s32 s5, s18;
	s18 =	rddreg [dreg:$0x1e]  }
0xb1: {  	[hbm4b:s19+s15] =	stream.linear.scatter [tilespmem:s21], [sflag:$0x1], $0x600, $0x38;
	[tilespmem:$0x18600] =	vst v63  }
0xb2: {  	s17 =	sadd.s32 s16, s18  }
0xb3: {  	s19 =	rddreg [dreg:$0x1f];
	s17 =	smul.u32 $0x30, s17  }
0xb4: {  	s18 =	sadd.s32 s16, s19  }
0xb5: {  	s21 =	simm.s32 $0xA200;
	s18 =	smul.u32 $0x30, s18;
	s17 =	sadd.s32 s5, s17  }
0xb6: {  	[hbm4b:s17+s15] =	stream.linear.scatter [tilespmem:s21], [sflag:$0x1], $0x600, $0x38;
	[tilespmem:$0x18600] =	vst v63  }
0xb7: {  	s19 =	sadd.s32 s5, s18;
	s21 =	simm.s32 $0xA800;
	s18 =	sld [smem:$0x7EC]  }
0xb8: {  	[hbm4b:s19+s15] =	stream.linear.scatter [tilespmem:s21], [sflag:$0x1], $0x600, $0x38;
	[tilespmem:$0x18600] =	vst v63  }
0xb9: {  	s19 =	sld [smem:$0x7ED]  }
0xba: {  	s17 =	sadd.s32 s16, s18  }
0xbb: {  	s17 =	smul.u32 $0x30, s17  }
0xbc: {  	s18 =	sadd.s32 s16, s19  }
0xbd: {  	s21 =	simm.s32 $0xAE00;
	s17 =	sadd.s32 s5, s17;
	s18 =	smul.u32 $0x30, s18  }
0xbe: {  	[hbm4b:s17+s15] =	stream.linear.scatter [tilespmem:s21], [sflag:$0x1], $0x600, $0x38;
	[tilespmem:$0x18600] =	vst v63  }
0xbf: {  	s21 =	simm.s32 $0xB400;
	s19 =	sadd.s32 s5, s18;
	s18 =	sld [smem:$0x7EE]  }
0xc0: {  	[hbm4b:s19+s15] =	stream.linear.scatter [tilespmem:s21], [sflag:$0x1], $0x600, $0x38;
	[tilespmem:$0x18600] =	vst v63  }
0xc1: {  	s19 =	sld [smem:$0x7EF]  }
0xc2: {  	s17 =	sadd.s32 s16, s18  }
0xc3: {  	s17 =	smul.u32 $0x30, s17  }
0xc4: {  	s18 =	sadd.s32 s16, s19  }
0xc5: {  	s21 =	simm.s32 $0xBA00;
	s18 =	smul.u32 $0x30, s18;
	s17 =	sadd.s32 s5, s17  }
0xc6: {  	[hbm4b:s17+s15] =	stream.linear.scatter [tilespmem:s21], [sflag:$0x1], $0x600, $0x38;
	[tilespmem:$0x18600] =	vst v63  }
0xc7: {  	s19 =	sadd.s32 s5, s18;
	s21 =	simm.s32 $0xC000;
	s18 =	sld [smem:$0x7F0]  }
0xc8: {  	[hbm4b:s19+s15] =	stream.linear.scatter [tilespmem:s21], [sflag:$0x1], $0x600, $0x38;
	[tilespmem:$0x18600] =	vst v63  }
0xc9: {  	s19 =	sld [smem:$0x7F1]  }
0xca: {  	s17 =	sadd.s32 s18, s16  }
0xcb: {  	s17 =	smul.u32 $0x30, s17  }
0xcc: {  	s18 =	sadd.s32 s16, s19  }
0xcd: {  	s21 =	simm.s32 $0xC600;
	s17 =	sadd.s32 s5, s17;
	s18 =	smul.u32 $0x30, s18  }
0xce: {  	[hbm4b:s17+s15] =	stream.linear.scatter [tilespmem:s21], [sflag:$0x1], $0x600, $0x38;
	[tilespmem:$0x18600] =	vst v63  }
0xcf: {  	s21 =	simm.s32 $0xCC00;
	s19 =	sadd.s32 s5, s18;
	s18 =	sld [smem:$0x7F2]  }
0xd0: {  	[hbm4b:s19+s15] =	stream.linear.scatter [tilespmem:s21], [sflag:$0x1], $0x600, $0x38;
	[tilespmem:$0x18600] =	vst v63  }
0xd1: {  	s19 =	sld [smem:$0x7F3]  }
0xd2: {  	s17 =	sadd.s32 s16, s18  }
0xd3: {  	s17 =	smul.u32 $0x30, s17  }
0xd4: {  	s18 =	sadd.s32 s16, s19  }
0xd5: {  	s21 =	simm.s32 $0xD200;
	s18 =	smul.u32 $0x30, s18;
	s17 =	sadd.s32 s5, s17  }
0xd6: {  	[hbm4b:s17+s15] =	stream.linear.scatter [tilespmem:s21], [sflag:$0x1], $0x600, $0x38;
	[tilespmem:$0x18600] =	vst v63  }
0xd7: {  	s19 =	sadd.s32 s5, s18;
	s21 =	simm.s32 $0xD800;
	s18 =	sld [smem:$0x7F4]  }
0xd8: {  	[hbm4b:s19+s15] =	stream.linear.scatter [tilespmem:s21], [sflag:$0x1], $0x600, $0x38;
	[tilespmem:$0x18600] =	vst v63  }
0xd9: {  	s19 =	sld [smem:$0x7F5]  }
0xda: {  	s17 =	sadd.s32 s16, s18  }
0xdb: {  	s17 =	smul.u32 $0x30, s17  }
0xdc: {  	s18 =	sadd.s32 s16, s19  }
0xdd: {  	s21 =	simm.s32 $0xDE00;
	s17 =	sadd.s32 s5, s17;
	s18 =	smul.u32 $0x30, s18  }
0xde: {  	[hbm4b:s17+s15] =	stream.linear.scatter [tilespmem:s21], [sflag:$0x1], $0x600, $0x38;
	[tilespmem:$0x18600] =	vst v63  }
0xdf: {  	s21 =	simm.s32 $0xE400;
	s19 =	sadd.s32 s5, s18;
	s18 =	sld [smem:$0x7F6]  }
0xe0: {  	[hbm4b:s19+s15] =	stream.linear.scatter [tilespmem:s21], [sflag:$0x1], $0x600, $0x38;
	[tilespmem:$0x18600] =	vst v63  }
0xe1: {  	s19 =	sld [smem:$0x7F7]  }
0xe2: {  	s17 =	sadd.s32 s16, s18  }
0xe3: {  	s17 =	smul.u32 $0x30, s17  }
0xe4: {  	s18 =	sadd.s32 s16, s19  }
0xe5: {  	s21 =	simm.s32 $0xEA00;
	s18 =	smul.u32 $0x30, s18;
	s17 =	sadd.s32 s5, s17  }
0xe6: {  	[hbm4b:s17+s15] =	stream.linear.scatter [tilespmem:s21], [sflag:$0x1], $0x600, $0x38;
	[tilespmem:$0x18600] =	vst v63  }
0xe7: {  	s19 =	sadd.s32 s5, s18;
	s21 =	simm.s32 $0xF000;
	s18 =	sld [smem:$0x7F8]  }
0xe8: {  	[hbm4b:s19+s15] =	stream.linear.scatter [tilespmem:s21], [sflag:$0x1], $0x600, $0x38;
	[tilespmem:$0x18600] =	vst v63  }
0xe9: {  	s19 =	sld [smem:$0x7F9]  }
0xea: {  	s17 =	sadd.s32 s18, s16  }
0xeb: {  	s17 =	smul.u32 $0x30, s17  }
0xec: {  	s18 =	sadd.s32 s16, s19  }
0xed: {  	s21 =	simm.s32 $0xF600;
	s17 =	sadd.s32 s5, s17;
	s18 =	smul.u32 $0x30, s18  }
0xee: {  	[hbm4b:s17+s15] =	stream.linear.scatter [tilespmem:s21], [sflag:$0x1], $0x600, $0x38;
	[tilespmem:$0x18600] =	vst v63  }
0xef: {  	s21 =	simm.s32 $0xFC00;
	s19 =	sadd.s32 s5, s18;
	s18 =	sld [smem:$0x7FA]  }
0xf0: {  	[hbm4b:s19+s15] =	stream.linear.scatter [tilespmem:s21], [sflag:$0x1], $0x600, $0x38;
	[tilespmem:$0x18600] =	vst v63  }
0xf1: {  	s19 =	sld [smem:$0x7FB]  }
0xf2: {  	s17 =	sadd.s32 s16, s18  }
0xf3: {  	s17 =	smul.u32 $0x30, s17  }
0xf4: {  	s18 =	sadd.s32 s16, s19  }
0xf5: {  	s21 =	simm.s32 $0x10200;
	s18 =	smul.u32 $0x30, s18;
	s17 =	sadd.s32 s5, s17  }
0xf6: {  	[hbm4b:s17+s15] =	stream.linear.scatter [tilespmem:s21], [sflag:$0x1], $0x600, $0x38;
	[tilespmem:$0x18600] =	vst v63  }
0xf7: {  	s19 =	sadd.s32 s5, s18;
	s21 =	simm.s32 $0x10800;
	s18 =	sld [smem:$0x7FC]  }
0xf8: {  	[hbm4b:s19+s15] =	stream.linear.scatter [tilespmem:s21], [sflag:$0x1], $0x600, $0x38;
	[tilespmem:$0x18600] =	vst v63  }
0xf9: {  	s19 =	sld [smem:$0x7FD]  }
0xfa: {  	s17 =	sadd.s32 s16, s18  }
0xfb: {  	s17 =	smul.u32 $0x30, s17  }
0xfc: {  	s18 =	sadd.s32 s16, s19  }
0xfd: {  	s21 =	simm.s32 $0x10E00;
	s17 =	sadd.s32 s5, s17;
	s18 =	smul.u32 $0x30, s18  }
0xfe: {  	[hbm4b:s17+s15] =	stream.linear.scatter [tilespmem:s21], [sflag:$0x1], $0x600, $0x38;
	[tilespmem:$0x18600] =	vst v63  }
0xff: {  	s21 =	simm.s32 $0x11400;
	s19 =	sadd.s32 s5, s18;
	s18 =	sadd.s32 s16, s22  }
0x100: {  	[hbm4b:s19+s15] =	stream.linear.scatter [tilespmem:s21], [sflag:$0x1], $0x600, $0x38;
	[tilespmem:$0x18600] =	vst v63  }
0x101: {  	s17 =	smul.u32 $0x30, s18  }
0x102: {  	s19 =	sadd.s32 s16, s23  }
0x103: {  	s21 =	simm.s32 $0x11A00;
	s18 =	smul.u32 $0x30, s19;
	s17 =	sadd.s32 s5, s17  }
0x104: {  	[hbm4b:s17+s15] =	stream.linear.scatter [tilespmem:s21], [sflag:$0x1], $0x600, $0x38;
	[tilespmem:$0x18600] =	vst v63  }
0x105: {  	s19 =	sadd.s32 s5, s18;
	s18 =	sadd.s32 s24, s16  }
0x106: {  	s21 =	simm.s32 $0x12000;
	s17 =	smul.u32 $0x30, s18  }
0x107: {  	[hbm4b:s19+s15] =	stream.linear.scatter [tilespmem:s21], [sflag:$0x1], $0x600, $0x38;
	[tilespmem:$0x18600] =	vst v63  }
0x108: {  	s19 =	sadd.s32 s16, s26  }
0x109: {  	s21 =	simm.s32 $0x12600;
	s17 =	sadd.s32 s5, s17;
	s18 =	smul.u32 $0x30, s19  }
0x10a: {  	[hbm4b:s17+s15] =	stream.linear.scatter [tilespmem:s21], [sflag:$0x1], $0x600, $0x38;
	[tilespmem:$0x18600] =	vst v63  }
0x10b: {  	s21 =	simm.s32 $0x12C00;
	s19 =	sadd.s32 s5, s18;
	s18 =	sadd.s32 s16, s28  }
0x10c: {  	[hbm4b:s19+s15] =	stream.linear.scatter [tilespmem:s21], [sflag:$0x1], $0x600, $0x38;
	[tilespmem:$0x18600] =	vst v63  }
0x10d: {  	s17 =	smul.u32 $0x30, s18  }
0x10e: {  	s19 =	sadd.s32 s16, s29  }
0x10f: {  	s21 =	simm.s32 $0x13200;
	s18 =	smul.u32 $0x30, s19;
	s17 =	sadd.s32 s5, s17  }
0x110: {  	[hbm4b:s17+s15] =	stream.linear.scatter [tilespmem:s21], [sflag:$0x1], $0x600, $0x38;
	[tilespmem:$0x18600] =	vst v63  }
0x111: {  	s19 =	sadd.s32 s5, s18;
	s18 =	sadd.s32 s16, s30  }
0x112: {  	s21 =	simm.s32 $0x13800;
	s17 =	smul.u32 $0x30, s18  }
0x113: {  	[hbm4b:s19+s15] =	stream.linear.scatter [tilespmem:s21], [sflag:$0x1], $0x600, $0x38;
	[tilespmem:$0x18600] =	vst v63  }
0x114: {  	s19 =	sadd.s32 s16, s31  }
0x115: {  	s21 =	simm.s32 $0x13E00;
	s17 =	sadd.s32 s5, s17;
	s18 =	smul.u32 $0x30, s19  }
0x116: {  	[hbm4b:s17+s15] =	stream.linear.scatter [tilespmem:s21], [sflag:$0x1], $0x600, $0x38;
	[tilespmem:$0x18600] =	vst v63  }
0x117: {  	s21 =	simm.s32 $0x14400;
	s19 =	sadd.s32 s5, s18;
	s18 =	sadd.s32 s16, s0  }
0x118: {  	[hbm4b:s19+s15] =	stream.linear.scatter [tilespmem:s21], [sflag:$0x1], $0x600, $0x38;
	[tilespmem:$0x18600] =	vst v63  }
0x119: {  	s17 =	smul.u32 $0x30, s18  }
0x11a: {  	s19 =	sadd.s32 s16, s2  }
0x11b: {  	s21 =	simm.s32 $0x14A00;
	s18 =	smul.u32 $0x30, s19;
	s17 =	sadd.s32 s5, s17  }
0x11c: {  	[hbm4b:s17+s15] =	stream.linear.scatter [tilespmem:s21], [sflag:$0x1], $0x600, $0x38;
	[tilespmem:$0x18600] =	vst v63  }
0x11d: {  	s19 =	sadd.s32 s5, s18;
	s18 =	sadd.s32 s25, s16  }
0x11e: {  	s21 =	simm.s32 $0x15000;
	s17 =	smul.u32 $0x30, s18  }
0x11f: {  	[hbm4b:s19+s15] =	stream.linear.scatter [tilespmem:s21], [sflag:$0x1], $0x600, $0x38;
	[tilespmem:$0x18600] =	vst v63  }
0x120: {  	s19 =	sadd.s32 s16, s3  }
0x121: {  	s21 =	simm.s32 $0x15600;
	s17 =	sadd.s32 s5, s17;
	s18 =	smul.u32 $0x30, s19  }
0x122: {  	[hbm4b:s17+s15] =	stream.linear.scatter [tilespmem:s21], [sflag:$0x1], $0x600, $0x38;
	[tilespmem:$0x18600] =	vst v63  }
0x123: {  	s21 =	simm.s32 $0x15C00;
	s19 =	sadd.s32 s5, s18;
	s18 =	sadd.s32 s16, s1  }
0x124: {  	[hbm4b:s19+s15] =	stream.linear.scatter [tilespmem:s21], [sflag:$0x1], $0x600, $0x38;
	[tilespmem:$0x18600] =	vst v63  }
0x125: {  	s17 =	smul.u32 $0x30, s18  }
0x126: {  	s19 =	sadd.s32 s16, s6  }
0x127: {  	s21 =	simm.s32 $0x16200;
	s18 =	smul.u32 $0x30, s19;
	s17 =	sadd.s32 s5, s17  }
0x128: {  	[hbm4b:s17+s15] =	stream.linear.scatter [tilespmem:s21], [sflag:$0x1], $0x600, $0x38;
	[tilespmem:$0x18600] =	vst v63  }
0x129: {  	s19 =	sadd.s32 s5, s18;
	s18 =	sadd.s32 s16, s7  }
0x12a: {  	s21 =	simm.s32 $0x16800;
	s17 =	smul.u32 $0x30, s18  }
0x12b: {  	[hbm4b:s19+s15] =	stream.linear.scatter [tilespmem:s21], [sflag:$0x1], $0x600, $0x38;
	[tilespmem:$0x18600] =	vst v63  }
0x12c: {  	s19 =	sadd.s32 s16, s8  }
0x12d: {  	s21 =	simm.s32 $0x16E00;
	s17 =	sadd.s32 s5, s17;
	s18 =	smul.u32 $0x30, s19  }
0x12e: {  	[hbm4b:s17+s15] =	stream.linear.scatter [tilespmem:s21], [sflag:$0x1], $0x600, $0x38;
	[tilespmem:$0x18600] =	vst v63  }
0x12f: {  	s19 =	sadd.s32 s5, s18;
	s18 =	sadd.s32 s16, s9  }
0x130: {  	s21 =	simm.s32 $0x17400;
	s16 =	sadd.s32 s16, s10;
	s17 =	smul.u32 $0x30, s18  }
0x131: {  	[hbm4b:s19+s15] =	stream.linear.scatter [tilespmem:s21], [sflag:$0x1], $0x600, $0x38;
	[tilespmem:$0x18600] =	vst v63  }
0x132: {  	s16 =	smul.u32 $0x30, s16;
	s19 =	simm.s32 $0x17A00;
	s17 =	sadd.s32 s5, s17  }
0x133: {  	[hbm4b:s17+s15] =	stream.linear.scatter [tilespmem:s19], [sflag:$0x1], $0x600, $0x38;
	[tilespmem:$0x18600] =	vst v63  }
0x134: {  	s21 =	simm.s32 $0x18000;
	s16 =	sadd.s32 s5, s16  }
0x135: {  	[hbm4b:s16+s15] =	stream.linear.scatter [tilespmem:s21], [sflag:$0x1], $0x600, $0x38;
	[tilespmem:$0x18600] =	vst v63  }
0x136: {  	_ =	swait.ge [sflag:s13], $0x600  }
0x137: {  	[sflag:s13] =	ssyncset.done $0x0  }
0x138: {  	[sflag:s13] =	ssyncadd.s32 $0xFFFFFA00  }
0x139: {  	_ =	swait.ge [sflag:s13], $0x600  }
0x13a: {  	[sflag:s13] =	ssyncset.done $0x0  }
0x13b: {  	[sflag:s13] =	ssyncadd.s32 $0xFFFFFA00  }
0x13c: {  	_ =	swait.ge [sflag:s13], $0x600  }
0x13d: {  	[sflag:s13] =	ssyncset.done $0x0  }
0x13e: {  	[sflag:s13] =	ssyncadd.s32 $0xFFFFFA00  }
0x13f: {  	_ =	swait.ge [sflag:s13], $0x600  }
0x140: {  	[sflag:s13] =	ssyncset.done $0x0  }
0x141: {  	[sflag:s13] =	ssyncadd.s32 $0xFFFFFA00  }
0x142: {  	_ =	swait.ge [sflag:s13], $0x600  }
0x143: {  	[sflag:s13] =	ssyncset.done $0x0  }
0x144: {  	[sflag:s13] =	ssyncadd.s32 $0xFFFFFA00  }
0x145: {  	_ =	swait.ge [sflag:s13], $0x600  }
0x146: {  	[sflag:s13] =	ssyncset.done $0x0  }
0x147: {  	[sflag:s13] =	ssyncadd.s32 $0xFFFFFA00  }
0x148: {  	_ =	swait.ge [sflag:s13], $0x600  }
0x149: {  	[sflag:s13] =	ssyncset.done $0x0  }
0x14a: {  	[sflag:s13] =	ssyncadd.s32 $0xFFFFFA00  }
0x14b: {  	_ =	swait.ge [sflag:s13], $0x600  }
0x14c: {  	[sflag:s13] =	ssyncset.done $0x0  }
0x14d: {  	[sflag:s13] =	ssyncadd.s32 $0xFFFFFA00  }
0x14e: {  	_ =	swait.ge [sflag:s13], $0x600  }
0x14f: {  	[sflag:s13] =	ssyncset.done $0x0  }
0x150: {  	[sflag:s13] =	ssyncadd.s32 $0xFFFFFA00  }
0x151: {  	_ =	swait.ge [sflag:s13], $0x600  }
0x152: {  	[sflag:s13] =	ssyncset.done $0x0  }
0x153: {  	[sflag:s13] =	ssyncadd.s32 $0xFFFFFA00  }
0x154: {  	_ =	swait.ge [sflag:s13], $0x600  }
0x155: {  	[sflag:s13] =	ssyncset.done $0x0  }
0x156: {  	[sflag:s13] =	ssyncadd.s32 $0xFFFFFA00  }
0x157: {  	_ =	swait.ge [sflag:s13], $0x600  }
0x158: {  	[sflag:s13] =	ssyncset.done $0x0  }
0x159: {  	[sflag:s13] =	ssyncadd.s32 $0xFFFFFA00  }
0x15a: {  	_ =	swait.ge [sflag:s13], $0x600  }
0x15b: {  	[sflag:s13] =	ssyncset.done $0x0  }
0x15c: {  	[sflag:s13] =	ssyncadd.s32 $0xFFFFFA00  }
0x15d: {  	_ =	swait.ge [sflag:s13], $0x600  }
0x15e: {  	[sflag:s13] =	ssyncset.done $0x0  }
0x15f: {  	[sflag:s13] =	ssyncadd.s32 $0xFFFFFA00  }
0x160: {  	_ =	swait.ge [sflag:s13], $0x600  }
0x161: {  	[sflag:s13] =	ssyncset.done $0x0  }
0x162: {  	[sflag:s13] =	ssyncadd.s32 $0xFFFFFA00  }
0x163: {  	_ =	swait.ge [sflag:s13], $0x600  }
0x164: {  	[sflag:s13] =	ssyncset.done $0x0  }
0x165: {  	[sflag:s13] =	ssyncadd.s32 $0xFFFFFA00  }
0x166: {  	_ =	swait.ge [sflag:s13], $0x600  }
0x167: {  	[sflag:s13] =	ssyncset.done $0x0  }
0x168: {  	[sflag:s13] =	ssyncadd.s32 $0xFFFFFA00  }
0x169: {  	_ =	swait.ge [sflag:s13], $0x600  }
0x16a: {  	[sflag:s13] =	ssyncset.done $0x0  }
0x16b: {  	[sflag:s13] =	ssyncadd.s32 $0xFFFFFA00  }
0x16c: {  	_ =	swait.ge [sflag:s13], $0x600  }
0x16d: {  	[sflag:s13] =	ssyncset.done $0x0  }
0x16e: {  	[sflag:s13] =	ssyncadd.s32 $0xFFFFFA00  }
0x16f: {  	_ =	swait.ge [sflag:s13], $0x600  }
0x170: {  	[sflag:s13] =	ssyncset.done $0x0  }
0x171: {  	[sflag:s13] =	ssyncadd.s32 $0xFFFFFA00  }
0x172: {  	_ =	swait.ge [sflag:s13], $0x600  }
0x173: {  	[sflag:s13] =	ssyncset.done $0x0  }
0x174: {  	[sflag:s13] =	ssyncadd.s32 $0xFFFFFA00  }
0x175: {  	_ =	swait.ge [sflag:s13], $0x600  }
0x176: {  	[sflag:s13] =	ssyncset.done $0x0  }
0x177: {  	[sflag:s13] =	ssyncadd.s32 $0xFFFFFA00  }
0x178: {  	_ =	swait.ge [sflag:s13], $0x600  }
0x179: {  	[sflag:s13] =	ssyncset.done $0x0  }
0x17a: {  	[sflag:s13] =	ssyncadd.s32 $0xFFFFFA00  }
0x17b: {  	_ =	swait.ge [sflag:s13], $0x600  }
0x17c: {  	[sflag:s13] =	ssyncset.done $0x0  }
0x17d: {  	[sflag:s13] =	ssyncadd.s32 $0xFFFFFA00  }
0x17e: {  	_ =	swait.ge [sflag:s13], $0x600  }
0x17f: {  	[sflag:s13] =	ssyncset.done $0x0  }
0x180: {  	[sflag:s13] =	ssyncadd.s32 $0xFFFFFA00  }
0x181: {  	_ =	swait.ge [sflag:s13], $0x600  }
0x182: {  	[sflag:s13] =	ssyncset.done $0x0  }
0x183: {  	[sflag:s13] =	ssyncadd.s32 $0xFFFFFA00  }
0x184: {  	_ =	swait.ge [sflag:s13], $0x600  }
0x185: {  	[sflag:s13] =	ssyncset.done $0x0  }
0x186: {  	[sflag:s13] =	ssyncadd.s32 $0xFFFFFA00  }
0x187: {  	_ =	swait.ge [sflag:s13], $0x600  }
0x188: {  	[sflag:s13] =	ssyncset.done $0x0  }
0x189: {  	[sflag:s13] =	ssyncadd.s32 $0xFFFFFA00  }
0x18a: {  	_ =	swait.ge [sflag:s13], $0x600  }
0x18b: {  	[sflag:s13] =	ssyncset.done $0x0  }
0x18c: {  	[sflag:s13] =	ssyncadd.s32 $0xFFFFFA00  }
0x18d: {  	_ =	swait.ge [sflag:s13], $0x600  }
0x18e: {  	[sflag:s13] =	ssyncset.done $0x0  }
0x18f: {  	[sflag:s13] =	ssyncadd.s32 $0xFFFFFA00  }
0x190: {  	_ =	swait.ge [sflag:s13], $0x600  }
0x191: {  	[sflag:s13] =	ssyncset.done $0x0  }
0x192: {  	[sflag:s13] =	ssyncadd.s32 $0xFFFFFA00  }
0x193: {  	_ =	swait.ge [sflag:s13], $0x600  }
0x194: {  	[sflag:s13] =	ssyncset.done $0x0  }
0x195: {  	[sflag:s13] =	ssyncadd.s32 $0xFFFFFA00  }
0x196: {  	_ =	swait.ge [sflag:s13], $0x600  }
0x197: {  	[sflag:s13] =	ssyncset.done $0x0  }
0x198: {  	[sflag:s13] =	ssyncadd.s32 $0xFFFFFA00  }
0x199: {  	_ =	swait.ge [sflag:s13], $0x600  }
0x19a: {  	[sflag:s13] =	ssyncset.done $0x0  }
0x19b: {  	[sflag:s13] =	ssyncadd.s32 $0xFFFFFA00  }
0x19c: {  	_ =	swait.ge [sflag:s13], $0x600  }
0x19d: {  	[sflag:s13] =	ssyncset.done $0x0  }
0x19e: {  	[sflag:s13] =	ssyncadd.s32 $0xFFFFFA00  }
0x19f: {  	_ =	swait.ge [sflag:s13], $0x600  }
0x1a0: {  	[sflag:s13] =	ssyncset.done $0x0  }
0x1a1: {  	[sflag:s13] =	ssyncadd.s32 $0xFFFFFA00  }
0x1a2: {  	_ =	swait.ge [sflag:s13], $0x600  }
0x1a3: {  	[sflag:s13] =	ssyncset.done $0x0  }
0x1a4: {  	[sflag:s13] =	ssyncadd.s32 $0xFFFFFA00  }
0x1a5: {  	_ =	swait.ge [sflag:s13], $0x600  }
0x1a6: {  	[sflag:s13] =	ssyncset.done $0x0  }
0x1a7: {  	[sflag:s13] =	ssyncadd.s32 $0xFFFFFA00  }
0x1a8: {  	_ =	swait.ge [sflag:s13], $0x600  }
0x1a9: {  	[sflag:s13] =	ssyncset.done $0x0  }
0x1aa: {  	[sflag:s13] =	ssyncadd.s32 $0xFFFFFA00  }
0x1ab: {  	_ =	swait.ge [sflag:s13], $0x600  }
0x1ac: {  	[sflag:s13] =	ssyncset.done $0x0  }
0x1ad: {  	[sflag:s13] =	ssyncadd.s32 $0xFFFFFA00  }
0x1ae: {  	_ =	swait.ge [sflag:s13], $0x600  }
0x1af: {  	[sflag:s13] =	ssyncset.done $0x0  }
0x1b0: {  	[sflag:s13] =	ssyncadd.s32 $0xFFFFFA00  }
0x1b1: {  	_ =	swait.ge [sflag:s13], $0x600  }
0x1b2: {  	[sflag:s13] =	ssyncset.done $0x0  }
0x1b3: {  	[sflag:s13] =	ssyncadd.s32 $0xFFFFFA00  }
0x1b4: {  	_ =	swait.ge [sflag:s13], $0x600  }
0x1b5: {  	[sflag:s13] =	ssyncset.done $0x0  }
0x1b6: {  	[sflag:s13] =	ssyncadd.s32 $0xFFFFFA00  }
0x1b7: {  	_ =	swait.ge [sflag:s13], $0x600  }
0x1b8: {  	[sflag:s13] =	ssyncset.done $0x0  }
0x1b9: {  	[sflag:s13] =	ssyncadd.s32 $0xFFFFFA00  }
0x1ba: {  	_ =	swait.ge [sflag:s13], $0x600  }
0x1bb: {  	[sflag:s13] =	ssyncset.done $0x0  }
0x1bc: {  	[sflag:s13] =	ssyncadd.s32 $0xFFFFFA00  }
0x1bd: {  	_ =	swait.ge [sflag:s13], $0x600  }
0x1be: {  	[sflag:s13] =	ssyncset.done $0x0  }
0x1bf: {  	[sflag:s13] =	ssyncadd.s32 $0xFFFFFA00  }
0x1c0: {  	_ =	swait.ge [sflag:s13], $0x600  }
0x1c1: {  	[sflag:s13] =	ssyncset.done $0x0  }
0x1c2: {  	[sflag:s13] =	ssyncadd.s32 $0xFFFFFA00  }
0x1c3: {  	_ =	swait.ge [sflag:s13], $0x600  }
0x1c4: {  	[sflag:s13] =	ssyncset.done $0x0  }
0x1c5: {  	[sflag:s13] =	ssyncadd.s32 $0xFFFFFA00  }
0x1c6: {  	_ =	swait.ge [sflag:s13], $0x600  }
0x1c7: {  	[sflag:s13] =	ssyncset.done $0x0  }
0x1c8: {  	[sflag:s13] =	ssyncadd.s32 $0xFFFFFA00  }
0x1c9: {  	_ =	swait.ge [sflag:s13], $0x600  }
0x1ca: {  	[sflag:s13] =	ssyncset.done $0x0  }
0x1cb: {  	[sflag:s13] =	ssyncadd.s32 $0xFFFFFA00  }
0x1cc: {  	_ =	swait.ge [sflag:s13], $0x600  }
0x1cd: {  	[sflag:s13] =	ssyncset.done $0x0  }
0x1ce: {  	[sflag:s13] =	ssyncadd.s32 $0xFFFFFA00  }
0x1cf: {  	_ =	swait.ge [sflag:s13], $0x600  }
0x1d0: {  	[sflag:s13] =	ssyncset.done $0x0  }
0x1d1: {  	[sflag:s13] =	ssyncadd.s32 $0xFFFFFA00  }
0x1d2: {  	_ =	swait.ge [sflag:s13], $0x600  }
0x1d3: {  	[sflag:s13] =	ssyncset.done $0x0  }
0x1d4: {  	[sflag:s13] =	ssyncadd.s32 $0xFFFFFA00  }
0x1d5: {  	_ =	swait.ge [sflag:s13], $0x600  }
0x1d6: {  	[sflag:s13] =	ssyncset.done $0x0  }
0x1d7: {  	[sflag:s13] =	ssyncadd.s32 $0xFFFFFA00  }
0x1d8: {  	_ =	swait.ge [sflag:s13], $0x600  }
0x1d9: {  	[sflag:s13] =	ssyncset.done $0x0  }
0x1da: {  	[sflag:s13] =	ssyncadd.s32 $0xFFFFFA00  }
0x1db: {  	_ =	swait.ge [sflag:s13], $0x600  }
0x1dc: {  	[sflag:s13] =	ssyncset.done $0x0  }
0x1dd: {  	[sflag:s13] =	ssyncadd.s32 $0xFFFFFA00  }
0x1de: {  	_ =	swait.ge [sflag:s13], $0x600  }
0x1df: {  	[sflag:s13] =	ssyncset.done $0x0  }
0x1e0: {  	[sflag:s13] =	ssyncadd.s32 $0xFFFFFA00  }
0x1e1: {  	_ =	swait.ge [sflag:s13], $0x600  }
0x1e2: {  	[sflag:s13] =	ssyncset.done $0x0  }
0x1e3: {  	[sflag:s13] =	ssyncadd.s32 $0xFFFFFA00  }
0x1e4: {  	_ =	swait.ge [sflag:s13], $0x600  }
0x1e5: {  	[sflag:s13] =	ssyncset.done $0x0  }
0x1e6: {  	[sflag:s13] =	ssyncadd.s32 $0xFFFFFA00  }
0x1e7: {  	_ =	swait.ge [sflag:s13], $0x600  }
0x1e8: {  	[sflag:s13] =	ssyncset.done $0x0  }
0x1e9: {  	[sflag:s13] =	ssyncadd.s32 $0xFFFFFA00  }
0x1ea: {  	_ =	swait.ge [sflag:s13], $0x600  }
0x1eb: {  	[sflag:s13] =	ssyncset.done $0x0  }
0x1ec: {  	[sflag:s13] =	ssyncadd.s32 $0xFFFFFA00  }
0x1ed: {  	_ =	swait.ge [sflag:s13], $0x600  }
0x1ee: {  	[sflag:s13] =	ssyncset.done $0x0  }
0x1ef: {  	[sflag:s13] =	ssyncadd.s32 $0xFFFFFA00  }
0x1f0: {  	_ =	swait.ge [sflag:s13], $0x600  }
0x1f1: {  	[sflag:s13] =	ssyncset.done $0x0  }
0x1f2: {  	[sflag:s13] =	ssyncadd.s32 $0xFFFFFA00  }
0x1f3: {  	_ =	swait.ge [sflag:s13], $0x600  }
0x1f4: {  	[sflag:s13] =	ssyncset.done $0x0  }
0x1f5: {  	[sflag:s13] =	ssyncadd.s32 $0xFFFFFA00  }
0x1f6: {  	s17 =	simm.s32 $0x0;
	s16 =	simm.s32 $0x10;
	v3 =	vld [tilespmem:s15+$0x0]  }
.LBB2_7:
0x1f7: {  	p0 =	sne.s32 s16, $0x5F0;
	_ =	sdelay $0x3  }
0x1f8: {  	v3 =	vmul.u32 $0x600, v3;
	_ =	sdelay $0x1  }
0x1f9: {  	v3 =	vadd.s32 s15, v3;
	s15 =	smov.u32 s16  }
0x1fa: {  	v3 =	vor.u32 v1, v3;
	_ =	sdelay $0x1  }
.Ltmp2:
0x1fb: {  	(pc) =	sbr.rel @p0 .LBB2_7-.Ltmp2, $3  }
0x1fc: {  	_ =	sdelay $0x1  }
0x1fd: {  	s17 =	sadd.s32 $0x10, s17;
	[tilespmem:v3+s12+$0x0] =	vst.idx.msk $0xffff, v0  }
0x1fe: {  	s16 =	sadd.s32 $0x10, s16;
	v3 =	vld [tilespmem:s17+$0x0]  }
0x1ff: {  	_ =	sdelay $0x3  }
0x200: {  	v3 =	vmul.u32 $0x600, v3;
	_ =	sdelay $0x1  }
0x201: {  	s14 =	sadd.s32 $0x1, s14;
	v3 =	vadd.s32 s15, v3  }
0x202: {  	p0 =	sne.s32 s14, $0xC;
	v3 =	vor.u32 v1, v3  }
.Ltmp3:
0x203: {  	_ = 	snop;
	(pc) =	sbr.rel @p0 .LBB2_4-.Ltmp3, $2  }
0x204: {  	_ =	sdelay $0x2  }
0x205: {  	[tilespmem:v3+s12+$0x0] =	vst.idx.msk $0xffff, v0  }
0x206: {  	s14 =	rddreg [dreg:$0x3]  }
0x207: {  	s4 =	rddreg [dreg:$0x17];
	s14 =	sadd.s32 $0x1, s14  }
0x208: {  	p0 =	sne.s32 s14, s4  }
.Ltmp4:
0x209: {  	_ = 	snop;
	(pc) =	sbr.rel @p0 .LBB2_1-.Ltmp4, $1  }
0x20a: {  	_ =	sdelay $0x3  }
0x20b: {  	_ =	sfence.sel $0x180000  }
0x20c: {  	[bflag:$0x0] =	sbarrier.arrive $0xFFFF  }
0x20d: {  	_ =	strace $0x90000047  }
0x20e: {  	s0 =	stileid.u32;
	[bflag:$0x2] =	sbarrier.arrive $0xFFFF  }
0x20f: {  	p0 =	sne.s32 s0, $0x0;
	s0 =	rddreg [dreg:$0x2]  }
0x210: {  	s0 =	sadd.s32 @!p0 $0x100000, s0  }
0x211: {  	[sflag:s0] =	ssyncadd.tile.s32 @!p0 $0x1;
	_ =	shalt  }
.Lfunc_end2:
_tile_overlayer_lowered:
.L_overlay_start_2:
0x212: {  	(tag) =	ssettag $0x2  }
0x213: {  	s0 =	rddreg [dreg:$0x0];
	s2 =	stileid.u32  }
0x214: {  	s1 =	rddreg [dreg:$0x1];
	p0 =	sne.s32 s2, $0x0  }
0x215: {  	s3 =	rddreg [dreg:$0x2];
	[bflag:$0x3] =	sbarrier.arrive $0xFFFF;
	s2 =	simm.s32 @!p0 $0x1C02  }
0x216: {  	[timem:s3], [sflag:s2] =	dma.local @!p0 [hbm:s0], s1  }
0x217: {  	s0 =	simm.s32 @!p0 $0x2  }
0x218: {  	_ =	swait.ge @!p0 [sflag:s0], s1  }
0x219: {  	s1 =	ssub.s32 @!p0 $0x0, s1;
	[sflag:s0] =	ssyncset.done @!p0 $0x0  }
0x21a: {  	[sflag:s0] =	ssyncadd.s32 @!p0 s1  }
0x21b: {  	[bflag:$0x3] =	sbarrier.arrive $0xFFFF  }
0x21c: {  	_ =	shalt  }

</sc_bundles>
